<compile_context>
chip_gen: v7x
topology: tpu7x:2x2x1
jax: 0.10.2.dev20260603
libtpu: 0.0.44.dev20260713+nightly
codegen_flags: <defaults>
</compile_context>

<pallas_src>
import functools

import jax
import jax.numpy as jnp
from jax import lax
from jax.experimental import pallas as pl
from jax.experimental.pallas import tpu as pltpu
from jax.experimental.pallas import tpu_sc as plsc

N = 10000
D = 128
E = 320000
NC = 2
NS = 16
NW = NC * NS
NP = 10240
EP = 327680
EPW = EP // NW
CH = 128
GW = EPW // CH
RT = NP // NS

_f32 = jnp.float32


@functools.cache
def _sc_kernels():
    mesh = plsc.VectorSubcoreMesh(
        core_axis_name="c", subcore_axis_name="s",
        num_cores=NC, num_subcores=NS)

    TOTCH = EP // CH

    @functools.partial(
        pl.kernel,
        mesh=mesh,
        out_type=jax.ShapeDtypeStruct((NC * NP,), _f32),
        scratch_types=[
            pltpu.VMEM((2, CH), jnp.int32),
            pltpu.VMEM((2, CH), jnp.int32),
            pltpu.VMEM((CH,), _f32),
            pltpu.VMEM((RT,), _f32),
            pltpu.SemaphoreType.DMA,
            pltpu.SemaphoreType.DMA,
            pltpu.VMEM_SHARED((NP,), _f32),
        ],
    )
    def deg_call(ed_hbm, deg_hbm, ev0, ev1, onesv, tmpv, isem0, isem1,
                 hist_sh):
        ci = lax.axis_index("c")
        si = lax.axis_index("s")
        wid = ci * NS + si
        evs = (ev0, ev1)
        isems = (isem0, isem1)
        for i in range(CH // 16):
            onesv[pl.ds(16 * i, 16)] = jnp.full((16,), 1.0, _f32)
        for i in range(RT // 16):
            tmpv[pl.ds(16 * i, 16)] = jnp.zeros((16,), _f32)
        pltpu.sync_copy(tmpv, hist_sh.at[pl.ds(si * RT, RT)])
        plsc.subcore_barrier()
        cbase = wid * GW
        pltpu.async_copy(ed_hbm.at[cbase], ev0, isem0)

        def pair(gout, carry):
            for b in range(2):
                g = gout * 2 + b
                ev, isem = evs[b], isems[b]
                nev, nisem = evs[1 - b], isems[1 - b]
                pltpu.make_async_copy(ed_hbm.at[cbase], ev, isem).wait()

                @pl.when(g + 1 < GW)
                def _():
                    pltpu.async_copy(ed_hbm.at[cbase + g + 1], nev, nisem)

                pltpu.sync_copy(onesv, hist_sh.at[ev.at[1]], add=True)
            return carry

        lax.fori_loop(0, GW // 2, pair, 0)
        plsc.subcore_barrier()
        pltpu.sync_copy(hist_sh.at[pl.ds(si * RT, RT)], tmpv)
        pltpu.sync_copy(tmpv, deg_hbm.at[pl.ds(ci * NP + si * RT, RT)])

    @functools.partial(
        pl.kernel,
        mesh=mesh,
        out_type=jax.ShapeDtypeStruct((NC * NP, D), _f32),
        scratch_types=[
            pltpu.VMEM((2, CH), jnp.int32),
            pltpu.VMEM((2, CH), jnp.int32),
            pltpu.VMEM((CH, D), _f32),
            pltpu.VMEM((CH, D), _f32),
            pltpu.SemaphoreType.DMA,
            pltpu.SemaphoreType.DMA,
            pltpu.VMEM_SHARED((NP, D), _f32),
        ],
    )
    def rows_call(y_hbm, ed_hbm, acc_hbm, ev0, ev1, rw0, rw1,
                  gs0, gs1, acc_sh):
        ci = lax.axis_index("c")
        si = lax.axis_index("s")
        wid = ci * NS + si
        evs = (ev0, ev1)
        rowss = (rw0, rw1)
        gsems = (gs0, gs1)
        rows0 = rw0

        def zrow(r, carry):
            for c in range(D // 16):
                rows0[r, pl.ds(16 * c, 16)] = jnp.zeros((16,), _f32)
            return carry

        lax.fori_loop(0, CH, zrow, 0)
        for k in range(RT // CH):
            pltpu.sync_copy(rows0, acc_sh.at[pl.ds(si * RT + k * CH, CH)])
        plsc.subcore_barrier()
        cbase = wid * GW
        pltpu.sync_copy(ed_hbm.at[cbase], ev0)
        pltpu.async_copy(y_hbm.at[ev0.at[0]], rw0, gs0)

        def pair(gout, carry):
            for b in range(2):
                g = gout * 2 + b
                ev, rows, gsem = evs[b], rowss[b], gsems[b]
                nev, nrows, ngsem = evs[1 - b], rowss[1 - b], gsems[1 - b]

                @pl.when(g + 1 < GW)
                def _():
                    pltpu.sync_copy(ed_hbm.at[cbase + g + 1], nev)

                pltpu.make_async_copy(y_hbm.at[ev.at[0]], rows, gsem).wait()

                @pl.when(g + 1 < GW)
                def _():
                    pltpu.async_copy(y_hbm.at[nev.at[0]], nrows, ngsem)

                pltpu.sync_copy(rows, acc_sh.at[ev.at[1]], add=True)
            return carry

        lax.fori_loop(0, GW // 2, pair, 0)
        plsc.subcore_barrier()
        for k in range(RT // CH):
            pltpu.sync_copy(acc_sh.at[pl.ds(si * RT + k * CH, CH)], rows0)
            pltpu.sync_copy(
                rows0, acc_hbm.at[pl.ds(ci * NP + si * RT + k * CH, CH)])

    @functools.partial(
        pl.kernel,
        mesh=mesh,
        out_type=jax.ShapeDtypeStruct((NC * NP,), _f32),
        scratch_types=[
            pltpu.VMEM((2, CH), jnp.int32),
            pltpu.VMEM((2, CH), jnp.int32),
            pltpu.VMEM((2, CH), jnp.int32),
            pltpu.VMEM((2, CH), jnp.int32),
            pltpu.VMEM((CH,), _f32),
            pltpu.VMEM((CH,), _f32),
            pltpu.VMEM((CH,), _f32),
            pltpu.VMEM((CH,), _f32),
            pltpu.SemaphoreType.DMA,
            pltpu.SemaphoreType.DMA,
            pltpu.SemaphoreType.DMA,
            pltpu.SemaphoreType.DMA,
            pltpu.VMEM((RT,), _f32),
            pltpu.VMEM_SHARED((NP,), _f32),
        ],
    )
    def scal_call(vy_hbm, ed_hbm, s_hbm, ev0, ev1, ev2, ev3,
                  vl0, vl1, vl2, vl3, gs0, gs1, gs2, gs3, tmpv, s_sh):
        ci = lax.axis_index("c")
        si = lax.axis_index("s")
        wid = ci * NS + si
        evs = (ev0, ev1, ev2, ev3)
        vals = (vl0, vl1, vl2, vl3)
        gsems = (gs0, gs1, gs2, gs3)
        for i in range(RT // 16):
            tmpv[pl.ds(16 * i, 16)] = jnp.zeros((16,), _f32)
        pltpu.sync_copy(tmpv, s_sh.at[pl.ds(si * RT, RT)])
        plsc.subcore_barrier()
        cbase = wid * GW
        for p in range(2):
            pltpu.sync_copy(ed_hbm.at[cbase + p], evs[p])
            pltpu.async_copy(vy_hbm.at[evs[p].at[0]], vals[p], gsems[p])

        def quad(gout, carry):
            for b in range(4):
                g = gout * 4 + b
                ev, val, gsem = evs[b], vals[b], gsems[b]
                b2 = (b + 2) % 4
                nev, nval, ngsem = evs[b2], vals[b2], gsems[b2]

                @pl.when(g + 2 < GW)
                def _():
                    pltpu.sync_copy(ed_hbm.at[cbase + g + 2], nev)
                    pltpu.async_copy(vy_hbm.at[nev.at[0]], nval, ngsem)

                pltpu.make_async_copy(vy_hbm.at[ev.at[0]], val, gsem).wait()
                pltpu.sync_copy(val, s_sh.at[ev.at[1]], add=True)
            return carry

        lax.fori_loop(0, GW // 4, quad, 0)
        plsc.subcore_barrier()
        pltpu.sync_copy(s_sh.at[pl.ds(si * RT, RT)], tmpv)
        pltpu.sync_copy(tmpv, s_hbm.at[pl.ds(ci * NP + si * RT, RT)])

    return deg_call, rows_call, scal_call


BR = 1000


def _prep_body(deg_ref, x_ref, w_ref, y_ref, dinv_ref):
    d = deg_ref[...]
    dt = jnp.sum(d, axis=1) + 1.0
    di = 1.0 / jnp.sqrt(dt)
    xw = jnp.dot(x_ref[...].astype(jnp.bfloat16),
                 w_ref[...].astype(jnp.bfloat16),
                 preferred_element_type=_f32)
    y_ref[...] = xw * di[:, None]
    dinv_ref[...] = di[:, None]


def _mid_body(acc_ref, y_ref, dinv_ref, b1_ref, w2_ref, wfc_ref, vy_ref):
    a = acc_ref[0] + acc_ref[1] + y_ref[...]
    di = dinv_ref[...]
    h1 = jnp.maximum(a * di + b1_ref[...][None, :], 0.0)
    hw = jnp.dot(h1.astype(jnp.bfloat16),
                 w2_ref[...].astype(jnp.bfloat16),
                 preferred_element_type=_f32)
    v = jnp.dot(hw.astype(jnp.bfloat16),
                wfc_ref[...].astype(jnp.bfloat16),
                preferred_element_type=_f32)
    vy_ref[...] = v * di


def _final_body(s_ref, vy_ref, dinv_ref, b2_ref, wfc_ref, bfc_ref, out_ref):
    st = jnp.sum(s_ref[...], axis=1, keepdims=True)
    c = jnp.dot(b2_ref[...][None, :], wfc_ref[...],
                preferred_element_type=_f32) + bfc_ref[...]
    out_ref[...] = dinv_ref[...] * (st + vy_ref[...]) + c


def _prep_call(deg2, x, W1):
    return pl.pallas_call(
        _prep_body,
        grid=(N // BR,),
        in_specs=[
            pl.BlockSpec((BR, 2), lambda i: (i, 0)),
            pl.BlockSpec((BR, D), lambda i: (i, 0)),
            pl.BlockSpec((D, D), lambda i: (0, 0)),
        ],
        out_specs=[
            pl.BlockSpec((BR, D), lambda i: (i, 0)),
            pl.BlockSpec((BR, 1), lambda i: (i, 0)),
        ],
        out_shape=[
            jax.ShapeDtypeStruct((N, D), _f32),
            jax.ShapeDtypeStruct((N, 1), _f32),
        ],
    )(deg2, x, W1)


def _mid_call(acc, y, dinv, b1, W2, Wfc):
    return pl.pallas_call(
        _mid_body,
        grid=(N // BR,),
        in_specs=[
            pl.BlockSpec((2, BR, D), lambda i: (0, i, 0)),
            pl.BlockSpec((BR, D), lambda i: (i, 0)),
            pl.BlockSpec((BR, 1), lambda i: (i, 0)),
            pl.BlockSpec((D,), lambda i: (0,)),
            pl.BlockSpec((D, D), lambda i: (0, 0)),
            pl.BlockSpec((D, 1), lambda i: (0, 0)),
        ],
        out_specs=pl.BlockSpec((BR, 1), lambda i: (i, 0)),
        out_shape=jax.ShapeDtypeStruct((N, 1), _f32),
    )(acc, y, dinv, b1, W2, Wfc)


def _final_call(s2, vy, dinv, b2, Wfc, bfc11):
    return pl.pallas_call(
        _final_body,
        grid=(N // BR,),
        in_specs=[
            pl.BlockSpec((BR, 2), lambda i: (i, 0)),
            pl.BlockSpec((BR, 1), lambda i: (i, 0)),
            pl.BlockSpec((BR, 1), lambda i: (i, 0)),
            pl.BlockSpec((D,), lambda i: (0,)),
            pl.BlockSpec((D, 1), lambda i: (0, 0)),
            pl.BlockSpec((1, 1), lambda i: (0, 0)),
        ],
        out_specs=pl.BlockSpec((BR, 1), lambda i: (i, 0)),
        out_shape=jax.ShapeDtypeStruct((N, 1), _f32),
    )(s2, vy, dinv, b2, Wfc, bfc11)


def kernel(x, edge_index, edge_attr, W1, b1, W2, b2, Wfc, bfc):
    deg_call, rows_call, scal_call = _sc_kernels()
    src = edge_index[0].astype(jnp.int32)
    dst = edge_index[1].astype(jnp.int32)
    pad = EP - E
    src_p = jnp.concatenate(
        [src, jnp.arange(pad, dtype=jnp.int32) % N])
    dst_p = jnp.concatenate(
        [dst, N + (jnp.arange(pad, dtype=jnp.int32) % (NP - N))])
    ed_p = jnp.stack(
        [src_p.reshape(EP // CH, CH), dst_p.reshape(EP // CH, CH)], axis=1)

    deg2 = deg_call(ed_p).reshape(NC, NP)[:, :N].T
    y, dinv = _prep_call(deg2, x, W1)
    acc = rows_call(y, ed_p).reshape(NC, NP, D)[:, :N]
    vy = _mid_call(acc, y, dinv, b1, W2, Wfc)
    s2 = scal_call(vy.reshape(N), ed_p).reshape(NC, NP)[:, :N].T
    return _final_call(s2, vy, dinv, b2, Wfc, bfc.reshape(1, 1))

# --- scband reference (transcript-rebuilt; emitter-appended) ---
"""Pipeline reference for scband-gcnevolution-model-83751862272247 (READ-ONLY COPY).

The authoritative reference and input builder live on the scoring server;
editing this copy changes nothing except your own understanding.
"""

import jax, jax.numpy as jnp
import numpy as np

N_NODES = 10000
N_EDGES = 320000
D_IN = 128
D_HID = 128
D_OUT = 128


def gcn_conv(x, edge_index, W, b, num_nodes):
    # PyG GCNConv semantics: add self-loops, symmetric normalization, scatter-add aggregation
    src = edge_index[0]
    dst = edge_index[1]
    loop = jnp.arange(num_nodes, dtype=src.dtype)
    src = jnp.concatenate([src, loop])
    dst = jnp.concatenate([dst, loop])
    xw = x @ W
    deg = jnp.zeros((num_nodes,), dtype=x.dtype).at[dst].add(1.0)
    dinv = jnp.where(deg > 0, 1.0 / jnp.sqrt(deg), 0.0)
    norm = dinv[src] * dinv[dst]
    msg = xw[src] * norm[:, None]
    out = jnp.zeros((num_nodes, W.shape[1]), dtype=x.dtype).at[dst].add(msg)
    return out + b


def setup_inputs(seed: int = 0) -> dict:
    key = jax.random.key(seed)
    k1, k2, k3, k4, k5 = jax.random.split(key, 5)
    x = jax.random.normal(k1, (N_NODES, D_IN), dtype=jnp.float32)
    edge_index = jax.random.randint(k2, (2, N_EDGES), 0, N_NODES, dtype=jnp.int64)
    edge_attr = jax.random.uniform(k3, (N_EDGES,), dtype=jnp.float32)
    # parameters (glorot-ish init)
    kw = jax.random.split(k4, 3)
    W1 = jax.random.normal(kw[0], (D_IN, D_HID), dtype=jnp.float32) * (1.0 / np.sqrt(D_IN))
    W2 = jax.random.normal(kw[1], (D_HID, D_OUT), dtype=jnp.float32) * (1.0 / np.sqrt(D_HID))
    Wfc = jax.random.normal(kw[2], (D_OUT, 1), dtype=jnp.float32) * (1.0 / np.sqrt(D_OUT))
    b1 = jnp.zeros((D_HID,), dtype=jnp.float32)
    b2 = jnp.zeros((D_OUT,), dtype=jnp.float32)
    bfc = jnp.zeros((1,), dtype=jnp.float32)
    return {"x": x, "edge_index": edge_index, "edge_attr": edge_attr,
            "W1": W1, "b1": b1, "W2": W2, "b2": b2, "Wfc": Wfc, "bfc": bfc}


def reference(x, edge_index, edge_attr, W1, b1, W2, b2, Wfc, bfc):
    # eval mode: dropout(p=0.6) is identity; edge_attr is unpacked but unused by the convs
    h = gcn_conv(x, edge_index, W1, b1, N_NODES)
    h = jax.nn.relu(h)
    h = gcn_conv(h, edge_index, W2, b2, N_NODES)
    out = h @ Wfc + bfc
    return out

if __name__ == "__main__":
    import jax
    _d = setup_inputs()
    print(jax.jit(kernel)(*tuple(_d.values())))

</pallas_src>

<mosaic_0001>
#map = affine_map<(d0, d1) -> (0, 0, 0)>
#map1 = affine_map<(d0, d1) -> (0)>
module attributes {stable_mosaic.version = 14 : i64} {
  func.func @deg_call(%arg0: i32, %arg1: i32, %arg2: memref<2560x2x128xi32, #tpu.memory_space<hbm>>, %arg3: memref<20480xf32, #tpu.memory_space<hbm>>, %arg4: memref<2x128xi32, #tpu.memory_space<vmem>>, %arg5: memref<2x128xi32, #tpu.memory_space<vmem>>, %arg6: memref<128xf32, #tpu.memory_space<vmem>>, %arg7: memref<640xf32, #tpu.memory_space<vmem>>, %arg8: memref<!tpu.dma_semaphore, #tpu.memory_space<semaphore_mem>>, %arg9: memref<!tpu.dma_semaphore, #tpu.memory_space<semaphore_mem>>, %arg10: memref<10240xf32, #tpu.memory_space<vmem_shared>>) attributes {dimension_semantics = [#tpu.dimension_semantics<core_parallel>, #tpu.dimension_semantics<subcore_parallel>], iteration_bounds = array<i64: 2, 16>, scalar_prefetch = 0 : i64, scratch_operands = 7 : i64, tpu.core_type = #tpu.core_type<sc_vector_subcore>, window_params = [{transform_indices = #map}, {transform_indices = #map1}]} {
    %mul3A = arith.constant 16 : i32
    %mul3A_0 = arith.muli %arg0, %mul3A : i32
    %add3A = arith.addi %mul3A_0, %arg1 : i32
    %broadcast_in_dim3A = arith.constant 1.000000e+00 : f32
    %broadcast_in_dim3A_1 = vector.broadcast %broadcast_in_dim3A : f32 to vector<16xf32>
    %swap3A = arith.constant 0 : index
    %swap3A_2 = tpu.vector_load %arg6[%swap3A] {strides = array<i32>} : memref<128xf32, #tpu.memory_space<vmem>>, vector<16xf32>,
    %swap3A_3 = vector.shape_cast %swap3A_2 : vector<16xf32> to vector<16xf32>
    %swap3A_4 = vector.shape_cast %broadcast_in_dim3A_1 : vector<16xf32> to vector<16xf32>
    tpu.vector_store %arg6[%swap3A], %swap3A_4 {strides = array<i32>} : memref<128xf32, #tpu.memory_space<vmem>>, vector<16xf32>,
    %broadcast_in_dim3A_5 = arith.constant 1.000000e+00 : f32
    %broadcast_in_dim3A_6 = vector.broadcast %broadcast_in_dim3A_5 : f32 to vector<16xf32>
    %swap3A_7 = arith.constant 16 : index
    %swap3A_8 = tpu.vector_load %arg6[%swap3A_7] {strides = array<i32>} : memref<128xf32, #tpu.memory_space<vmem>>, vector<16xf32>,
    %swap3A_9 = vector.shape_cast %swap3A_8 : vector<16xf32> to vector<16xf32>
    %swap3A_10 = vector.shape_cast %broadcast_in_dim3A_6 : vector<16xf32> to vector<16xf32>
    tpu.vector_store %arg6[%swap3A_7], %swap3A_10 {strides = array<i32>} : memref<128xf32, #tpu.memory_space<vmem>>, vector<16xf32>,
    %broadcast_in_dim3A_11 = arith.constant 1.000000e+00 : f32
    %broadcast_in_dim3A_12 = vector.broadcast %broadcast_in_dim3A_11 : f32 to vector<16xf32>
    %swap3A_13 = arith.constant 32 : index
    %swap3A_14 = tpu.vector_load %arg6[%swap3A_13] {strides = array<i32>} : memref<128xf32, #tpu.memory_space<vmem>>, vector<16xf32>,
    %swap3A_15 = vector.shape_cast %swap3A_14 : vector<16xf32> to vector<16xf32>
    %swap3A_16 = vector.shape_cast %broadcast_in_dim3A_12 : vector<16xf32> to vector<16xf32>
    tpu.vector_store %arg6[%swap3A_13], %swap3A_16 {strides = array<i32>} : memref<128xf32, #tpu.memory_space<vmem>>, vector<16xf32>,
    %broadcast_in_dim3A_17 = arith.constant 1.000000e+00 : f32
    %broadcast_in_dim3A_18 = vector.broadcast %broadcast_in_dim3A_17 : f32 to vector<16xf32>
    %swap3A_19 = arith.constant 48 : index
    %swap3A_20 = tpu.vector_load %arg6[%swap3A_19] {strides = array<i32>} : memref<128xf32, #tpu.memory_space<vmem>>, vector<16xf32>,
    %swap3A_21 = vector.shape_cast %swap3A_20 : vector<16xf32> to vector<16xf32>
    %swap3A_22 = vector.shape_cast %broadcast_in_dim3A_18 : vector<16xf32> to vector<16xf32>
    tpu.vector_store %arg6[%swap3A_19], %swap3A_22 {strides = array<i32>} : memref<128xf32, #tpu.memory_space<vmem>>, vector<16xf32>,
    %broadcast_in_dim3A_23 = arith.constant 1.000000e+00 : f32
    %broadcast_in_dim3A_24 = vector.broadcast %broadcast_in_dim3A_23 : f32 to vector<16xf32>
    %swap3A_25 = arith.constant 64 : index
    %swap3A_26 = tpu.vector_load %arg6[%swap3A_25] {strides = array<i32>} : memref<128xf32, #tpu.memory_space<vmem>>, vector<16xf32>,
    %swap3A_27 = vector.shape_cast %swap3A_26 : vector<16xf32> to vector<16xf32>
    %swap3A_28 = vector.shape_cast %broadcast_in_dim3A_24 : vector<16xf32> to vector<16xf32>
    tpu.vector_store %arg6[%swap3A_25], %swap3A_28 {strides = array<i32>} : memref<128xf32, #tpu.memory_space<vmem>>, vector<16xf32>,
    %broadcast_in_dim3A_29 = arith.constant 1.000000e+00 : f32
    %broadcast_in_dim3A_30 = vector.broadcast %broadcast_in_dim3A_29 : f32 to vector<16xf32>
    %swap3A_31 = arith.constant 80 : index
    %swap3A_32 = tpu.vector_load %arg6[%swap3A_31] {strides = array<i32>} : memref<128xf32, #tpu.memory_space<vmem>>, vector<16xf32>,
    %swap3A_33 = vector.shape_cast %swap3A_32 : vector<16xf32> to vector<16xf32>
    %swap3A_34 = vector.shape_cast %broadcast_in_dim3A_30 : vector<16xf32> to vector<16xf32>
    tpu.vector_store %arg6[%swap3A_31], %swap3A_34 {strides = array<i32>} : memref<128xf32, #tpu.memory_space<vmem>>, vector<16xf32>,
    %broadcast_in_dim3A_35 = arith.constant 1.000000e+00 : f32
    %broadcast_in_dim3A_36 = vector.broadcast %broadcast_in_dim3A_35 : f32 to vector<16xf32>
    %swap3A_37 = arith.constant 96 : index
    %swap3A_38 = tpu.vector_load %arg6[%swap3A_37] {strides = array<i32>} : memref<128xf32, #tpu.memory_space<vmem>>, vector<16xf32>,
    %swap3A_39 = vector.shape_cast %swap3A_38 : vector<16xf32> to vector<16xf32>
    %swap3A_40 = vector.shape_cast %broadcast_in_dim3A_36 : vector<16xf32> to vector<16xf32>
    tpu.vector_store %arg6[%swap3A_37], %swap3A_40 {strides = array<i32>} : memref<128xf32, #tpu.memory_space<vmem>>, vector<16xf32>,
    %broadcast_in_dim3A_41 = arith.constant 1.000000e+00 : f32
    %broadcast_in_dim3A_42 = vector.broadcast %broadcast_in_dim3A_41 : f32 to vector<16xf32>
    %swap3A_43 = arith.constant 112 : index
    %swap3A_44 = tpu.vector_load %arg6[%swap3A_43] {strides = array<i32>} : memref<128xf32, #tpu.memory_space<vmem>>, vector<16xf32>,
    %swap3A_45 = vector.shape_cast %swap3A_44 : vector<16xf32> to vector<16xf32>
    %swap3A_46 = vector.shape_cast %broadcast_in_dim3A_42 : vector<16xf32> to vector<16xf32>
    tpu.vector_store %arg6[%swap3A_43], %swap3A_46 {strides = array<i32>} : memref<128xf32, #tpu.memory_space<vmem>>, vector<16xf32>,
    %broadcast_in_dim3A_47 = arith.constant 0.000000e+00 : f32
    %broadcast_in_dim3A_48 = vector.broadcast %broadcast_in_dim3A_47 : f32 to vector<16xf32>
    %swap3A_49 = arith.constant 0 : index
    %swap3A_50 = tpu.vector_load %arg7[%swap3A_49] {strides = array<i32>} : memref<640xf32, #tpu.memory_space<vmem>>, vector<16xf32>,
    %swap3A_51 = vector.shape_cast %swap3A_50 : vector<16xf32> to vector<16xf32>
    %swap3A_52 = vector.shape_cast %broadcast_in_dim3A_48 : vector<16xf32> to vector<16xf32>
    tpu.vector_store %arg7[%swap3A_49], %swap3A_52 {strides = array<i32>} : memref<640xf32, #tpu.memory_space<vmem>>, vector<16xf32>,
    %broadcast_in_dim3A_53 = arith.constant 0.000000e+00 : f32
    %broadcast_in_dim3A_54 = vector.broadcast %broadcast_in_dim3A_53 : f32 to vector<16xf32>
    %swap3A_55 = arith.constant 16 : index
    %swap3A_56 = tpu.vector_load %arg7[%swap3A_55] {strides = array<i32>} : memref<640xf32, #tpu.memory_space<vmem>>, vector<16xf32>,
    %swap3A_57 = vector.shape_cast %swap3A_56 : vector<16xf32> to vector<16xf32>
    %swap3A_58 = vector.shape_cast %broadcast_in_dim3A_54 : vector<16xf32> to vector<16xf32>
    tpu.vector_store %arg7[%swap3A_55], %swap3A_58 {strides = array<i32>} : memref<640xf32, #tpu.memory_space<vmem>>, vector<16xf32>,
    %broadcast_in_dim3A_59 = arith.constant 0.000000e+00 : f32
    %broadcast_in_dim3A_60 = vector.broadcast %broadcast_in_dim3A_59 : f32 to vector<16xf32>
    %swap3A_61 = arith.constant 32 : index
    %swap3A_62 = tpu.vector_load %arg7[%swap3A_61] {strides = array<i32>} : memref<640xf32, #tpu.memory_space<vmem>>, vector<16xf32>,
    %swap3A_63 = vector.shape_cast %swap3A_62 : vector<16xf32> to vector<16xf32>
    %swap3A_64 = vector.shape_cast %broadcast_in_dim3A_60 : vector<16xf32> to vector<16xf32>
    tpu.vector_store %arg7[%swap3A_61], %swap3A_64 {strides = array<i32>} : memref<640xf32, #tpu.memory_space<vmem>>, vector<16xf32>,
    %broadcast_in_dim3A_65 = arith.constant 0.000000e+00 : f32
    %broadcast_in_dim3A_66 = vector.broadcast %broadcast_in_dim3A_65 : f32 to vector<16xf32>
    %swap3A_67 = arith.constant 48 : index
    %swap3A_68 = tpu.vector_load %arg7[%swap3A_67] {strides = array<i32>} : memref<640xf32, #tpu.memory_space<vmem>>, vector<16xf32>,
    %swap3A_69 = vector.shape_cast %swap3A_68 : vector<16xf32> to vector<16xf32>
    %swap3A_70 = vector.shape_cast %broadcast_in_dim3A_66 : vector<16xf32> to vector<16xf32>
    tpu.vector_store %arg7[%swap3A_67], %swap3A_70 {strides = array<i32>} : memref<640xf32, #tpu.memory_space<vmem>>, vector<16xf32>,
    %broadcast_in_dim3A_71 = arith.constant 0.000000e+00 : f32
    %broadcast_in_dim3A_72 = vector.broadcast %broadcast_in_dim3A_71 : f32 to vector<16xf32>
    %swap3A_73 = arith.constant 64 : index
    %swap3A_74 = tpu.vector_load %arg7[%swap3A_73] {strides = array<i32>} : memref<640xf32, #tpu.memory_space<vmem>>, vector<16xf32>,
    %swap3A_75 = vector.shape_cast %swap3A_74 : vector<16xf32> to vector<16xf32>
    %swap3A_76 = vector.shape_cast %broadcast_in_dim3A_72 : vector<16xf32> to vector<16xf32>
    tpu.vector_store %arg7[%swap3A_73], %swap3A_76 {strides = array<i32>} : memref<640xf32, #tpu.memory_space<vmem>>, vector<16xf32>,
    %broadcast_in_dim3A_77 = arith.constant 0.000000e+00 : f32
    %broadcast_in_dim3A_78 = vector.broadcast %broadcast_in_dim3A_77 : f32 to vector<16xf32>
    %swap3A_79 = arith.constant 80 : index
    %swap3A_80 = tpu.vector_load %arg7[%swap3A_79] {strides = array<i32>} : memref<640xf32, #tpu.memory_space<vmem>>, vector<16xf32>,
    %swap3A_81 = vector.shape_cast %swap3A_80 : vector<16xf32> to vector<16xf32>
    %swap3A_82 = vector.shape_cast %broadcast_in_dim3A_78 : vector<16xf32> to vector<16xf32>
    tpu.vector_store %arg7[%swap3A_79], %swap3A_82 {strides = array<i32>} : memref<640xf32, #tpu.memory_space<vmem>>, vector<16xf32>,
    %broadcast_in_dim3A_83 = arith.constant 0.000000e+00 : f32
    %broadcast_in_dim3A_84 = vector.broadcast %broadcast_in_dim3A_83 : f32 to vector<16xf32>
    %swap3A_85 = arith.constant 96 : index
    %swap3A_86 = tpu.vector_load %arg7[%swap3A_85] {strides = array<i32>} : memref<640xf32, #tpu.memory_space<vmem>>, vector<16xf32>,
    %swap3A_87 = vector.shape_cast %swap3A_86 : vector<16xf32> to vector<16xf32>
    %swap3A_88 = vector.shape_cast %broadcast_in_dim3A_84 : vector<16xf32> to vector<16xf32>
    tpu.vector_store %arg7[%swap3A_85], %swap3A_88 {strides = array<i32>} : memref<640xf32, #tpu.memory_space<vmem>>, vector<16xf32>,
    %broadcast_in_dim3A_89 = arith.constant 0.000000e+00 : f32
    %broadcast_in_dim3A_90 = vector.broadcast %broadcast_in_dim3A_89 : f32 to vector<16xf32>
    %swap3A_91 = arith.constant 112 : index
    %swap3A_92 = tpu.vector_load %arg7[%swap3A_91] {strides = array<i32>} : memref<640xf32, #tpu.memory_space<vmem>>, vector<16xf32>,
    %swap3A_93 = vector.shape_cast %swap3A_92 : vector<16xf32> to vector<16xf32>
    %swap3A_94 = vector.shape_cast %broadcast_in_dim3A_90 : vector<16xf32> to vector<16xf32>
    tpu.vector_store %arg7[%swap3A_91], %swap3A_94 {strides = array<i32>} : memref<640xf32, #tpu.memory_space<vmem>>, vector<16xf32>,
    %broadcast_in_dim3A_95 = arith.constant 0.000000e+00 : f32
    %broadcast_in_dim3A_96 = vector.broadcast %broadcast_in_dim3A_95 : f32 to vector<16xf32>
    %swap3A_97 = arith.constant 128 : index
    %swap3A_98 = tpu.vector_load %arg7[%swap3A_97] {strides = array<i32>} : memref<640xf32, #tpu.memory_space<vmem>>, vector<16xf32>,
    %swap3A_99 = vector.shape_cast %swap3A_98 : vector<16xf32> to vector<16xf32>
    %swap3A_100 = vector.shape_cast %broadcast_in_dim3A_96 : vector<16xf32> to vector<16xf32>
    tpu.vector_store %arg7[%swap3A_97], %swap3A_100 {strides = array<i32>} : memref<640xf32, #tpu.memory_space<vmem>>, vector<16xf32>,
    %broadcast_in_dim3A_101 = arith.constant 0.000000e+00 : f32
    %broadcast_in_dim3A_102 = vector.broadcast %broadcast_in_dim3A_101 : f32 to vector<16xf32>
    %swap3A_103 = arith.constant 144 : index
    %swap3A_104 = tpu.vector_load %arg7[%swap3A_103] {strides = array<i32>} : memref<640xf32, #tpu.memory_space<vmem>>, vector<16xf32>,
    %swap3A_105 = vector.shape_cast %swap3A_104 : vector<16xf32> to vector<16xf32>
    %swap3A_106 = vector.shape_cast %broadcast_in_dim3A_102 : vector<16xf32> to vector<16xf32>
    tpu.vector_store %arg7[%swap3A_103], %swap3A_106 {strides = array<i32>} : memref<640xf32, #tpu.memory_space<vmem>>, vector<16xf32>,
    %broadcast_in_dim3A_107 = arith.constant 0.000000e+00 : f32
    %broadcast_in_dim3A_108 = vector.broadcast %broadcast_in_dim3A_107 : f32 to vector<16xf32>
    %swap3A_109 = arith.constant 160 : index
    %swap3A_110 = tpu.vector_load %arg7[%swap3A_109] {strides = array<i32>} : memref<640xf32, #tpu.memory_space<vmem>>, vector<16xf32>,
    %swap3A_111 = vector.shape_cast %swap3A_110 : vector<16xf32> to vector<16xf32>
    %swap3A_112 = vector.shape_cast %broadcast_in_dim3A_108 : vector<16xf32> to vector<16xf32>
    tpu.vector_store %arg7[%swap3A_109], %swap3A_112 {strides = array<i32>} : memref<640xf32, #tpu.memory_space<vmem>>, vector<16xf32>,
    %broadcast_in_dim3A_113 = arith.constant 0.000000e+00 : f32
    %broadcast_in_dim3A_114 = vector.broadcast %broadcast_in_dim3A_113 : f32 to vector<16xf32>
    %swap3A_115 = arith.constant 176 : index
    %swap3A_116 = tpu.vector_load %arg7[%swap3A_115] {strides = array<i32>} : memref<640xf32, #tpu.memory_space<vmem>>, vector<16xf32>,
    %swap3A_117 = vector.shape_cast %swap3A_116 : vector<16xf32> to vector<16xf32>
    %swap3A_118 = vector.shape_cast %broadcast_in_dim3A_114 : vector<16xf32> to vector<16xf32>
    tpu.vector_store %arg7[%swap3A_115], %swap3A_118 {strides = array<i32>} : memref<640xf32, #tpu.memory_space<vmem>>, vector<16xf32>,
    %broadcast_in_dim3A_119 = arith.constant 0.000000e+00 : f32
    %broadcast_in_dim3A_120 = vector.broadcast %broadcast_in_dim3A_119 : f32 to vector<16xf32>
    %swap3A_121 = arith.constant 192 : index
    %swap3A_122 = tpu.vector_load %arg7[%swap3A_121] {strides = array<i32>} : memref<640xf32, #tpu.memory_space<vmem>>, vector<16xf32>,
    %swap3A_123 = vector.shape_cast %swap3A_122 : vector<16xf32> to vector<16xf32>
    %swap3A_124 = vector.shape_cast %broadcast_in_dim3A_120 : vector<16xf32> to vector<16xf32>
    tpu.vector_store %arg7[%swap3A_121], %swap3A_124 {strides = array<i32>} : memref<640xf32, #tpu.memory_space<vmem>>, vector<16xf32>,
    %broadcast_in_dim3A_125 = arith.constant 0.000000e+00 : f32
    %broadcast_in_dim3A_126 = vector.broadcast %broadcast_in_dim3A_125 : f32 to vector<16xf32>
    %swap3A_127 = arith.constant 208 : index
    %swap3A_128 = tpu.vector_load %arg7[%swap3A_127] {strides = array<i32>} : memref<640xf32, #tpu.memory_space<vmem>>, vector<16xf32>,
    %swap3A_129 = vector.shape_cast %swap3A_128 : vector<16xf32> to vector<16xf32>
    %swap3A_130 = vector.shape_cast %broadcast_in_dim3A_126 : vector<16xf32> to vector<16xf32>
    tpu.vector_store %arg7[%swap3A_127], %swap3A_130 {strides = array<i32>} : memref<640xf32, #tpu.memory_space<vmem>>, vector<16xf32>,
    %broadcast_in_dim3A_131 = arith.constant 0.000000e+00 : f32
    %broadcast_in_dim3A_132 = vector.broadcast %broadcast_in_dim3A_131 : f32 to vector<16xf32>
    %swap3A_133 = arith.constant 224 : index
    %swap3A_134 = tpu.vector_load %arg7[%swap3A_133] {strides = array<i32>} : memref<640xf32, #tpu.memory_space<vmem>>, vector<16xf32>,
    %swap3A_135 = vector.shape_cast %swap3A_134 : vector<16xf32> to vector<16xf32>
    %swap3A_136 = vector.shape_cast %broadcast_in_dim3A_132 : vector<16xf32> to vector<16xf32>
    tpu.vector_store %arg7[%swap3A_133], %swap3A_136 {strides = array<i32>} : memref<640xf32, #tpu.memory_space<vmem>>, vector<16xf32>,
    %broadcast_in_dim3A_137 = arith.constant 0.000000e+00 : f32
    %broadcast_in_dim3A_138 = vector.broadcast %broadcast_in_dim3A_137 : f32 to vector<16xf32>
    %swap3A_139 = arith.constant 240 : index
    %swap3A_140 = tpu.vector_load %arg7[%swap3A_139] {strides = array<i32>} : memref<640xf32, #tpu.memory_space<vmem>>, vector<16xf32>,
    %swap3A_141 = vector.shape_cast %swap3A_140 : vector<16xf32> to vector<16xf32>
    %swap3A_142 = vector.shape_cast %broadcast_in_dim3A_138 : vector<16xf32> to vector<16xf32>
    tpu.vector_store %arg7[%swap3A_139], %swap3A_142 {strides = array<i32>} : memref<640xf32, #tpu.memory_space<vmem>>, vector<16xf32>,
    %broadcast_in_dim3A_143 = arith.constant 0.000000e+00 : f32
    %broadcast_in_dim3A_144 = vector.broadcast %broadcast_in_dim3A_143 : f32 to vector<16xf32>
    %swap3A_145 = arith.constant 256 : index
    %swap3A_146 = tpu.vector_load %arg7[%swap3A_145] {strides = array<i32>} : memref<640xf32, #tpu.memory_space<vmem>>, vector<16xf32>,
    %swap3A_147 = vector.shape_cast %swap3A_146 : vector<16xf32> to vector<16xf32>
    %swap3A_148 = vector.shape_cast %broadcast_in_dim3A_144 : vector<16xf32> to vector<16xf32>
    tpu.vector_store %arg7[%swap3A_145], %swap3A_148 {strides = array<i32>} : memref<640xf32, #tpu.memory_space<vmem>>, vector<16xf32>,
    %broadcast_in_dim3A_149 = arith.constant 0.000000e+00 : f32
    %broadcast_in_dim3A_150 = vector.broadcast %broadcast_in_dim3A_149 : f32 to vector<16xf32>
    %swap3A_151 = arith.constant 272 : index
    %swap3A_152 = tpu.vector_load %arg7[%swap3A_151] {strides = array<i32>} : memref<640xf32, #tpu.memory_space<vmem>>, vector<16xf32>,
    %swap3A_153 = vector.shape_cast %swap3A_152 : vector<16xf32> to vector<16xf32>
    %swap3A_154 = vector.shape_cast %broadcast_in_dim3A_150 : vector<16xf32> to vector<16xf32>
    tpu.vector_store %arg7[%swap3A_151], %swap3A_154 {strides = array<i32>} : memref<640xf32, #tpu.memory_space<vmem>>, vector<16xf32>,
    %broadcast_in_dim3A_155 = arith.constant 0.000000e+00 : f32
    %broadcast_in_dim3A_156 = vector.broadcast %broadcast_in_dim3A_155 : f32 to vector<16xf32>
    %swap3A_157 = arith.constant 288 : index
    %swap3A_158 = tpu.vector_load %arg7[%swap3A_157] {strides = array<i32>} : memref<640xf32, #tpu.memory_space<vmem>>, vector<16xf32>,
    %swap3A_159 = vector.shape_cast %swap3A_158 : vector<16xf32> to vector<16xf32>
    %swap3A_160 = vector.shape_cast %broadcast_in_dim3A_156 : vector<16xf32> to vector<16xf32>
    tpu.vector_store %arg7[%swap3A_157], %swap3A_160 {strides = array<i32>} : memref<640xf32, #tpu.memory_space<vmem>>, vector<16xf32>,
    %broadcast_in_dim3A_161 = arith.constant 0.000000e+00 : f32
    %broadcast_in_dim3A_162 = vector.broadcast %broadcast_in_dim3A_161 : f32 to vector<16xf32>
    %swap3A_163 = arith.constant 304 : index
    %swap3A_164 = tpu.vector_load %arg7[%swap3A_163] {strides = array<i32>} : memref<640xf32, #tpu.memory_space<vmem>>, vector<16xf32>,
    %swap3A_165 = vector.shape_cast %swap3A_164 : vector<16xf32> to vector<16xf32>
    %swap3A_166 = vector.shape_cast %broadcast_in_dim3A_162 : vector<16xf32> to vector<16xf32>
    tpu.vector_store %arg7[%swap3A_163], %swap3A_166 {strides = array<i32>} : memref<640xf32, #tpu.memory_space<vmem>>, vector<16xf32>,
    %broadcast_in_dim3A_167 = arith.constant 0.000000e+00 : f32
    %broadcast_in_dim3A_168 = vector.broadcast %broadcast_in_dim3A_167 : f32 to vector<16xf32>
    %swap3A_169 = arith.constant 320 : index
    %swap3A_170 = tpu.vector_load %arg7[%swap3A_169] {strides = array<i32>} : memref<640xf32, #tpu.memory_space<vmem>>, vector<16xf32>,
    %swap3A_171 = vector.shape_cast %swap3A_170 : vector<16xf32> to vector<16xf32>
    %swap3A_172 = vector.shape_cast %broadcast_in_dim3A_168 : vector<16xf32> to vector<16xf32>
    tpu.vector_store %arg7[%swap3A_169], %swap3A_172 {strides = array<i32>} : memref<640xf32, #tpu.memory_space<vmem>>, vector<16xf32>,
    %broadcast_in_dim3A_173 = arith.constant 0.000000e+00 : f32
    %broadcast_in_dim3A_174 = vector.broadcast %broadcast_in_dim3A_173 : f32 to vector<16xf32>
    %swap3A_175 = arith.constant 336 : index
    %swap3A_176 = tpu.vector_load %arg7[%swap3A_175] {strides = array<i32>} : memref<640xf32, #tpu.memory_space<vmem>>, vector<16xf32>,
    %swap3A_177 = vector.shape_cast %swap3A_176 : vector<16xf32> to vector<16xf32>
    %swap3A_178 = vector.shape_cast %broadcast_in_dim3A_174 : vector<16xf32> to vector<16xf32>
    tpu.vector_store %arg7[%swap3A_175], %swap3A_178 {strides = array<i32>} : memref<640xf32, #tpu.memory_space<vmem>>, vector<16xf32>,
    %broadcast_in_dim3A_179 = arith.constant 0.000000e+00 : f32
    %broadcast_in_dim3A_180 = vector.broadcast %broadcast_in_dim3A_179 : f32 to vector<16xf32>
    %swap3A_181 = arith.constant 352 : index
    %swap3A_182 = tpu.vector_load %arg7[%swap3A_181] {strides = array<i32>} : memref<640xf32, #tpu.memory_space<vmem>>, vector<16xf32>,
    %swap3A_183 = vector.shape_cast %swap3A_182 : vector<16xf32> to vector<16xf32>
    %swap3A_184 = vector.shape_cast %broadcast_in_dim3A_180 : vector<16xf32> to vector<16xf32>
    tpu.vector_store %arg7[%swap3A_181], %swap3A_184 {strides = array<i32>} : memref<640xf32, #tpu.memory_space<vmem>>, vector<16xf32>,
    %broadcast_in_dim3A_185 = arith.constant 0.000000e+00 : f32
    %broadcast_in_dim3A_186 = vector.broadcast %broadcast_in_dim3A_185 : f32 to vector<16xf32>
    %swap3A_187 = arith.constant 368 : index
    %swap3A_188 = tpu.vector_load %arg7[%swap3A_187] {strides = array<i32>} : memref<640xf32, #tpu.memory_space<vmem>>, vector<16xf32>,
    %swap3A_189 = vector.shape_cast %swap3A_188 : vector<16xf32> to vector<16xf32>
    %swap3A_190 = vector.shape_cast %broadcast_in_dim3A_186 : vector<16xf32> to vector<16xf32>
    tpu.vector_store %arg7[%swap3A_187], %swap3A_190 {strides = array<i32>} : memref<640xf32, #tpu.memory_space<vmem>>, vector<16xf32>,
    %broadcast_in_dim3A_191 = arith.constant 0.000000e+00 : f32
    %broadcast_in_dim3A_192 = vector.broadcast %broadcast_in_dim3A_191 : f32 to vector<16xf32>
    %swap3A_193 = arith.constant 384 : index
    %swap3A_194 = tpu.vector_load %arg7[%swap3A_193] {strides = array<i32>} : memref<640xf32, #tpu.memory_space<vmem>>, vector<16xf32>,
    %swap3A_195 = vector.shape_cast %swap3A_194 : vector<16xf32> to vector<16xf32>
    %swap3A_196 = vector.shape_cast %broadcast_in_dim3A_192 : vector<16xf32> to vector<16xf32>
    tpu.vector_store %arg7[%swap3A_193], %swap3A_196 {strides = array<i32>} : memref<640xf32, #tpu.memory_space<vmem>>, vector<16xf32>,
    %broadcast_in_dim3A_197 = arith.constant 0.000000e+00 : f32
    %broadcast_in_dim3A_198 = vector.broadcast %broadcast_in_dim3A_197 : f32 to vector<16xf32>
    %swap3A_199 = arith.constant 400 : index
    %swap3A_200 = tpu.vector_load %arg7[%swap3A_199] {strides = array<i32>} : memref<640xf32, #tpu.memory_space<vmem>>, vector<16xf32>,
    %swap3A_201 = vector.shape_cast %swap3A_200 : vector<16xf32> to vector<16xf32>
    %swap3A_202 = vector.shape_cast %broadcast_in_dim3A_198 : vector<16xf32> to vector<16xf32>
    tpu.vector_store %arg7[%swap3A_199], %swap3A_202 {strides = array<i32>} : memref<640xf32, #tpu.memory_space<vmem>>, vector<16xf32>,
    %broadcast_in_dim3A_203 = arith.constant 0.000000e+00 : f32
    %broadcast_in_dim3A_204 = vector.broadcast %broadcast_in_dim3A_203 : f32 to vector<16xf32>
    %swap3A_205 = arith.constant 416 : index
    %swap3A_206 = tpu.vector_load %arg7[%swap3A_205] {strides = array<i32>} : memref<640xf32, #tpu.memory_space<vmem>>, vector<16xf32>,
    %swap3A_207 = vector.shape_cast %swap3A_206 : vector<16xf32> to vector<16xf32>
    %swap3A_208 = vector.shape_cast %broadcast_in_dim3A_204 : vector<16xf32> to vector<16xf32>
    tpu.vector_store %arg7[%swap3A_205], %swap3A_208 {strides = array<i32>} : memref<640xf32, #tpu.memory_space<vmem>>, vector<16xf32>,
    %broadcast_in_dim3A_209 = arith.constant 0.000000e+00 : f32
    %broadcast_in_dim3A_210 = vector.broadcast %broadcast_in_dim3A_209 : f32 to vector<16xf32>
    %swap3A_211 = arith.constant 432 : index
    %swap3A_212 = tpu.vector_load %arg7[%swap3A_211] {strides = array<i32>} : memref<640xf32, #tpu.memory_space<vmem>>, vector<16xf32>,
    %swap3A_213 = vector.shape_cast %swap3A_212 : vector<16xf32> to vector<16xf32>
    %swap3A_214 = vector.shape_cast %broadcast_in_dim3A_210 : vector<16xf32> to vector<16xf32>
    tpu.vector_store %arg7[%swap3A_211], %swap3A_214 {strides = array<i32>} : memref<640xf32, #tpu.memory_space<vmem>>, vector<16xf32>,
    %broadcast_in_dim3A_215 = arith.constant 0.000000e+00 : f32
    %broadcast_in_dim3A_216 = vector.broadcast %broadcast_in_dim3A_215 : f32 to vector<16xf32>
    %swap3A_217 = arith.constant 448 : index
    %swap3A_218 = tpu.vector_load %arg7[%swap3A_217] {strides = array<i32>} : memref<640xf32, #tpu.memory_space<vmem>>, vector<16xf32>,
    %swap3A_219 = vector.shape_cast %swap3A_218 : vector<16xf32> to vector<16xf32>
    %swap3A_220 = vector.shape_cast %broadcast_in_dim3A_216 : vector<16xf32> to vector<16xf32>
    tpu.vector_store %arg7[%swap3A_217], %swap3A_220 {strides = array<i32>} : memref<640xf32, #tpu.memory_space<vmem>>, vector<16xf32>,
    %broadcast_in_dim3A_221 = arith.constant 0.000000e+00 : f32
    %broadcast_in_dim3A_222 = vector.broadcast %broadcast_in_dim3A_221 : f32 to vector<16xf32>
    %swap3A_223 = arith.constant 464 : index
    %swap3A_224 = tpu.vector_load %arg7[%swap3A_223] {strides = array<i32>} : memref<640xf32, #tpu.memory_space<vmem>>, vector<16xf32>,
    %swap3A_225 = vector.shape_cast %swap3A_224 : vector<16xf32> to vector<16xf32>
    %swap3A_226 = vector.shape_cast %broadcast_in_dim3A_222 : vector<16xf32> to vector<16xf32>
    tpu.vector_store %arg7[%swap3A_223], %swap3A_226 {strides = array<i32>} : memref<640xf32, #tpu.memory_space<vmem>>, vector<16xf32>,
    %broadcast_in_dim3A_227 = arith.constant 0.000000e+00 : f32
    %broadcast_in_dim3A_228 = vector.broadcast %broadcast_in_dim3A_227 : f32 to vector<16xf32>
    %swap3A_229 = arith.constant 480 : index
    %swap3A_230 = tpu.vector_load %arg7[%swap3A_229] {strides = array<i32>} : memref<640xf32, #tpu.memory_space<vmem>>, vector<16xf32>,
    %swap3A_231 = vector.shape_cast %swap3A_230 : vector<16xf32> to vector<16xf32>
    %swap3A_232 = vector.shape_cast %broadcast_in_dim3A_228 : vector<16xf32> to vector<16xf32>
    tpu.vector_store %arg7[%swap3A_229], %swap3A_232 {strides = array<i32>} : memref<640xf32, #tpu.memory_space<vmem>>, vector<16xf32>,
    %broadcast_in_dim3A_233 = arith.constant 0.000000e+00 : f32
    %broadcast_in_dim3A_234 = vector.broadcast %broadcast_in_dim3A_233 : f32 to vector<16xf32>
    %swap3A_235 = arith.constant 496 : index
    %swap3A_236 = tpu.vector_load %arg7[%swap3A_235] {strides = array<i32>} : memref<640xf32, #tpu.memory_space<vmem>>, vector<16xf32>,
    %swap3A_237 = vector.shape_cast %swap3A_236 : vector<16xf32> to vector<16xf32>
    %swap3A_238 = vector.shape_cast %broadcast_in_dim3A_234 : vector<16xf32> to vector<16xf32>
    tpu.vector_store %arg7[%swap3A_235], %swap3A_238 {strides = array<i32>} : memref<640xf32, #tpu.memory_space<vmem>>, vector<16xf32>,
    %broadcast_in_dim3A_239 = arith.constant 0.000000e+00 : f32
    %broadcast_in_dim3A_240 = vector.broadcast %broadcast_in_dim3A_239 : f32 to vector<16xf32>
    %swap3A_241 = arith.constant 512 : index
    %swap3A_242 = tpu.vector_load %arg7[%swap3A_241] {strides = array<i32>} : memref<640xf32, #tpu.memory_space<vmem>>, vector<16xf32>,
    %swap3A_243 = vector.shape_cast %swap3A_242 : vector<16xf32> to vector<16xf32>
    %swap3A_244 = vector.shape_cast %broadcast_in_dim3A_240 : vector<16xf32> to vector<16xf32>
    tpu.vector_store %arg7[%swap3A_241], %swap3A_244 {strides = array<i32>} : memref<640xf32, #tpu.memory_space<vmem>>, vector<16xf32>,
    %broadcast_in_dim3A_245 = arith.constant 0.000000e+00 : f32
    %broadcast_in_dim3A_246 = vector.broadcast %broadcast_in_dim3A_245 : f32 to vector<16xf32>
    %swap3A_247 = arith.constant 528 : index
    %swap3A_248 = tpu.vector_load %arg7[%swap3A_247] {strides = array<i32>} : memref<640xf32, #tpu.memory_space<vmem>>, vector<16xf32>,
    %swap3A_249 = vector.shape_cast %swap3A_248 : vector<16xf32> to vector<16xf32>
    %swap3A_250 = vector.shape_cast %broadcast_in_dim3A_246 : vector<16xf32> to vector<16xf32>
    tpu.vector_store %arg7[%swap3A_247], %swap3A_250 {strides = array<i32>} : memref<640xf32, #tpu.memory_space<vmem>>, vector<16xf32>,
    %broadcast_in_dim3A_251 = arith.constant 0.000000e+00 : f32
    %broadcast_in_dim3A_252 = vector.broadcast %broadcast_in_dim3A_251 : f32 to vector<16xf32>
    %swap3A_253 = arith.constant 544 : index
    %swap3A_254 = tpu.vector_load %arg7[%swap3A_253] {strides = array<i32>} : memref<640xf32, #tpu.memory_space<vmem>>, vector<16xf32>,
    %swap3A_255 = vector.shape_cast %swap3A_254 : vector<16xf32> to vector<16xf32>
    %swap3A_256 = vector.shape_cast %broadcast_in_dim3A_252 : vector<16xf32> to vector<16xf32>
    tpu.vector_store %arg7[%swap3A_253], %swap3A_256 {strides = array<i32>} : memref<640xf32, #tpu.memory_space<vmem>>, vector<16xf32>,
    %broadcast_in_dim3A_257 = arith.constant 0.000000e+00 : f32
    %broadcast_in_dim3A_258 = vector.broadcast %broadcast_in_dim3A_257 : f32 to vector<16xf32>
    %swap3A_259 = arith.constant 560 : index
    %swap3A_260 = tpu.vector_load %arg7[%swap3A_259] {strides = array<i32>} : memref<640xf32, #tpu.memory_space<vmem>>, vector<16xf32>,
    %swap3A_261 = vector.shape_cast %swap3A_260 : vector<16xf32> to vector<16xf32>
    %swap3A_262 = vector.shape_cast %broadcast_in_dim3A_258 : vector<16xf32> to vector<16xf32>
    tpu.vector_store %arg7[%swap3A_259], %swap3A_262 {strides = array<i32>} : memref<640xf32, #tpu.memory_space<vmem>>, vector<16xf32>,
    %broadcast_in_dim3A_263 = arith.constant 0.000000e+00 : f32
    %broadcast_in_dim3A_264 = vector.broadcast %broadcast_in_dim3A_263 : f32 to vector<16xf32>
    %swap3A_265 = arith.constant 576 : index
    %swap3A_266 = tpu.vector_load %arg7[%swap3A_265] {strides = array<i32>} : memref<640xf32, #tpu.memory_space<vmem>>, vector<16xf32>,
    %swap3A_267 = vector.shape_cast %swap3A_266 : vector<16xf32> to vector<16xf32>
    %swap3A_268 = vector.shape_cast %broadcast_in_dim3A_264 : vector<16xf32> to vector<16xf32>
    tpu.vector_store %arg7[%swap3A_265], %swap3A_268 {strides = array<i32>} : memref<640xf32, #tpu.memory_space<vmem>>, vector<16xf32>,
    %broadcast_in_dim3A_269 = arith.constant 0.000000e+00 : f32
    %broadcast_in_dim3A_270 = vector.broadcast %broadcast_in_dim3A_269 : f32 to vector<16xf32>
    %swap3A_271 = arith.constant 592 : index
    %swap3A_272 = tpu.vector_load %arg7[%swap3A_271] {strides = array<i32>} : memref<640xf32, #tpu.memory_space<vmem>>, vector<16xf32>,
    %swap3A_273 = vector.shape_cast %swap3A_272 : vector<16xf32> to vector<16xf32>
    %swap3A_274 = vector.shape_cast %broadcast_in_dim3A_270 : vector<16xf32> to vector<16xf32>
    tpu.vector_store %arg7[%swap3A_271], %swap3A_274 {strides = array<i32>} : memref<640xf32, #tpu.memory_space<vmem>>, vector<16xf32>,
    %broadcast_in_dim3A_275 = arith.constant 0.000000e+00 : f32
    %broadcast_in_dim3A_276 = vector.broadcast %broadcast_in_dim3A_275 : f32 to vector<16xf32>
    %swap3A_277 = arith.constant 608 : index
    %swap3A_278 = tpu.vector_load %arg7[%swap3A_277] {strides = array<i32>} : memref<640xf32, #tpu.memory_space<vmem>>, vector<16xf32>,
    %swap3A_279 = vector.shape_cast %swap3A_278 : vector<16xf32> to vector<16xf32>
    %swap3A_280 = vector.shape_cast %broadcast_in_dim3A_276 : vector<16xf32> to vector<16xf32>
    tpu.vector_store %arg7[%swap3A_277], %swap3A_280 {strides = array<i32>} : memref<640xf32, #tpu.memory_space<vmem>>, vector<16xf32>,
    %broadcast_in_dim3A_281 = arith.constant 0.000000e+00 : f32
    %broadcast_in_dim3A_282 = vector.broadcast %broadcast_in_dim3A_281 : f32 to vector<16xf32>
    %swap3A_283 = arith.constant 624 : index
    %swap3A_284 = tpu.vector_load %arg7[%swap3A_283] {strides = array<i32>} : memref<640xf32, #tpu.memory_space<vmem>>, vector<16xf32>,
    %swap3A_285 = vector.shape_cast %swap3A_284 : vector<16xf32> to vector<16xf32>
    %swap3A_286 = vector.shape_cast %broadcast_in_dim3A_282 : vector<16xf32> to vector<16xf32>
    tpu.vector_store %arg7[%swap3A_283], %swap3A_286 {strides = array<i32>} : memref<640xf32, #tpu.memory_space<vmem>>, vector<16xf32>,
    %mul3A_287 = arith.constant 640 : i32
    %mul3A_288 = arith.muli %arg1, %mul3A_287 : i32
    "tpu.region"() ({
      %run_scoped3A = tpu.sem_alloc : memref<!tpu.dma_semaphore, #tpu.memory_space<semaphore_mem>>
      %dma_start3A_311 = tpu.memref_slice %arg10[%mul3A_288] : memref<10240xf32, #tpu.memory_space<vmem_shared>> -> memref<640xf32, #tpu.memory_space<vmem_shared>>
      %dma_start3A_312 = tpu.memref_slice %arg10[%mul3A_288] : memref<10240xf32, #tpu.memory_space<vmem_shared>> -> memref<640xf32, #tpu.memory_space<vmem_shared>>
      tpu.enqueue_dma source(%arg7 : memref<640xf32, #tpu.memory_space<vmem>>) target(%dma_start3A_312 : memref<640xf32, #tpu.memory_space<vmem_shared>>) target_semaphore(%run_scoped3A : memref<!tpu.dma_semaphore, #tpu.memory_space<semaphore_mem>>)
      %dma_wait3A = tpu.memref_slice %arg10[%mul3A_288] : memref<10240xf32, #tpu.memory_space<vmem_shared>> -> memref<640xf32, #tpu.memory_space<vmem_shared>>
      %dma_wait3A_313 = tpu.memref_slice %arg10[%mul3A_288] : memref<10240xf32, #tpu.memory_space<vmem_shared>> -> memref<640xf32, #tpu.memory_space<vmem_shared>>
      tpu.wait_dma2 semaphore(%run_scoped3A : memref<!tpu.dma_semaphore, #tpu.memory_space<semaphore_mem>>) src(%arg7 : memref<640xf32, #tpu.memory_space<vmem>>) dst(%dma_wait3A_313 : memref<640xf32, #tpu.memory_space<vmem_shared>>)
      tpu.yield
    }) : () -> ()
    %barrier3A = arith.constant 0 : index
    tpu.barrier barrier_id(%barrier3A)
    %mul3A_289 = arith.constant 80 : i32
    %mul3A_290 = arith.muli %add3A, %mul3A_289 : i32
    %dma_start3A = arith.constant 0 : i32
    %dma_start3A_291 = arith.constant 0 : i32
    %dma_start3A_292 = tpu.memref_slice %arg2[%mul3A_290, %dma_start3A, %dma_start3A_291] : memref<2560x2x128xi32, #tpu.memory_space<hbm>> -> memref<1x2x128xi32, #tpu.memory_space<hbm>>
    %dma_start3A_293 = tpu.memref_squeeze %dma_start3A_292 : memref<1x2x128xi32, #tpu.memory_space<hbm>> -> memref<2x128xi32, #tpu.memory_space<hbm>>
    %dma_start3A_294 = arith.constant 0 : i32
    %dma_start3A_295 = arith.constant 0 : i32
    %dma_start3A_296 = tpu.memref_slice %arg2[%mul3A_290, %dma_start3A_294, %dma_start3A_295] : memref<2560x2x128xi32, #tpu.memory_space<hbm>> -> memref<1x2x128xi32, #tpu.memory_space<hbm>>
    %dma_start3A_297 = tpu.memref_squeeze %dma_start3A_296 : memref<1x2x128xi32, #tpu.memory_space<hbm>> -> memref<2x128xi32, #tpu.memory_space<hbm>>
    tpu.enqueue_dma source(%dma_start3A_297 : memref<2x128xi32, #tpu.memory_space<hbm>>) target(%arg4 : memref<2x128xi32, #tpu.memory_space<vmem>>) target_semaphore(%arg8 : memref<!tpu.dma_semaphore, #tpu.memory_space<semaphore_mem>>)
    %scan3A = arith.constant 0 : i32
    %scan3A_298 = arith.constant 0 : i32
    %scan3A_299 = arith.constant 40 : i32
    %scan3A_300 = arith.addi %scan3A_298, %scan3A_299 : i32
    %scan3A_301 = arith.constant 1 : i32
    scf.for %scan3A_311 = %scan3A_298 to %scan3A_300 step %scan3A_301  : i32 {
      %mul3A_312 = arith.constant 2 : i32
      %mul3A_313 = arith.muli %scan3A_311, %mul3A_312 : i32
      %add3A_314 = arith.constant 0 : i32
      %add3A_315 = arith.addi %mul3A_313, %add3A_314 : i32
      %dma_wait3A = arith.constant 0 : i32
      %dma_wait3A_316 = arith.constant 0 : i32
      %dma_wait3A_317 = tpu.memref_slice %arg2[%mul3A_290, %dma_wait3A, %dma_wait3A_316] : memref<2560x2x128xi32, #tpu.memory_space<hbm>> -> memref<1x2x128xi32, #tpu.memory_space<hbm>>
      %dma_wait3A_318 = tpu.memref_squeeze %dma_wait3A_317 : memref<1x2x128xi32, #tpu.memory_space<hbm>> -> memref<2x128xi32, #tpu.memory_space<hbm>>
      %dma_wait3A_319 = arith.constant 0 : i32
      %dma_wait3A_320 = arith.constant 0 : i32
      %dma_wait3A_321 = tpu.memref_slice %arg2[%mul3A_290, %dma_wait3A_319, %dma_wait3A_320] : memref<2560x2x128xi32, #tpu.memory_space<hbm>> -> memref<1x2x128xi32, #tpu.memory_space<hbm>>
      %dma_wait3A_322 = tpu.memref_squeeze %dma_wait3A_321 : memref<1x2x128xi32, #tpu.memory_space<hbm>> -> memref<2x128xi32, #tpu.memory_space<hbm>>
      tpu.wait_dma2 semaphore(%arg8 : memref<!tpu.dma_semaphore, #tpu.memory_space<semaphore_mem>>) src(%dma_wait3A_322 : memref<2x128xi32, #tpu.memory_space<hbm>>) dst(%arg4 : memref<2x128xi32, #tpu.memory_space<vmem>>)
      %add3A_323 = arith.constant 1 : i32
      %add3A_324 = arith.addi %add3A_315, %add3A_323 : i32
      %lt3A = arith.constant 80 : i32
      %lt3A_325 = arith.cmpi slt, %add3A_324, %lt3A : i32
      %convert_element_type3A = arith.extui %lt3A_325 : i1 to i32
      %cond3A = arith.constant 0 : i32
      %cond3A_326 = arith.cmpi ne, %convert_element_type3A, %cond3A : i32
      scf.if %cond3A_326 {
        %add3A_347 = arith.addi %mul3A_290, %add3A_315 : i32
        %add3A_348 = arith.constant 1 : i32
        %add3A_349 = arith.addi %add3A_347, %add3A_348 : i32
        %dma_start3A_350 = arith.constant 0 : i32
        %dma_start3A_351 = arith.constant 0 : i32
        %dma_start3A_352 = tpu.memref_slice %arg2[%add3A_349, %dma_start3A_350, %dma_start3A_351] : memref<2560x2x128xi32, #tpu.memory_space<hbm>> -> memref<1x2x128xi32, #tpu.memory_space<hbm>>
        %dma_start3A_353 = tpu.memref_squeeze %dma_start3A_352 : memref<1x2x128xi32, #tpu.memory_space<hbm>> -> memref<2x128xi32, #tpu.memory_space<hbm>>
        %dma_start3A_354 = arith.constant 0 : i32
        %dma_start3A_355 = arith.constant 0 : i32
        %dma_start3A_356 = tpu.memref_slice %arg2[%add3A_349, %dma_start3A_354, %dma_start3A_355] : memref<2560x2x128xi32, #tpu.memory_space<hbm>> -> memref<1x2x128xi32, #tpu.memory_space<hbm>>
        %dma_start3A_357 = tpu.memref_squeeze %dma_start3A_356 : memref<1x2x128xi32, #tpu.memory_space<hbm>> -> memref<2x128xi32, #tpu.memory_space<hbm>>
        tpu.enqueue_dma source(%dma_start3A_357 : memref<2x128xi32, #tpu.memory_space<hbm>>) target(%arg5 : memref<2x128xi32, #tpu.memory_space<vmem>>) target_semaphore(%arg9 : memref<!tpu.dma_semaphore, #tpu.memory_space<semaphore_mem>>)
      } else {
      }
      %run_scoped3A = arith.constant 1 : i32
      "tpu.region"() ({
        %run_scoped3A_347 = tpu.sem_alloc : memref<!tpu.dma_semaphore, #tpu.memory_space<semaphore_mem>>
        %dma_start3A_348 = arith.constant 0 : i32
        %dma_start3A_349 = tpu.memref_slice %arg4[%run_scoped3A, %dma_start3A_348] : memref<2x128xi32, #tpu.memory_space<vmem>> -> memref<1x128xi32, #tpu.memory_space<vmem>>
        %dma_start3A_350 = tpu.memref_squeeze %dma_start3A_349 : memref<1x128xi32, #tpu.memory_space<vmem>> -> memref<128xi32, #tpu.memory_space<vmem>>
        %dma_start3A_351 = arith.constant 0 : i32
        %dma_start3A_352 = tpu.memref_slice %arg10[%dma_start3A_351] : memref<10240xf32, #tpu.memory_space<vmem_shared>> -> memref<10240xf32, #tpu.memory_space<vmem_shared>>
        tpu.enqueue_indirect_dma source(%arg6 : memref<128xf32, #tpu.memory_space<vmem>>) target(%dma_start3A_352 : memref<10240xf32, #tpu.memory_space<vmem_shared>>) offsets(%dma_start3A_350 : memref<128xi32, #tpu.memory_space<vmem>>) semaphore(%run_scoped3A_347 : memref<!tpu.dma_semaphore, #tpu.memory_space<semaphore_mem>>) {add = true}
        %dma_wait3A_353 = arith.constant 0 : i32
        %dma_wait3A_354 = tpu.memref_slice %arg4[%run_scoped3A, %dma_wait3A_353] : memref<2x128xi32, #tpu.memory_space<vmem>> -> memref<1x128xi32, #tpu.memory_space<vmem>>
        %dma_wait3A_355 = tpu.memref_squeeze %dma_wait3A_354 : memref<1x128xi32, #tpu.memory_space<vmem>> -> memref<128xi32, #tpu.memory_space<vmem>>
        %dma_wait3A_356 = arith.constant 0 : i32
        %dma_wait3A_357 = tpu.memref_slice %arg10[%dma_wait3A_356] : memref<10240xf32, #tpu.memory_space<vmem_shared>> -> memref<10240xf32, #tpu.memory_space<vmem_shared>>
        tpu.wait_indirect_dma semaphore(%run_scoped3A_347 : memref<!tpu.dma_semaphore, #tpu.memory_space<semaphore_mem>>) src(%arg6 : memref<128xf32, #tpu.memory_space<vmem>>) dst(%dma_wait3A_357 : memref<10240xf32, #tpu.memory_space<vmem_shared>>)
        tpu.yield
      }) : () -> ()
      %mul3A_327 = arith.constant 2 : i32
      %mul3A_328 = arith.muli %scan3A_311, %mul3A_327 : i32
      %add3A_329 = arith.constant 1 : i32
      %add3A_330 = arith.addi %mul3A_328, %add3A_329 : i32
      %dma_wait3A_331 = arith.constant 0 : i32
      %dma_wait3A_332 = arith.constant 0 : i32
      %dma_wait3A_333 = tpu.memref_slice %arg2[%mul3A_290, %dma_wait3A_331, %dma_wait3A_332] : memref<2560x2x128xi32, #tpu.memory_space<hbm>> -> memref<1x2x128xi32, #tpu.memory_space<hbm>>
      %dma_wait3A_334 = tpu.memref_squeeze %dma_wait3A_333 : memref<1x2x128xi32, #tpu.memory_space<hbm>> -> memref<2x128xi32, #tpu.memory_space<hbm>>
      %dma_wait3A_335 = arith.constant 0 : i32
      %dma_wait3A_336 = arith.constant 0 : i32
      %dma_wait3A_337 = tpu.memref_slice %arg2[%mul3A_290, %dma_wait3A_335, %dma_wait3A_336] : memref<2560x2x128xi32, #tpu.memory_space<hbm>> -> memref<1x2x128xi32, #tpu.memory_space<hbm>>
      %dma_wait3A_338 = tpu.memref_squeeze %dma_wait3A_337 : memref<1x2x128xi32, #tpu.memory_space<hbm>> -> memref<2x128xi32, #tpu.memory_space<hbm>>
      tpu.wait_dma2 semaphore(%arg9 : memref<!tpu.dma_semaphore, #tpu.memory_space<semaphore_mem>>) src(%dma_wait3A_338 : memref<2x128xi32, #tpu.memory_space<hbm>>) dst(%arg5 : memref<2x128xi32, #tpu.memory_space<vmem>>)
      %add3A_339 = arith.constant 1 : i32
      %add3A_340 = arith.addi %add3A_330, %add3A_339 : i32
      %lt3A_341 = arith.constant 80 : i32
      %lt3A_342 = arith.cmpi slt, %add3A_340, %lt3A_341 : i32
      %convert_element_type3A_343 = arith.extui %lt3A_342 : i1 to i32
      %cond3A_344 = arith.constant 0 : i32
      %cond3A_345 = arith.cmpi ne, %convert_element_type3A_343, %cond3A_344 : i32
      scf.if %cond3A_345 {
        %add3A_347 = arith.addi %mul3A_290, %add3A_330 : i32
        %add3A_348 = arith.constant 1 : i32
        %add3A_349 = arith.addi %add3A_347, %add3A_348 : i32
        %dma_start3A_350 = arith.constant 0 : i32
        %dma_start3A_351 = arith.constant 0 : i32
        %dma_start3A_352 = tpu.memref_slice %arg2[%add3A_349, %dma_start3A_350, %dma_start3A_351] : memref<2560x2x128xi32, #tpu.memory_space<hbm>> -> memref<1x2x128xi32, #tpu.memory_space<hbm>>
        %dma_start3A_353 = tpu.memref_squeeze %dma_start3A_352 : memref<1x2x128xi32, #tpu.memory_space<hbm>> -> memref<2x128xi32, #tpu.memory_space<hbm>>
        %dma_start3A_354 = arith.constant 0 : i32
        %dma_start3A_355 = arith.constant 0 : i32
        %dma_start3A_356 = tpu.memref_slice %arg2[%add3A_349, %dma_start3A_354, %dma_start3A_355] : memref<2560x2x128xi32, #tpu.memory_space<hbm>> -> memref<1x2x128xi32, #tpu.memory_space<hbm>>
        %dma_start3A_357 = tpu.memref_squeeze %dma_start3A_356 : memref<1x2x128xi32, #tpu.memory_space<hbm>> -> memref<2x128xi32, #tpu.memory_space<hbm>>
        tpu.enqueue_dma source(%dma_start3A_357 : memref<2x128xi32, #tpu.memory_space<hbm>>) target(%arg4 : memref<2x128xi32, #tpu.memory_space<vmem>>) target_semaphore(%arg8 : memref<!tpu.dma_semaphore, #tpu.memory_space<semaphore_mem>>)
      } else {
      }
      %run_scoped3A_346 = arith.constant 1 : i32
      "tpu.region"() ({
        %run_scoped3A_347 = tpu.sem_alloc : memref<!tpu.dma_semaphore, #tpu.memory_space<semaphore_mem>>
        %dma_start3A_348 = arith.constant 0 : i32
        %dma_start3A_349 = tpu.memref_slice %arg5[%run_scoped3A_346, %dma_start3A_348] : memref<2x128xi32, #tpu.memory_space<vmem>> -> memref<1x128xi32, #tpu.memory_space<vmem>>
        %dma_start3A_350 = tpu.memref_squeeze %dma_start3A_349 : memref<1x128xi32, #tpu.memory_space<vmem>> -> memref<128xi32, #tpu.memory_space<vmem>>
        %dma_start3A_351 = arith.constant 0 : i32
        %dma_start3A_352 = tpu.memref_slice %arg10[%dma_start3A_351] : memref<10240xf32, #tpu.memory_space<vmem_shared>> -> memref<10240xf32, #tpu.memory_space<vmem_shared>>
        tpu.enqueue_indirect_dma source(%arg6 : memref<128xf32, #tpu.memory_space<vmem>>) target(%dma_start3A_352 : memref<10240xf32, #tpu.memory_space<vmem_shared>>) offsets(%dma_start3A_350 : memref<128xi32, #tpu.memory_space<vmem>>) semaphore(%run_scoped3A_347 : memref<!tpu.dma_semaphore, #tpu.memory_space<semaphore_mem>>) {add = true}
        %dma_wait3A_353 = arith.constant 0 : i32
        %dma_wait3A_354 = tpu.memref_slice %arg5[%run_scoped3A_346, %dma_wait3A_353] : memref<2x128xi32, #tpu.memory_space<vmem>> -> memref<1x128xi32, #tpu.memory_space<vmem>>
        %dma_wait3A_355 = tpu.memref_squeeze %dma_wait3A_354 : memref<1x128xi32, #tpu.memory_space<vmem>> -> memref<128xi32, #tpu.memory_space<vmem>>
        %dma_wait3A_356 = arith.constant 0 : i32
        %dma_wait3A_357 = tpu.memref_slice %arg10[%dma_wait3A_356] : memref<10240xf32, #tpu.memory_space<vmem_shared>> -> memref<10240xf32, #tpu.memory_space<vmem_shared>>
        tpu.wait_indirect_dma semaphore(%run_scoped3A_347 : memref<!tpu.dma_semaphore, #tpu.memory_space<semaphore_mem>>) src(%arg6 : memref<128xf32, #tpu.memory_space<vmem>>) dst(%dma_wait3A_357 : memref<10240xf32, #tpu.memory_space<vmem_shared>>)
        tpu.yield
      }) : () -> ()
    }
    %scan3A_302 = arith.constant 40 : i32
    %barrier3A_303 = arith.constant 0 : index
    tpu.barrier barrier_id(%barrier3A_303)
    %mul3A_304 = arith.constant 640 : i32
    %mul3A_305 = arith.muli %arg1, %mul3A_304 : i32
    "tpu.region"() ({
      %run_scoped3A = tpu.sem_alloc : memref<!tpu.dma_semaphore, #tpu.memory_space<semaphore_mem>>
      %dma_start3A_311 = tpu.memref_slice %arg10[%mul3A_305] : memref<10240xf32, #tpu.memory_space<vmem_shared>> -> memref<640xf32, #tpu.memory_space<vmem_shared>>
      %dma_start3A_312 = tpu.memref_slice %arg10[%mul3A_305] : memref<10240xf32, #tpu.memory_space<vmem_shared>> -> memref<640xf32, #tpu.memory_space<vmem_shared>>
      tpu.enqueue_dma source(%dma_start3A_312 : memref<640xf32, #tpu.memory_space<vmem_shared>>) target(%arg7 : memref<640xf32, #tpu.memory_space<vmem>>) target_semaphore(%run_scoped3A : memref<!tpu.dma_semaphore, #tpu.memory_space<semaphore_mem>>)
      %dma_wait3A = tpu.memref_slice %arg10[%mul3A_305] : memref<10240xf32, #tpu.memory_space<vmem_shared>> -> memref<640xf32, #tpu.memory_space<vmem_shared>>
      %dma_wait3A_313 = tpu.memref_slice %arg10[%mul3A_305] : memref<10240xf32, #tpu.memory_space<vmem_shared>> -> memref<640xf32, #tpu.memory_space<vmem_shared>>
      tpu.wait_dma2 semaphore(%run_scoped3A : memref<!tpu.dma_semaphore, #tpu.memory_space<semaphore_mem>>) src(%dma_wait3A_313 : memref<640xf32, #tpu.memory_space<vmem_shared>>) dst(%arg7 : memref<640xf32, #tpu.memory_space<vmem>>)
      tpu.yield
    }) : () -> ()
    %mul3A_306 = arith.constant 10240 : i32
    %mul3A_307 = arith.muli %arg0, %mul3A_306 : i32
    %mul3A_308 = arith.constant 640 : i32
    %mul3A_309 = arith.muli %arg1, %mul3A_308 : i32
    %add3A_310 = arith.addi %mul3A_307, %mul3A_309 : i32
    "tpu.region"() ({
      %run_scoped3A = tpu.sem_alloc : memref<!tpu.dma_semaphore, #tpu.memory_space<semaphore_mem>>
      %dma_start3A_311 = tpu.memref_slice %arg3[%add3A_310] : memref<20480xf32, #tpu.memory_space<hbm>> -> memref<640xf32, #tpu.memory_space<hbm>>
      %dma_start3A_312 = tpu.memref_slice %arg3[%add3A_310] : memref<20480xf32, #tpu.memory_space<hbm>> -> memref<640xf32, #tpu.memory_space<hbm>>
      tpu.enqueue_dma source(%arg7 : memref<640xf32, #tpu.memory_space<vmem>>) target(%dma_start3A_312 : memref<640xf32, #tpu.memory_space<hbm>>) target_semaphore(%run_scoped3A : memref<!tpu.dma_semaphore, #tpu.memory_space<semaphore_mem>>)
      %dma_wait3A = tpu.memref_slice %arg3[%add3A_310] : memref<20480xf32, #tpu.memory_space<hbm>> -> memref<640xf32, #tpu.memory_space<hbm>>
      %dma_wait3A_313 = tpu.memref_slice %arg3[%add3A_310] : memref<20480xf32, #tpu.memory_space<hbm>> -> memref<640xf32, #tpu.memory_space<hbm>>
      tpu.wait_dma2 semaphore(%run_scoped3A : memref<!tpu.dma_semaphore, #tpu.memory_space<semaphore_mem>>) src(%arg7 : memref<640xf32, #tpu.memory_space<vmem>>) dst(%dma_wait3A_313 : memref<640xf32, #tpu.memory_space<hbm>>)
      tpu.yield
    }) : () -> ()
    return
  }
}

#map = affine_map<(d0, d1) -> (0, 0)>
#map1 = affine_map<(d0, d1) -> (0, 0, 0)>
module attributes {stable_mosaic.version = 14 : i64} {
  func.func @rows_call(%arg0: i32, %arg1: i32, %arg2: memref<10000x128xf32, #tpu.memory_space<hbm>>, %arg3: memref<2560x2x128xi32, #tpu.memory_space<hbm>>, %arg4: memref<20480x128xf32, #tpu.memory_space<hbm>>, %arg5: memref<2x128xi32, #tpu.memory_space<vmem>>, %arg6: memref<2x128xi32, #tpu.memory_space<vmem>>, %arg7: memref<128x128xf32, #tpu.memory_space<vmem>>, %arg8: memref<128x128xf32, #tpu.memory_space<vmem>>, %arg9: memref<!tpu.dma_semaphore, #tpu.memory_space<semaphore_mem>>, %arg10: memref<!tpu.dma_semaphore, #tpu.memory_space<semaphore_mem>>, %arg11: memref<10240x128xf32, #tpu.memory_space<vmem_shared>>) attributes {dimension_semantics = [#tpu.dimension_semantics<core_parallel>, #tpu.dimension_semantics<subcore_parallel>], iteration_bounds = array<i64: 2, 16>, scalar_prefetch = 0 : i64, scratch_operands = 7 : i64, tpu.core_type = #tpu.core_type<sc_vector_subcore>, window_params = [{transform_indices = #map}, {transform_indices = #map1}, {transform_indices = #map}]} {
    %mul3A = arith.constant 16 : i32
    %mul3A_0 = arith.muli %arg0, %mul3A : i32
    %add3A = arith.addi %mul3A_0, %arg1 : i32
    %scan3A = arith.constant 0 : i32
    %scan3A_1 = arith.constant 0 : i32
    %scan3A_2 = arith.constant 128 : i32
    %scan3A_3 = arith.addi %scan3A_1, %scan3A_2 : i32
    %scan3A_4 = arith.constant 1 : i32
    scf.for %scan3A_96 = %scan3A_1 to %scan3A_3 step %scan3A_4  : i32 {
      %broadcast_in_dim3A = arith.constant 0.000000e+00 : f32
      %broadcast_in_dim3A_97 = vector.broadcast %broadcast_in_dim3A : f32 to vector<16xf32>
      %swap3A = arith.index_cast %scan3A_96 : i32 to index
      %swap3A_98 = arith.constant 0 : index
      %swap3A_99 = tpu.vector_load %arg7[%swap3A, %swap3A_98] {strides = array<i32>} : memref<128x128xf32, #tpu.memory_space<vmem>>, vector<1x16xf32>,
      %swap3A_100 = vector.shape_cast %swap3A_99 : vector<1x16xf32> to vector<16xf32>
      %swap3A_101 = vector.shape_cast %broadcast_in_dim3A_97 : vector<16xf32> to vector<1x16xf32>
      tpu.vector_store %arg7[%swap3A, %swap3A_98], %swap3A_101 {strides = array<i32>} : memref<128x128xf32, #tpu.memory_space<vmem>>, vector<1x16xf32>,
      %broadcast_in_dim3A_102 = arith.constant 0.000000e+00 : f32
      %broadcast_in_dim3A_103 = vector.broadcast %broadcast_in_dim3A_102 : f32 to vector<16xf32>
      %swap3A_104 = arith.index_cast %scan3A_96 : i32 to index
      %swap3A_105 = arith.constant 16 : index
      %swap3A_106 = tpu.vector_load %arg7[%swap3A_104, %swap3A_105] {strides = array<i32>} : memref<128x128xf32, #tpu.memory_space<vmem>>, vector<1x16xf32>,
      %swap3A_107 = vector.shape_cast %swap3A_106 : vector<1x16xf32> to vector<16xf32>
      %swap3A_108 = vector.shape_cast %broadcast_in_dim3A_103 : vector<16xf32> to vector<1x16xf32>
      tpu.vector_store %arg7[%swap3A_104, %swap3A_105], %swap3A_108 {strides = array<i32>} : memref<128x128xf32, #tpu.memory_space<vmem>>, vector<1x16xf32>,
      %broadcast_in_dim3A_109 = arith.constant 0.000000e+00 : f32
      %broadcast_in_dim3A_110 = vector.broadcast %broadcast_in_dim3A_109 : f32 to vector<16xf32>
      %swap3A_111 = arith.index_cast %scan3A_96 : i32 to index
      %swap3A_112 = arith.constant 32 : index
      %swap3A_113 = tpu.vector_load %arg7[%swap3A_111, %swap3A_112] {strides = array<i32>} : memref<128x128xf32, #tpu.memory_space<vmem>>, vector<1x16xf32>,
      %swap3A_114 = vector.shape_cast %swap3A_113 : vector<1x16xf32> to vector<16xf32>
      %swap3A_115 = vector.shape_cast %broadcast_in_dim3A_110 : vector<16xf32> to vector<1x16xf32>
      tpu.vector_store %arg7[%swap3A_111, %swap3A_112], %swap3A_115 {strides = array<i32>} : memref<128x128xf32, #tpu.memory_space<vmem>>, vector<1x16xf32>,
      %broadcast_in_dim3A_116 = arith.constant 0.000000e+00 : f32
      %broadcast_in_dim3A_117 = vector.broadcast %broadcast_in_dim3A_116 : f32 to vector<16xf32>
      %swap3A_118 = arith.index_cast %scan3A_96 : i32 to index
      %swap3A_119 = arith.constant 48 : index
      %swap3A_120 = tpu.vector_load %arg7[%swap3A_118, %swap3A_119] {strides = array<i32>} : memref<128x128xf32, #tpu.memory_space<vmem>>, vector<1x16xf32>,
      %swap3A_121 = vector.shape_cast %swap3A_120 : vector<1x16xf32> to vector<16xf32>
      %swap3A_122 = vector.shape_cast %broadcast_in_dim3A_117 : vector<16xf32> to vector<1x16xf32>
      tpu.vector_store %arg7[%swap3A_118, %swap3A_119], %swap3A_122 {strides = array<i32>} : memref<128x128xf32, #tpu.memory_space<vmem>>, vector<1x16xf32>,
      %broadcast_in_dim3A_123 = arith.constant 0.000000e+00 : f32
      %broadcast_in_dim3A_124 = vector.broadcast %broadcast_in_dim3A_123 : f32 to vector<16xf32>
      %swap3A_125 = arith.index_cast %scan3A_96 : i32 to index
      %swap3A_126 = arith.constant 64 : index
      %swap3A_127 = tpu.vector_load %arg7[%swap3A_125, %swap3A_126] {strides = array<i32>} : memref<128x128xf32, #tpu.memory_space<vmem>>, vector<1x16xf32>,
      %swap3A_128 = vector.shape_cast %swap3A_127 : vector<1x16xf32> to vector<16xf32>
      %swap3A_129 = vector.shape_cast %broadcast_in_dim3A_124 : vector<16xf32> to vector<1x16xf32>
      tpu.vector_store %arg7[%swap3A_125, %swap3A_126], %swap3A_129 {strides = array<i32>} : memref<128x128xf32, #tpu.memory_space<vmem>>, vector<1x16xf32>,
      %broadcast_in_dim3A_130 = arith.constant 0.000000e+00 : f32
      %broadcast_in_dim3A_131 = vector.broadcast %broadcast_in_dim3A_130 : f32 to vector<16xf32>
      %swap3A_132 = arith.index_cast %scan3A_96 : i32 to index
      %swap3A_133 = arith.constant 80 : index
      %swap3A_134 = tpu.vector_load %arg7[%swap3A_132, %swap3A_133] {strides = array<i32>} : memref<128x128xf32, #tpu.memory_space<vmem>>, vector<1x16xf32>,
      %swap3A_135 = vector.shape_cast %swap3A_134 : vector<1x16xf32> to vector<16xf32>
      %swap3A_136 = vector.shape_cast %broadcast_in_dim3A_131 : vector<16xf32> to vector<1x16xf32>
      tpu.vector_store %arg7[%swap3A_132, %swap3A_133], %swap3A_136 {strides = array<i32>} : memref<128x128xf32, #tpu.memory_space<vmem>>, vector<1x16xf32>,
      %broadcast_in_dim3A_137 = arith.constant 0.000000e+00 : f32
      %broadcast_in_dim3A_138 = vector.broadcast %broadcast_in_dim3A_137 : f32 to vector<16xf32>
      %swap3A_139 = arith.index_cast %scan3A_96 : i32 to index
      %swap3A_140 = arith.constant 96 : index
      %swap3A_141 = tpu.vector_load %arg7[%swap3A_139, %swap3A_140] {strides = array<i32>} : memref<128x128xf32, #tpu.memory_space<vmem>>, vector<1x16xf32>,
      %swap3A_142 = vector.shape_cast %swap3A_141 : vector<1x16xf32> to vector<16xf32>
      %swap3A_143 = vector.shape_cast %broadcast_in_dim3A_138 : vector<16xf32> to vector<1x16xf32>
      tpu.vector_store %arg7[%swap3A_139, %swap3A_140], %swap3A_143 {strides = array<i32>} : memref<128x128xf32, #tpu.memory_space<vmem>>, vector<1x16xf32>,
      %broadcast_in_dim3A_144 = arith.constant 0.000000e+00 : f32
      %broadcast_in_dim3A_145 = vector.broadcast %broadcast_in_dim3A_144 : f32 to vector<16xf32>
      %swap3A_146 = arith.index_cast %scan3A_96 : i32 to index
      %swap3A_147 = arith.constant 112 : index
      %swap3A_148 = tpu.vector_load %arg7[%swap3A_146, %swap3A_147] {strides = array<i32>} : memref<128x128xf32, #tpu.memory_space<vmem>>, vector<1x16xf32>,
      %swap3A_149 = vector.shape_cast %swap3A_148 : vector<1x16xf32> to vector<16xf32>
      %swap3A_150 = vector.shape_cast %broadcast_in_dim3A_145 : vector<16xf32> to vector<1x16xf32>
      tpu.vector_store %arg7[%swap3A_146, %swap3A_147], %swap3A_150 {strides = array<i32>} : memref<128x128xf32, #tpu.memory_space<vmem>>, vector<1x16xf32>,
    }
    %scan3A_5 = arith.constant 128 : i32
    %mul3A_6 = arith.constant 640 : i32
    %mul3A_7 = arith.muli %arg1, %mul3A_6 : i32
    %add3A_8 = arith.constant 0 : i32
    %add3A_9 = arith.addi %mul3A_7, %add3A_8 : i32
    "tpu.region"() ({
      %run_scoped3A = tpu.sem_alloc : memref<!tpu.dma_semaphore, #tpu.memory_space<semaphore_mem>>
      %dma_start3A_96 = arith.constant 0 : i32
      %dma_start3A_97 = tpu.memref_slice %arg11[%add3A_9, %dma_start3A_96] : memref<10240x128xf32, #tpu.memory_space<vmem_shared>> -> memref<128x128xf32, #tpu.memory_space<vmem_shared>>
      %dma_start3A_98 = arith.constant 0 : i32
      %dma_start3A_99 = tpu.memref_slice %arg11[%add3A_9, %dma_start3A_98] : memref<10240x128xf32, #tpu.memory_space<vmem_shared>> -> memref<128x128xf32, #tpu.memory_space<vmem_shared>>
      tpu.enqueue_dma source(%arg7 : memref<128x128xf32, #tpu.memory_space<vmem>>) target(%dma_start3A_99 : memref<128x128xf32, #tpu.memory_space<vmem_shared>>) target_semaphore(%run_scoped3A : memref<!tpu.dma_semaphore, #tpu.memory_space<semaphore_mem>>)
      %dma_wait3A = arith.constant 0 : i32
      %dma_wait3A_100 = tpu.memref_slice %arg11[%add3A_9, %dma_wait3A] : memref<10240x128xf32, #tpu.memory_space<vmem_shared>> -> memref<128x128xf32, #tpu.memory_space<vmem_shared>>
      %dma_wait3A_101 = arith.constant 0 : i32
      %dma_wait3A_102 = tpu.memref_slice %arg11[%add3A_9, %dma_wait3A_101] : memref<10240x128xf32, #tpu.memory_space<vmem_shared>> -> memref<128x128xf32, #tpu.memory_space<vmem_shared>>
      tpu.wait_dma2 semaphore(%run_scoped3A : memref<!tpu.dma_semaphore, #tpu.memory_space<semaphore_mem>>) src(%arg7 : memref<128x128xf32, #tpu.memory_space<vmem>>) dst(%dma_wait3A_102 : memref<128x128xf32, #tpu.memory_space<vmem_shared>>)
      tpu.yield
    }) : () -> ()
    %mul3A_10 = arith.constant 640 : i32
    %mul3A_11 = arith.muli %arg1, %mul3A_10 : i32
    %add3A_12 = arith.constant 128 : i32
    %add3A_13 = arith.addi %mul3A_11, %add3A_12 : i32
    "tpu.region"() ({
      %run_scoped3A = tpu.sem_alloc : memref<!tpu.dma_semaphore, #tpu.memory_space<semaphore_mem>>
      %dma_start3A_96 = arith.constant 0 : i32
      %dma_start3A_97 = tpu.memref_slice %arg11[%add3A_13, %dma_start3A_96] : memref<10240x128xf32, #tpu.memory_space<vmem_shared>> -> memref<128x128xf32, #tpu.memory_space<vmem_shared>>
      %dma_start3A_98 = arith.constant 0 : i32
      %dma_start3A_99 = tpu.memref_slice %arg11[%add3A_13, %dma_start3A_98] : memref<10240x128xf32, #tpu.memory_space<vmem_shared>> -> memref<128x128xf32, #tpu.memory_space<vmem_shared>>
      tpu.enqueue_dma source(%arg7 : memref<128x128xf32, #tpu.memory_space<vmem>>) target(%dma_start3A_99 : memref<128x128xf32, #tpu.memory_space<vmem_shared>>) target_semaphore(%run_scoped3A : memref<!tpu.dma_semaphore, #tpu.memory_space<semaphore_mem>>)
      %dma_wait3A = arith.constant 0 : i32
      %dma_wait3A_100 = tpu.memref_slice %arg11[%add3A_13, %dma_wait3A] : memref<10240x128xf32, #tpu.memory_space<vmem_shared>> -> memref<128x128xf32, #tpu.memory_space<vmem_shared>>
      %dma_wait3A_101 = arith.constant 0 : i32
      %dma_wait3A_102 = tpu.memref_slice %arg11[%add3A_13, %dma_wait3A_101] : memref<10240x128xf32, #tpu.memory_space<vmem_shared>> -> memref<128x128xf32, #tpu.memory_space<vmem_shared>>
      tpu.wait_dma2 semaphore(%run_scoped3A : memref<!tpu.dma_semaphore, #tpu.memory_space<semaphore_mem>>) src(%arg7 : memref<128x128xf32, #tpu.memory_space<vmem>>) dst(%dma_wait3A_102 : memref<128x128xf32, #tpu.memory_space<vmem_shared>>)
      tpu.yield
    }) : () -> ()
    %mul3A_14 = arith.constant 640 : i32
    %mul3A_15 = arith.muli %arg1, %mul3A_14 : i32
    %add3A_16 = arith.constant 256 : i32
    %add3A_17 = arith.addi %mul3A_15, %add3A_16 : i32
    "tpu.region"() ({
      %run_scoped3A = tpu.sem_alloc : memref<!tpu.dma_semaphore, #tpu.memory_space<semaphore_mem>>
      %dma_start3A_96 = arith.constant 0 : i32
      %dma_start3A_97 = tpu.memref_slice %arg11[%add3A_17, %dma_start3A_96] : memref<10240x128xf32, #tpu.memory_space<vmem_shared>> -> memref<128x128xf32, #tpu.memory_space<vmem_shared>>
      %dma_start3A_98 = arith.constant 0 : i32
      %dma_start3A_99 = tpu.memref_slice %arg11[%add3A_17, %dma_start3A_98] : memref<10240x128xf32, #tpu.memory_space<vmem_shared>> -> memref<128x128xf32, #tpu.memory_space<vmem_shared>>
      tpu.enqueue_dma source(%arg7 : memref<128x128xf32, #tpu.memory_space<vmem>>) target(%dma_start3A_99 : memref<128x128xf32, #tpu.memory_space<vmem_shared>>) target_semaphore(%run_scoped3A : memref<!tpu.dma_semaphore, #tpu.memory_space<semaphore_mem>>)
      %dma_wait3A = arith.constant 0 : i32
      %dma_wait3A_100 = tpu.memref_slice %arg11[%add3A_17, %dma_wait3A] : memref<10240x128xf32, #tpu.memory_space<vmem_shared>> -> memref<128x128xf32, #tpu.memory_space<vmem_shared>>
      %dma_wait3A_101 = arith.constant 0 : i32
      %dma_wait3A_102 = tpu.memref_slice %arg11[%add3A_17, %dma_wait3A_101] : memref<10240x128xf32, #tpu.memory_space<vmem_shared>> -> memref<128x128xf32, #tpu.memory_space<vmem_shared>>
      tpu.wait_dma2 semaphore(%run_scoped3A : memref<!tpu.dma_semaphore, #tpu.memory_space<semaphore_mem>>) src(%arg7 : memref<128x128xf32, #tpu.memory_space<vmem>>) dst(%dma_wait3A_102 : memref<128x128xf32, #tpu.memory_space<vmem_shared>>)
      tpu.yield
    }) : () -> ()
    %mul3A_18 = arith.constant 640 : i32
    %mul3A_19 = arith.muli %arg1, %mul3A_18 : i32
    %add3A_20 = arith.constant 384 : i32
    %add3A_21 = arith.addi %mul3A_19, %add3A_20 : i32
    "tpu.region"() ({
      %run_scoped3A = tpu.sem_alloc : memref<!tpu.dma_semaphore, #tpu.memory_space<semaphore_mem>>
      %dma_start3A_96 = arith.constant 0 : i32
      %dma_start3A_97 = tpu.memref_slice %arg11[%add3A_21, %dma_start3A_96] : memref<10240x128xf32, #tpu.memory_space<vmem_shared>> -> memref<128x128xf32, #tpu.memory_space<vmem_shared>>
      %dma_start3A_98 = arith.constant 0 : i32
      %dma_start3A_99 = tpu.memref_slice %arg11[%add3A_21, %dma_start3A_98] : memref<10240x128xf32, #tpu.memory_space<vmem_shared>> -> memref<128x128xf32, #tpu.memory_space<vmem_shared>>
      tpu.enqueue_dma source(%arg7 : memref<128x128xf32, #tpu.memory_space<vmem>>) target(%dma_start3A_99 : memref<128x128xf32, #tpu.memory_space<vmem_shared>>) target_semaphore(%run_scoped3A : memref<!tpu.dma_semaphore, #tpu.memory_space<semaphore_mem>>)
      %dma_wait3A = arith.constant 0 : i32
      %dma_wait3A_100 = tpu.memref_slice %arg11[%add3A_21, %dma_wait3A] : memref<10240x128xf32, #tpu.memory_space<vmem_shared>> -> memref<128x128xf32, #tpu.memory_space<vmem_shared>>
      %dma_wait3A_101 = arith.constant 0 : i32
      %dma_wait3A_102 = tpu.memref_slice %arg11[%add3A_21, %dma_wait3A_101] : memref<10240x128xf32, #tpu.memory_space<vmem_shared>> -> memref<128x128xf32, #tpu.memory_space<vmem_shared>>
      tpu.wait_dma2 semaphore(%run_scoped3A : memref<!tpu.dma_semaphore, #tpu.memory_space<semaphore_mem>>) src(%arg7 : memref<128x128xf32, #tpu.memory_space<vmem>>) dst(%dma_wait3A_102 : memref<128x128xf32, #tpu.memory_space<vmem_shared>>)
      tpu.yield
    }) : () -> ()
    %mul3A_22 = arith.constant 640 : i32
    %mul3A_23 = arith.muli %arg1, %mul3A_22 : i32
    %add3A_24 = arith.constant 512 : i32
    %add3A_25 = arith.addi %mul3A_23, %add3A_24 : i32
    "tpu.region"() ({
      %run_scoped3A = tpu.sem_alloc : memref<!tpu.dma_semaphore, #tpu.memory_space<semaphore_mem>>
      %dma_start3A_96 = arith.constant 0 : i32
      %dma_start3A_97 = tpu.memref_slice %arg11[%add3A_25, %dma_start3A_96] : memref<10240x128xf32, #tpu.memory_space<vmem_shared>> -> memref<128x128xf32, #tpu.memory_space<vmem_shared>>
      %dma_start3A_98 = arith.constant 0 : i32
      %dma_start3A_99 = tpu.memref_slice %arg11[%add3A_25, %dma_start3A_98] : memref<10240x128xf32, #tpu.memory_space<vmem_shared>> -> memref<128x128xf32, #tpu.memory_space<vmem_shared>>
      tpu.enqueue_dma source(%arg7 : memref<128x128xf32, #tpu.memory_space<vmem>>) target(%dma_start3A_99 : memref<128x128xf32, #tpu.memory_space<vmem_shared>>) target_semaphore(%run_scoped3A : memref<!tpu.dma_semaphore, #tpu.memory_space<semaphore_mem>>)
      %dma_wait3A = arith.constant 0 : i32
      %dma_wait3A_100 = tpu.memref_slice %arg11[%add3A_25, %dma_wait3A] : memref<10240x128xf32, #tpu.memory_space<vmem_shared>> -> memref<128x128xf32, #tpu.memory_space<vmem_shared>>
      %dma_wait3A_101 = arith.constant 0 : i32
      %dma_wait3A_102 = tpu.memref_slice %arg11[%add3A_25, %dma_wait3A_101] : memref<10240x128xf32, #tpu.memory_space<vmem_shared>> -> memref<128x128xf32, #tpu.memory_space<vmem_shared>>
      tpu.wait_dma2 semaphore(%run_scoped3A : memref<!tpu.dma_semaphore, #tpu.memory_space<semaphore_mem>>) src(%arg7 : memref<128x128xf32, #tpu.memory_space<vmem>>) dst(%dma_wait3A_102 : memref<128x128xf32, #tpu.memory_space<vmem_shared>>)
      tpu.yield
    }) : () -> ()
    %barrier3A = arith.constant 0 : index
    tpu.barrier barrier_id(%barrier3A)
    %mul3A_26 = arith.constant 80 : i32
    %mul3A_27 = arith.muli %add3A, %mul3A_26 : i32
    "tpu.region"() ({
      %run_scoped3A = tpu.sem_alloc : memref<!tpu.dma_semaphore, #tpu.memory_space<semaphore_mem>>
      %dma_start3A_96 = arith.constant 0 : i32
      %dma_start3A_97 = arith.constant 0 : i32
      %dma_start3A_98 = tpu.memref_slice %arg3[%mul3A_27, %dma_start3A_96, %dma_start3A_97] : memref<2560x2x128xi32, #tpu.memory_space<hbm>> -> memref<1x2x128xi32, #tpu.memory_space<hbm>>
      %dma_start3A_99 = tpu.memref_squeeze %dma_start3A_98 : memref<1x2x128xi32, #tpu.memory_space<hbm>> -> memref<2x128xi32, #tpu.memory_space<hbm>>
      %dma_start3A_100 = arith.constant 0 : i32
      %dma_start3A_101 = arith.constant 0 : i32
      %dma_start3A_102 = tpu.memref_slice %arg3[%mul3A_27, %dma_start3A_100, %dma_start3A_101] : memref<2560x2x128xi32, #tpu.memory_space<hbm>> -> memref<1x2x128xi32, #tpu.memory_space<hbm>>
      %dma_start3A_103 = tpu.memref_squeeze %dma_start3A_102 : memref<1x2x128xi32, #tpu.memory_space<hbm>> -> memref<2x128xi32, #tpu.memory_space<hbm>>
      tpu.enqueue_dma source(%dma_start3A_103 : memref<2x128xi32, #tpu.memory_space<hbm>>) target(%arg5 : memref<2x128xi32, #tpu.memory_space<vmem>>) target_semaphore(%run_scoped3A : memref<!tpu.dma_semaphore, #tpu.memory_space<semaphore_mem>>)
      %dma_wait3A = arith.constant 0 : i32
      %dma_wait3A_104 = arith.constant 0 : i32
      %dma_wait3A_105 = tpu.memref_slice %arg3[%mul3A_27, %dma_wait3A, %dma_wait3A_104] : memref<2560x2x128xi32, #tpu.memory_space<hbm>> -> memref<1x2x128xi32, #tpu.memory_space<hbm>>
      %dma_wait3A_106 = tpu.memref_squeeze %dma_wait3A_105 : memref<1x2x128xi32, #tpu.memory_space<hbm>> -> memref<2x128xi32, #tpu.memory_space<hbm>>
      %dma_wait3A_107 = arith.constant 0 : i32
      %dma_wait3A_108 = arith.constant 0 : i32
      %dma_wait3A_109 = tpu.memref_slice %arg3[%mul3A_27, %dma_wait3A_107, %dma_wait3A_108] : memref<2560x2x128xi32, #tpu.memory_space<hbm>> -> memref<1x2x128xi32, #tpu.memory_space<hbm>>
      %dma_wait3A_110 = tpu.memref_squeeze %dma_wait3A_109 : memref<1x2x128xi32, #tpu.memory_space<hbm>> -> memref<2x128xi32, #tpu.memory_space<hbm>>
      tpu.wait_dma2 semaphore(%run_scoped3A : memref<!tpu.dma_semaphore, #tpu.memory_space<semaphore_mem>>) src(%dma_wait3A_110 : memref<2x128xi32, #tpu.memory_space<hbm>>) dst(%arg5 : memref<2x128xi32, #tpu.memory_space<vmem>>)
      tpu.yield
    }) : () -> ()
    %dma_start3A = arith.constant 0 : i32
    %dma_start3A_28 = arith.constant 0 : i32
    %dma_start3A_29 = tpu.memref_slice %arg5[%dma_start3A, %dma_start3A_28] : memref<2x128xi32, #tpu.memory_space<vmem>> -> memref<1x128xi32, #tpu.memory_space<vmem>>
    %dma_start3A_30 = tpu.memref_squeeze %dma_start3A_29 : memref<1x128xi32, #tpu.memory_space<vmem>> -> memref<128xi32, #tpu.memory_space<vmem>>
    %dma_start3A_31 = arith.constant 0 : i32
    %dma_start3A_32 = arith.constant 0 : i32
    %dma_start3A_33 = tpu.memref_slice %arg2[%dma_start3A_31, %dma_start3A_32] : memref<10000x128xf32, #tpu.memory_space<hbm>> -> memref<10000x128xf32, #tpu.memory_space<hbm>>
    tpu.enqueue_indirect_dma source(%dma_start3A_33 : memref<10000x128xf32, #tpu.memory_space<hbm>>) target(%arg7 : memref<128x128xf32, #tpu.memory_space<vmem>>) offsets(%dma_start3A_30 : memref<128xi32, #tpu.memory_space<vmem>>) semaphore(%arg9 : memref<!tpu.dma_semaphore, #tpu.memory_space<semaphore_mem>>)
    %scan3A_34 = arith.constant 0 : i32
    %scan3A_35 = arith.constant 0 : i32
    %scan3A_36 = arith.constant 40 : i32
    %scan3A_37 = arith.addi %scan3A_35, %scan3A_36 : i32
    %scan3A_38 = arith.constant 1 : i32
    scf.for %scan3A_96 = %scan3A_35 to %scan3A_37 step %scan3A_38  : i32 {
      %mul3A_97 = arith.constant 2 : i32
      %mul3A_98 = arith.muli %scan3A_96, %mul3A_97 : i32
      %add3A_99 = arith.constant 0 : i32
      %add3A_100 = arith.addi %mul3A_98, %add3A_99 : i32
      %add3A_101 = arith.constant 1 : i32
      %add3A_102 = arith.addi %add3A_100, %add3A_101 : i32
      %lt3A = arith.constant 80 : i32
      %lt3A_103 = arith.cmpi slt, %add3A_102, %lt3A : i32
      %convert_element_type3A = arith.extui %lt3A_103 : i1 to i32
      %cond3A = arith.constant 0 : i32
      %cond3A_104 = arith.cmpi ne, %convert_element_type3A, %cond3A : i32
      scf.if %cond3A_104 {
        %add3A_144 = arith.addi %mul3A_27, %add3A_100 : i32
        %add3A_145 = arith.constant 1 : i32
        %add3A_146 = arith.addi %add3A_144, %add3A_145 : i32
        "tpu.region"() ({
          %run_scoped3A_147 = tpu.sem_alloc : memref<!tpu.dma_semaphore, #tpu.memory_space<semaphore_mem>>
          %dma_start3A_148 = arith.constant 0 : i32
          %dma_start3A_149 = arith.constant 0 : i32
          %dma_start3A_150 = tpu.memref_slice %arg3[%add3A_146, %dma_start3A_148, %dma_start3A_149] : memref<2560x2x128xi32, #tpu.memory_space<hbm>> -> memref<1x2x128xi32, #tpu.memory_space<hbm>>
          %dma_start3A_151 = tpu.memref_squeeze %dma_start3A_150 : memref<1x2x128xi32, #tpu.memory_space<hbm>> -> memref<2x128xi32, #tpu.memory_space<hbm>>
          %dma_start3A_152 = arith.constant 0 : i32
          %dma_start3A_153 = arith.constant 0 : i32
          %dma_start3A_154 = tpu.memref_slice %arg3[%add3A_146, %dma_start3A_152, %dma_start3A_153] : memref<2560x2x128xi32, #tpu.memory_space<hbm>> -> memref<1x2x128xi32, #tpu.memory_space<hbm>>
          %dma_start3A_155 = tpu.memref_squeeze %dma_start3A_154 : memref<1x2x128xi32, #tpu.memory_space<hbm>> -> memref<2x128xi32, #tpu.memory_space<hbm>>
          tpu.enqueue_dma source(%dma_start3A_155 : memref<2x128xi32, #tpu.memory_space<hbm>>) target(%arg6 : memref<2x128xi32, #tpu.memory_space<vmem>>) target_semaphore(%run_scoped3A_147 : memref<!tpu.dma_semaphore, #tpu.memory_space<semaphore_mem>>)
          %dma_wait3A_156 = arith.constant 0 : i32
          %dma_wait3A_157 = arith.constant 0 : i32
          %dma_wait3A_158 = tpu.memref_slice %arg3[%add3A_146, %dma_wait3A_156, %dma_wait3A_157] : memref<2560x2x128xi32, #tpu.memory_space<hbm>> -> memref<1x2x128xi32, #tpu.memory_space<hbm>>
          %dma_wait3A_159 = tpu.memref_squeeze %dma_wait3A_158 : memref<1x2x128xi32, #tpu.memory_space<hbm>> -> memref<2x128xi32, #tpu.memory_space<hbm>>
          %dma_wait3A_160 = arith.constant 0 : i32
          %dma_wait3A_161 = arith.constant 0 : i32
          %dma_wait3A_162 = tpu.memref_slice %arg3[%add3A_146, %dma_wait3A_160, %dma_wait3A_161] : memref<2560x2x128xi32, #tpu.memory_space<hbm>> -> memref<1x2x128xi32, #tpu.memory_space<hbm>>
          %dma_wait3A_163 = tpu.memref_squeeze %dma_wait3A_162 : memref<1x2x128xi32, #tpu.memory_space<hbm>> -> memref<2x128xi32, #tpu.memory_space<hbm>>
          tpu.wait_dma2 semaphore(%run_scoped3A_147 : memref<!tpu.dma_semaphore, #tpu.memory_space<semaphore_mem>>) src(%dma_wait3A_163 : memref<2x128xi32, #tpu.memory_space<hbm>>) dst(%arg6 : memref<2x128xi32, #tpu.memory_space<vmem>>)
          tpu.yield
        }) : () -> ()
      } else {
      }
      %dma_wait3A = arith.constant 0 : i32
      %dma_wait3A_105 = arith.constant 0 : i32
      %dma_wait3A_106 = tpu.memref_slice %arg5[%dma_wait3A, %dma_wait3A_105] : memref<2x128xi32, #tpu.memory_space<vmem>> -> memref<1x128xi32, #tpu.memory_space<vmem>>
      %dma_wait3A_107 = tpu.memref_squeeze %dma_wait3A_106 : memref<1x128xi32, #tpu.memory_space<vmem>> -> memref<128xi32, #tpu.memory_space<vmem>>
      %dma_wait3A_108 = arith.constant 0 : i32
      %dma_wait3A_109 = arith.constant 0 : i32
      %dma_wait3A_110 = tpu.memref_slice %arg2[%dma_wait3A_108, %dma_wait3A_109] : memref<10000x128xf32, #tpu.memory_space<hbm>> -> memref<10000x128xf32, #tpu.memory_space<hbm>>
      tpu.wait_indirect_dma semaphore(%arg9 : memref<!tpu.dma_semaphore, #tpu.memory_space<semaphore_mem>>) src(%dma_wait3A_110 : memref<10000x128xf32, #tpu.memory_space<hbm>>) dst(%arg7 : memref<128x128xf32, #tpu.memory_space<vmem>>)
      %add3A_111 = arith.constant 1 : i32
      %add3A_112 = arith.addi %add3A_100, %add3A_111 : i32
      %lt3A_113 = arith.constant 80 : i32
      %lt3A_114 = arith.cmpi slt, %add3A_112, %lt3A_113 : i32
      %convert_element_type3A_115 = arith.extui %lt3A_114 : i1 to i32
      %cond3A_116 = arith.constant 0 : i32
      %cond3A_117 = arith.cmpi ne, %convert_element_type3A_115, %cond3A_116 : i32
      scf.if %cond3A_117 {
        %dma_start3A_144 = arith.constant 0 : i32
        %dma_start3A_145 = arith.constant 0 : i32
        %dma_start3A_146 = tpu.memref_slice %arg6[%dma_start3A_144, %dma_start3A_145] : memref<2x128xi32, #tpu.memory_space<vmem>> -> memref<1x128xi32, #tpu.memory_space<vmem>>
        %dma_start3A_147 = tpu.memref_squeeze %dma_start3A_146 : memref<1x128xi32, #tpu.memory_space<vmem>> -> memref<128xi32, #tpu.memory_space<vmem>>
        %dma_start3A_148 = arith.constant 0 : i32
        %dma_start3A_149 = arith.constant 0 : i32
        %dma_start3A_150 = tpu.memref_slice %arg2[%dma_start3A_148, %dma_start3A_149] : memref<10000x128xf32, #tpu.memory_space<hbm>> -> memref<10000x128xf32, #tpu.memory_space<hbm>>
        tpu.enqueue_indirect_dma source(%dma_start3A_150 : memref<10000x128xf32, #tpu.memory_space<hbm>>) target(%arg8 : memref<128x128xf32, #tpu.memory_space<vmem>>) offsets(%dma_start3A_147 : memref<128xi32, #tpu.memory_space<vmem>>) semaphore(%arg10 : memref<!tpu.dma_semaphore, #tpu.memory_space<semaphore_mem>>)
      } else {
      }
      %run_scoped3A = arith.constant 1 : i32
      "tpu.region"() ({
        %run_scoped3A_144 = tpu.sem_alloc : memref<!tpu.dma_semaphore, #tpu.memory_space<semaphore_mem>>
        %dma_start3A_145 = arith.constant 0 : i32
        %dma_start3A_146 = tpu.memref_slice %arg5[%run_scoped3A, %dma_start3A_145] : memref<2x128xi32, #tpu.memory_space<vmem>> -> memref<1x128xi32, #tpu.memory_space<vmem>>
        %dma_start3A_147 = tpu.memref_squeeze %dma_start3A_146 : memref<1x128xi32, #tpu.memory_space<vmem>> -> memref<128xi32, #tpu.memory_space<vmem>>
        %dma_start3A_148 = arith.constant 0 : i32
        %dma_start3A_149 = arith.constant 0 : i32
        %dma_start3A_150 = tpu.memref_slice %arg11[%dma_start3A_148, %dma_start3A_149] : memref<10240x128xf32, #tpu.memory_space<vmem_shared>> -> memref<10240x128xf32, #tpu.memory_space<vmem_shared>>
        tpu.enqueue_indirect_dma source(%arg7 : memref<128x128xf32, #tpu.memory_space<vmem>>) target(%dma_start3A_150 : memref<10240x128xf32, #tpu.memory_space<vmem_shared>>) offsets(%dma_start3A_147 : memref<128xi32, #tpu.memory_space<vmem>>) semaphore(%run_scoped3A_144 : memref<!tpu.dma_semaphore, #tpu.memory_space<semaphore_mem>>) {add = true}
        %dma_wait3A_151 = arith.constant 0 : i32
        %dma_wait3A_152 = tpu.memref_slice %arg5[%run_scoped3A, %dma_wait3A_151] : memref<2x128xi32, #tpu.memory_space<vmem>> -> memref<1x128xi32, #tpu.memory_space<vmem>>
        %dma_wait3A_153 = tpu.memref_squeeze %dma_wait3A_152 : memref<1x128xi32, #tpu.memory_space<vmem>> -> memref<128xi32, #tpu.memory_space<vmem>>
        %dma_wait3A_154 = arith.constant 0 : i32
        %dma_wait3A_155 = arith.constant 0 : i32
        %dma_wait3A_156 = tpu.memref_slice %arg11[%dma_wait3A_154, %dma_wait3A_155] : memref<10240x128xf32, #tpu.memory_space<vmem_shared>> -> memref<10240x128xf32, #tpu.memory_space<vmem_shared>>
        tpu.wait_indirect_dma semaphore(%run_scoped3A_144 : memref<!tpu.dma_semaphore, #tpu.memory_space<semaphore_mem>>) src(%arg7 : memref<128x128xf32, #tpu.memory_space<vmem>>) dst(%dma_wait3A_156 : memref<10240x128xf32, #tpu.memory_space<vmem_shared>>)
        tpu.yield
      }) : () -> ()
      %mul3A_118 = arith.constant 2 : i32
      %mul3A_119 = arith.muli %scan3A_96, %mul3A_118 : i32
      %add3A_120 = arith.constant 1 : i32
      %add3A_121 = arith.addi %mul3A_119, %add3A_120 : i32
      %add3A_122 = arith.constant 1 : i32
      %add3A_123 = arith.addi %add3A_121, %add3A_122 : i32
      %lt3A_124 = arith.constant 80 : i32
      %lt3A_125 = arith.cmpi slt, %add3A_123, %lt3A_124 : i32
      %convert_element_type3A_126 = arith.extui %lt3A_125 : i1 to i32
      %cond3A_127 = arith.constant 0 : i32
      %cond3A_128 = arith.cmpi ne, %convert_element_type3A_126, %cond3A_127 : i32
      scf.if %cond3A_128 {
        %add3A_144 = arith.addi %mul3A_27, %add3A_121 : i32
        %add3A_145 = arith.constant 1 : i32
        %add3A_146 = arith.addi %add3A_144, %add3A_145 : i32
        "tpu.region"() ({
          %run_scoped3A_147 = tpu.sem_alloc : memref<!tpu.dma_semaphore, #tpu.memory_space<semaphore_mem>>
          %dma_start3A_148 = arith.constant 0 : i32
          %dma_start3A_149 = arith.constant 0 : i32
          %dma_start3A_150 = tpu.memref_slice %arg3[%add3A_146, %dma_start3A_148, %dma_start3A_149] : memref<2560x2x128xi32, #tpu.memory_space<hbm>> -> memref<1x2x128xi32, #tpu.memory_space<hbm>>
          %dma_start3A_151 = tpu.memref_squeeze %dma_start3A_150 : memref<1x2x128xi32, #tpu.memory_space<hbm>> -> memref<2x128xi32, #tpu.memory_space<hbm>>
          %dma_start3A_152 = arith.constant 0 : i32
          %dma_start3A_153 = arith.constant 0 : i32
          %dma_start3A_154 = tpu.memref_slice %arg3[%add3A_146, %dma_start3A_152, %dma_start3A_153] : memref<2560x2x128xi32, #tpu.memory_space<hbm>> -> memref<1x2x128xi32, #tpu.memory_space<hbm>>
          %dma_start3A_155 = tpu.memref_squeeze %dma_start3A_154 : memref<1x2x128xi32, #tpu.memory_space<hbm>> -> memref<2x128xi32, #tpu.memory_space<hbm>>
          tpu.enqueue_dma source(%dma_start3A_155 : memref<2x128xi32, #tpu.memory_space<hbm>>) target(%arg5 : memref<2x128xi32, #tpu.memory_space<vmem>>) target_semaphore(%run_scoped3A_147 : memref<!tpu.dma_semaphore, #tpu.memory_space<semaphore_mem>>)
          %dma_wait3A_156 = arith.constant 0 : i32
          %dma_wait3A_157 = arith.constant 0 : i32
          %dma_wait3A_158 = tpu.memref_slice %arg3[%add3A_146, %dma_wait3A_156, %dma_wait3A_157] : memref<2560x2x128xi32, #tpu.memory_space<hbm>> -> memref<1x2x128xi32, #tpu.memory_space<hbm>>
          %dma_wait3A_159 = tpu.memref_squeeze %dma_wait3A_158 : memref<1x2x128xi32, #tpu.memory_space<hbm>> -> memref<2x128xi32, #tpu.memory_space<hbm>>
          %dma_wait3A_160 = arith.constant 0 : i32
          %dma_wait3A_161 = arith.constant 0 : i32
          %dma_wait3A_162 = tpu.memref_slice %arg3[%add3A_146, %dma_wait3A_160, %dma_wait3A_161] : memref<2560x2x128xi32, #tpu.memory_space<hbm>> -> memref<1x2x128xi32, #tpu.memory_space<hbm>>
          %dma_wait3A_163 = tpu.memref_squeeze %dma_wait3A_162 : memref<1x2x128xi32, #tpu.memory_space<hbm>> -> memref<2x128xi32, #tpu.memory_space<hbm>>
          tpu.wait_dma2 semaphore(%run_scoped3A_147 : memref<!tpu.dma_semaphore, #tpu.memory_space<semaphore_mem>>) src(%dma_wait3A_163 : memref<2x128xi32, #tpu.memory_space<hbm>>) dst(%arg5 : memref<2x128xi32, #tpu.memory_space<vmem>>)
          tpu.yield
        }) : () -> ()
      } else {
      }
      %dma_wait3A_129 = arith.constant 0 : i32
      %dma_wait3A_130 = arith.constant 0 : i32
      %dma_wait3A_131 = tpu.memref_slice %arg6[%dma_wait3A_129, %dma_wait3A_130] : memref<2x128xi32, #tpu.memory_space<vmem>> -> memref<1x128xi32, #tpu.memory_space<vmem>>
      %dma_wait3A_132 = tpu.memref_squeeze %dma_wait3A_131 : memref<1x128xi32, #tpu.memory_space<vmem>> -> memref<128xi32, #tpu.memory_space<vmem>>
      %dma_wait3A_133 = arith.constant 0 : i32
      %dma_wait3A_134 = arith.constant 0 : i32
      %dma_wait3A_135 = tpu.memref_slice %arg2[%dma_wait3A_133, %dma_wait3A_134] : memref<10000x128xf32, #tpu.memory_space<hbm>> -> memref<10000x128xf32, #tpu.memory_space<hbm>>
      tpu.wait_indirect_dma semaphore(%arg10 : memref<!tpu.dma_semaphore, #tpu.memory_space<semaphore_mem>>) src(%dma_wait3A_135 : memref<10000x128xf32, #tpu.memory_space<hbm>>) dst(%arg8 : memref<128x128xf32, #tpu.memory_space<vmem>>)
      %add3A_136 = arith.constant 1 : i32
      %add3A_137 = arith.addi %add3A_121, %add3A_136 : i32
      %lt3A_138 = arith.constant 80 : i32
      %lt3A_139 = arith.cmpi slt, %add3A_137, %lt3A_138 : i32
      %convert_element_type3A_140 = arith.extui %lt3A_139 : i1 to i32
      %cond3A_141 = arith.constant 0 : i32
      %cond3A_142 = arith.cmpi ne, %convert_element_type3A_140, %cond3A_141 : i32
      scf.if %cond3A_142 {
        %dma_start3A_144 = arith.constant 0 : i32
        %dma_start3A_145 = arith.constant 0 : i32
        %dma_start3A_146 = tpu.memref_slice %arg5[%dma_start3A_144, %dma_start3A_145] : memref<2x128xi32, #tpu.memory_space<vmem>> -> memref<1x128xi32, #tpu.memory_space<vmem>>
        %dma_start3A_147 = tpu.memref_squeeze %dma_start3A_146 : memref<1x128xi32, #tpu.memory_space<vmem>> -> memref<128xi32, #tpu.memory_space<vmem>>
        %dma_start3A_148 = arith.constant 0 : i32
        %dma_start3A_149 = arith.constant 0 : i32
        %dma_start3A_150 = tpu.memref_slice %arg2[%dma_start3A_148, %dma_start3A_149] : memref<10000x128xf32, #tpu.memory_space<hbm>> -> memref<10000x128xf32, #tpu.memory_space<hbm>>
        tpu.enqueue_indirect_dma source(%dma_start3A_150 : memref<10000x128xf32, #tpu.memory_space<hbm>>) target(%arg7 : memref<128x128xf32, #tpu.memory_space<vmem>>) offsets(%dma_start3A_147 : memref<128xi32, #tpu.memory_space<vmem>>) semaphore(%arg9 : memref<!tpu.dma_semaphore, #tpu.memory_space<semaphore_mem>>)
      } else {
      }
      %run_scoped3A_143 = arith.constant 1 : i32
      "tpu.region"() ({
        %run_scoped3A_144 = tpu.sem_alloc : memref<!tpu.dma_semaphore, #tpu.memory_space<semaphore_mem>>
        %dma_start3A_145 = arith.constant 0 : i32
        %dma_start3A_146 = tpu.memref_slice %arg6[%run_scoped3A_143, %dma_start3A_145] : memref<2x128xi32, #tpu.memory_space<vmem>> -> memref<1x128xi32, #tpu.memory_space<vmem>>
        %dma_start3A_147 = tpu.memref_squeeze %dma_start3A_146 : memref<1x128xi32, #tpu.memory_space<vmem>> -> memref<128xi32, #tpu.memory_space<vmem>>
        %dma_start3A_148 = arith.constant 0 : i32
        %dma_start3A_149 = arith.constant 0 : i32
        %dma_start3A_150 = tpu.memref_slice %arg11[%dma_start3A_148, %dma_start3A_149] : memref<10240x128xf32, #tpu.memory_space<vmem_shared>> -> memref<10240x128xf32, #tpu.memory_space<vmem_shared>>
        tpu.enqueue_indirect_dma source(%arg8 : memref<128x128xf32, #tpu.memory_space<vmem>>) target(%dma_start3A_150 : memref<10240x128xf32, #tpu.memory_space<vmem_shared>>) offsets(%dma_start3A_147 : memref<128xi32, #tpu.memory_space<vmem>>) semaphore(%run_scoped3A_144 : memref<!tpu.dma_semaphore, #tpu.memory_space<semaphore_mem>>) {add = true}
        %dma_wait3A_151 = arith.constant 0 : i32
        %dma_wait3A_152 = tpu.memref_slice %arg6[%run_scoped3A_143, %dma_wait3A_151] : memref<2x128xi32, #tpu.memory_space<vmem>> -> memref<1x128xi32, #tpu.memory_space<vmem>>
        %dma_wait3A_153 = tpu.memref_squeeze %dma_wait3A_152 : memref<1x128xi32, #tpu.memory_space<vmem>> -> memref<128xi32, #tpu.memory_space<vmem>>
        %dma_wait3A_154 = arith.constant 0 : i32
        %dma_wait3A_155 = arith.constant 0 : i32
        %dma_wait3A_156 = tpu.memref_slice %arg11[%dma_wait3A_154, %dma_wait3A_155] : memref<10240x128xf32, #tpu.memory_space<vmem_shared>> -> memref<10240x128xf32, #tpu.memory_space<vmem_shared>>
        tpu.wait_indirect_dma semaphore(%run_scoped3A_144 : memref<!tpu.dma_semaphore, #tpu.memory_space<semaphore_mem>>) src(%arg8 : memref<128x128xf32, #tpu.memory_space<vmem>>) dst(%dma_wait3A_156 : memref<10240x128xf32, #tpu.memory_space<vmem_shared>>)
        tpu.yield
      }) : () -> ()
    }
    %scan3A_39 = arith.constant 40 : i32
    %barrier3A_40 = arith.constant 0 : index
    tpu.barrier barrier_id(%barrier3A_40)
    %mul3A_41 = arith.constant 640 : i32
    %mul3A_42 = arith.muli %arg1, %mul3A_41 : i32
    %add3A_43 = arith.constant 0 : i32
    %add3A_44 = arith.addi %mul3A_42, %add3A_43 : i32
    "tpu.region"() ({
      %run_scoped3A = tpu.sem_alloc : memref<!tpu.dma_semaphore, #tpu.memory_space<semaphore_mem>>
      %dma_start3A_96 = arith.constant 0 : i32
      %dma_start3A_97 = tpu.memref_slice %arg11[%add3A_44, %dma_start3A_96] : memref<10240x128xf32, #tpu.memory_space<vmem_shared>> -> memref<128x128xf32, #tpu.memory_space<vmem_shared>>
      %dma_start3A_98 = arith.constant 0 : i32
      %dma_start3A_99 = tpu.memref_slice %arg11[%add3A_44, %dma_start3A_98] : memref<10240x128xf32, #tpu.memory_space<vmem_shared>> -> memref<128x128xf32, #tpu.memory_space<vmem_shared>>
      tpu.enqueue_dma source(%dma_start3A_99 : memref<128x128xf32, #tpu.memory_space<vmem_shared>>) target(%arg7 : memref<128x128xf32, #tpu.memory_space<vmem>>) target_semaphore(%run_scoped3A : memref<!tpu.dma_semaphore, #tpu.memory_space<semaphore_mem>>)
      %dma_wait3A = arith.constant 0 : i32
      %dma_wait3A_100 = tpu.memref_slice %arg11[%add3A_44, %dma_wait3A] : memref<10240x128xf32, #tpu.memory_space<vmem_shared>> -> memref<128x128xf32, #tpu.memory_space<vmem_shared>>
      %dma_wait3A_101 = arith.constant 0 : i32
      %dma_wait3A_102 = tpu.memref_slice %arg11[%add3A_44, %dma_wait3A_101] : memref<10240x128xf32, #tpu.memory_space<vmem_shared>> -> memref<128x128xf32, #tpu.memory_space<vmem_shared>>
      tpu.wait_dma2 semaphore(%run_scoped3A : memref<!tpu.dma_semaphore, #tpu.memory_space<semaphore_mem>>) src(%dma_wait3A_102 : memref<128x128xf32, #tpu.memory_space<vmem_shared>>) dst(%arg7 : memref<128x128xf32, #tpu.memory_space<vmem>>)
      tpu.yield
    }) : () -> ()
    %mul3A_45 = arith.constant 10240 : i32
    %mul3A_46 = arith.muli %arg0, %mul3A_45 : i32
    %mul3A_47 = arith.constant 640 : i32
    %mul3A_48 = arith.muli %arg1, %mul3A_47 : i32
    %add3A_49 = arith.addi %mul3A_46, %mul3A_48 : i32
    %add3A_50 = arith.constant 0 : i32
    %add3A_51 = arith.addi %add3A_49, %add3A_50 : i32
    "tpu.region"() ({
      %run_scoped3A = tpu.sem_alloc : memref<!tpu.dma_semaphore, #tpu.memory_space<semaphore_mem>>
      %dma_start3A_96 = arith.constant 0 : i32
      %dma_start3A_97 = tpu.memref_slice %arg4[%add3A_51, %dma_start3A_96] : memref<20480x128xf32, #tpu.memory_space<hbm>> -> memref<128x128xf32, #tpu.memory_space<hbm>>
      %dma_start3A_98 = arith.constant 0 : i32
      %dma_start3A_99 = tpu.memref_slice %arg4[%add3A_51, %dma_start3A_98] : memref<20480x128xf32, #tpu.memory_space<hbm>> -> memref<128x128xf32, #tpu.memory_space<hbm>>
      tpu.enqueue_dma source(%arg7 : memref<128x128xf32, #tpu.memory_space<vmem>>) target(%dma_start3A_99 : memref<128x128xf32, #tpu.memory_space<hbm>>) target_semaphore(%run_scoped3A : memref<!tpu.dma_semaphore, #tpu.memory_space<semaphore_mem>>)
      %dma_wait3A = arith.constant 0 : i32
      %dma_wait3A_100 = tpu.memref_slice %arg4[%add3A_51, %dma_wait3A] : memref<20480x128xf32, #tpu.memory_space<hbm>> -> memref<128x128xf32, #tpu.memory_space<hbm>>
      %dma_wait3A_101 = arith.constant 0 : i32
      %dma_wait3A_102 = tpu.memref_slice %arg4[%add3A_51, %dma_wait3A_101] : memref<20480x128xf32, #tpu.memory_space<hbm>> -> memref<128x128xf32, #tpu.memory_space<hbm>>
      tpu.wait_dma2 semaphore(%run_scoped3A : memref<!tpu.dma_semaphore, #tpu.memory_space<semaphore_mem>>) src(%arg7 : memref<128x128xf32, #tpu.memory_space<vmem>>) dst(%dma_wait3A_102 : memref<128x128xf32, #tpu.memory_space<hbm>>)
      tpu.yield
    }) : () -> ()
    %mul3A_52 = arith.constant 640 : i32
    %mul3A_53 = arith.muli %arg1, %mul3A_52 : i32
    %add3A_54 = arith.constant 128 : i32
    %add3A_55 = arith.addi %mul3A_53, %add3A_54 : i32
    "tpu.region"() ({
      %run_scoped3A = tpu.sem_alloc : memref<!tpu.dma_semaphore, #tpu.memory_space<semaphore_mem>>
      %dma_start3A_96 = arith.constant 0 : i32
      %dma_start3A_97 = tpu.memref_slice %arg11[%add3A_55, %dma_start3A_96] : memref<10240x128xf32, #tpu.memory_space<vmem_shared>> -> memref<128x128xf32, #tpu.memory_space<vmem_shared>>
      %dma_start3A_98 = arith.constant 0 : i32
      %dma_start3A_99 = tpu.memref_slice %arg11[%add3A_55, %dma_start3A_98] : memref<10240x128xf32, #tpu.memory_space<vmem_shared>> -> memref<128x128xf32, #tpu.memory_space<vmem_shared>>
      tpu.enqueue_dma source(%dma_start3A_99 : memref<128x128xf32, #tpu.memory_space<vmem_shared>>) target(%arg7 : memref<128x128xf32, #tpu.memory_space<vmem>>) target_semaphore(%run_scoped3A : memref<!tpu.dma_semaphore, #tpu.memory_space<semaphore_mem>>)
      %dma_wait3A = arith.constant 0 : i32
      %dma_wait3A_100 = tpu.memref_slice %arg11[%add3A_55, %dma_wait3A] : memref<10240x128xf32, #tpu.memory_space<vmem_shared>> -> memref<128x128xf32, #tpu.memory_space<vmem_shared>>
      %dma_wait3A_101 = arith.constant 0 : i32
      %dma_wait3A_102 = tpu.memref_slice %arg11[%add3A_55, %dma_wait3A_101] : memref<10240x128xf32, #tpu.memory_space<vmem_shared>> -> memref<128x128xf32, #tpu.memory_space<vmem_shared>>
      tpu.wait_dma2 semaphore(%run_scoped3A : memref<!tpu.dma_semaphore, #tpu.memory_space<semaphore_mem>>) src(%dma_wait3A_102 : memref<128x128xf32, #tpu.memory_space<vmem_shared>>) dst(%arg7 : memref<128x128xf32, #tpu.memory_space<vmem>>)
      tpu.yield
    }) : () -> ()
    %mul3A_56 = arith.constant 10240 : i32
    %mul3A_57 = arith.muli %arg0, %mul3A_56 : i32
    %mul3A_58 = arith.constant 640 : i32
    %mul3A_59 = arith.muli %arg1, %mul3A_58 : i32
    %add3A_60 = arith.addi %mul3A_57, %mul3A_59 : i32
    %add3A_61 = arith.constant 128 : i32
    %add3A_62 = arith.addi %add3A_60, %add3A_61 : i32
    "tpu.region"() ({
      %run_scoped3A = tpu.sem_alloc : memref<!tpu.dma_semaphore, #tpu.memory_space<semaphore_mem>>
      %dma_start3A_96 = arith.constant 0 : i32
      %dma_start3A_97 = tpu.memref_slice %arg4[%add3A_62, %dma_start3A_96] : memref<20480x128xf32, #tpu.memory_space<hbm>> -> memref<128x128xf32, #tpu.memory_space<hbm>>
      %dma_start3A_98 = arith.constant 0 : i32
      %dma_start3A_99 = tpu.memref_slice %arg4[%add3A_62, %dma_start3A_98] : memref<20480x128xf32, #tpu.memory_space<hbm>> -> memref<128x128xf32, #tpu.memory_space<hbm>>
      tpu.enqueue_dma source(%arg7 : memref<128x128xf32, #tpu.memory_space<vmem>>) target(%dma_start3A_99 : memref<128x128xf32, #tpu.memory_space<hbm>>) target_semaphore(%run_scoped3A : memref<!tpu.dma_semaphore, #tpu.memory_space<semaphore_mem>>)
      %dma_wait3A = arith.constant 0 : i32
      %dma_wait3A_100 = tpu.memref_slice %arg4[%add3A_62, %dma_wait3A] : memref<20480x128xf32, #tpu.memory_space<hbm>> -> memref<128x128xf32, #tpu.memory_space<hbm>>
      %dma_wait3A_101 = arith.constant 0 : i32
      %dma_wait3A_102 = tpu.memref_slice %arg4[%add3A_62, %dma_wait3A_101] : memref<20480x128xf32, #tpu.memory_space<hbm>> -> memref<128x128xf32, #tpu.memory_space<hbm>>
      tpu.wait_dma2 semaphore(%run_scoped3A : memref<!tpu.dma_semaphore, #tpu.memory_space<semaphore_mem>>) src(%arg7 : memref<128x128xf32, #tpu.memory_space<vmem>>) dst(%dma_wait3A_102 : memref<128x128xf32, #tpu.memory_space<hbm>>)
      tpu.yield
    }) : () -> ()
    %mul3A_63 = arith.constant 640 : i32
    %mul3A_64 = arith.muli %arg1, %mul3A_63 : i32
    %add3A_65 = arith.constant 256 : i32
    %add3A_66 = arith.addi %mul3A_64, %add3A_65 : i32
    "tpu.region"() ({
      %run_scoped3A = tpu.sem_alloc : memref<!tpu.dma_semaphore, #tpu.memory_space<semaphore_mem>>
      %dma_start3A_96 = arith.constant 0 : i32
      %dma_start3A_97 = tpu.memref_slice %arg11[%add3A_66, %dma_start3A_96] : memref<10240x128xf32, #tpu.memory_space<vmem_shared>> -> memref<128x128xf32, #tpu.memory_space<vmem_shared>>
      %dma_start3A_98 = arith.constant 0 : i32
      %dma_start3A_99 = tpu.memref_slice %arg11[%add3A_66, %dma_start3A_98] : memref<10240x128xf32, #tpu.memory_space<vmem_shared>> -> memref<128x128xf32, #tpu.memory_space<vmem_shared>>
      tpu.enqueue_dma source(%dma_start3A_99 : memref<128x128xf32, #tpu.memory_space<vmem_shared>>) target(%arg7 : memref<128x128xf32, #tpu.memory_space<vmem>>) target_semaphore(%run_scoped3A : memref<!tpu.dma_semaphore, #tpu.memory_space<semaphore_mem>>)
      %dma_wait3A = arith.constant 0 : i32
      %dma_wait3A_100 = tpu.memref_slice %arg11[%add3A_66, %dma_wait3A] : memref<10240x128xf32, #tpu.memory_space<vmem_shared>> -> memref<128x128xf32, #tpu.memory_space<vmem_shared>>
      %dma_wait3A_101 = arith.constant 0 : i32
      %dma_wait3A_102 = tpu.memref_slice %arg11[%add3A_66, %dma_wait3A_101] : memref<10240x128xf32, #tpu.memory_space<vmem_shared>> -> memref<128x128xf32, #tpu.memory_space<vmem_shared>>
      tpu.wait_dma2 semaphore(%run_scoped3A : memref<!tpu.dma_semaphore, #tpu.memory_space<semaphore_mem>>) src(%dma_wait3A_102 : memref<128x128xf32, #tpu.memory_space<vmem_shared>>) dst(%arg7 : memref<128x128xf32, #tpu.memory_space<vmem>>)
      tpu.yield
    }) : () -> ()
    %mul3A_67 = arith.constant 10240 : i32
    %mul3A_68 = arith.muli %arg0, %mul3A_67 : i32
    %mul3A_69 = arith.constant 640 : i32
    %mul3A_70 = arith.muli %arg1, %mul3A_69 : i32
    %add3A_71 = arith.addi %mul3A_68, %mul3A_70 : i32
    %add3A_72 = arith.constant 256 : i32
    %add3A_73 = arith.addi %add3A_71, %add3A_72 : i32
    "tpu.region"() ({
      %run_scoped3A = tpu.sem_alloc : memref<!tpu.dma_semaphore, #tpu.memory_space<semaphore_mem>>
      %dma_start3A_96 = arith.constant 0 : i32
      %dma_start3A_97 = tpu.memref_slice %arg4[%add3A_73, %dma_start3A_96] : memref<20480x128xf32, #tpu.memory_space<hbm>> -> memref<128x128xf32, #tpu.memory_space<hbm>>
      %dma_start3A_98 = arith.constant 0 : i32
      %dma_start3A_99 = tpu.memref_slice %arg4[%add3A_73, %dma_start3A_98] : memref<20480x128xf32, #tpu.memory_space<hbm>> -> memref<128x128xf32, #tpu.memory_space<hbm>>
      tpu.enqueue_dma source(%arg7 : memref<128x128xf32, #tpu.memory_space<vmem>>) target(%dma_start3A_99 : memref<128x128xf32, #tpu.memory_space<hbm>>) target_semaphore(%run_scoped3A : memref<!tpu.dma_semaphore, #tpu.memory_space<semaphore_mem>>)
      %dma_wait3A = arith.constant 0 : i32
      %dma_wait3A_100 = tpu.memref_slice %arg4[%add3A_73, %dma_wait3A] : memref<20480x128xf32, #tpu.memory_space<hbm>> -> memref<128x128xf32, #tpu.memory_space<hbm>>
      %dma_wait3A_101 = arith.constant 0 : i32
      %dma_wait3A_102 = tpu.memref_slice %arg4[%add3A_73, %dma_wait3A_101] : memref<20480x128xf32, #tpu.memory_space<hbm>> -> memref<128x128xf32, #tpu.memory_space<hbm>>
      tpu.wait_dma2 semaphore(%run_scoped3A : memref<!tpu.dma_semaphore, #tpu.memory_space<semaphore_mem>>) src(%arg7 : memref<128x128xf32, #tpu.memory_space<vmem>>) dst(%dma_wait3A_102 : memref<128x128xf32, #tpu.memory_space<hbm>>)
      tpu.yield
    }) : () -> ()
    %mul3A_74 = arith.constant 640 : i32
    %mul3A_75 = arith.muli %arg1, %mul3A_74 : i32
    %add3A_76 = arith.constant 384 : i32
    %add3A_77 = arith.addi %mul3A_75, %add3A_76 : i32
    "tpu.region"() ({
      %run_scoped3A = tpu.sem_alloc : memref<!tpu.dma_semaphore, #tpu.memory_space<semaphore_mem>>
      %dma_start3A_96 = arith.constant 0 : i32
      %dma_start3A_97 = tpu.memref_slice %arg11[%add3A_77, %dma_start3A_96] : memref<10240x128xf32, #tpu.memory_space<vmem_shared>> -> memref<128x128xf32, #tpu.memory_space<vmem_shared>>
      %dma_start3A_98 = arith.constant 0 : i32
      %dma_start3A_99 = tpu.memref_slice %arg11[%add3A_77, %dma_start3A_98] : memref<10240x128xf32, #tpu.memory_space<vmem_shared>> -> memref<128x128xf32, #tpu.memory_space<vmem_shared>>
      tpu.enqueue_dma source(%dma_start3A_99 : memref<128x128xf32, #tpu.memory_space<vmem_shared>>) target(%arg7 : memref<128x128xf32, #tpu.memory_space<vmem>>) target_semaphore(%run_scoped3A : memref<!tpu.dma_semaphore, #tpu.memory_space<semaphore_mem>>)
      %dma_wait3A = arith.constant 0 : i32
      %dma_wait3A_100 = tpu.memref_slice %arg11[%add3A_77, %dma_wait3A] : memref<10240x128xf32, #tpu.memory_space<vmem_shared>> -> memref<128x128xf32, #tpu.memory_space<vmem_shared>>
      %dma_wait3A_101 = arith.constant 0 : i32
      %dma_wait3A_102 = tpu.memref_slice %arg11[%add3A_77, %dma_wait3A_101] : memref<10240x128xf32, #tpu.memory_space<vmem_shared>> -> memref<128x128xf32, #tpu.memory_space<vmem_shared>>
      tpu.wait_dma2 semaphore(%run_scoped3A : memref<!tpu.dma_semaphore, #tpu.memory_space<semaphore_mem>>) src(%dma_wait3A_102 : memref<128x128xf32, #tpu.memory_space<vmem_shared>>) dst(%arg7 : memref<128x128xf32, #tpu.memory_space<vmem>>)
      tpu.yield
    }) : () -> ()
    %mul3A_78 = arith.constant 10240 : i32
    %mul3A_79 = arith.muli %arg0, %mul3A_78 : i32
    %mul3A_80 = arith.constant 640 : i32
    %mul3A_81 = arith.muli %arg1, %mul3A_80 : i32
    %add3A_82 = arith.addi %mul3A_79, %mul3A_81 : i32
    %add3A_83 = arith.constant 384 : i32
    %add3A_84 = arith.addi %add3A_82, %add3A_83 : i32
    "tpu.region"() ({
      %run_scoped3A = tpu.sem_alloc : memref<!tpu.dma_semaphore, #tpu.memory_space<semaphore_mem>>
      %dma_start3A_96 = arith.constant 0 : i32
      %dma_start3A_97 = tpu.memref_slice %arg4[%add3A_84, %dma_start3A_96] : memref<20480x128xf32, #tpu.memory_space<hbm>> -> memref<128x128xf32, #tpu.memory_space<hbm>>
      %dma_start3A_98 = arith.constant 0 : i32
      %dma_start3A_99 = tpu.memref_slice %arg4[%add3A_84, %dma_start3A_98] : memref<20480x128xf32, #tpu.memory_space<hbm>> -> memref<128x128xf32, #tpu.memory_space<hbm>>
      tpu.enqueue_dma source(%arg7 : memref<128x128xf32, #tpu.memory_space<vmem>>) target(%dma_start3A_99 : memref<128x128xf32, #tpu.memory_space<hbm>>) target_semaphore(%run_scoped3A : memref<!tpu.dma_semaphore, #tpu.memory_space<semaphore_mem>>)
      %dma_wait3A = arith.constant 0 : i32
      %dma_wait3A_100 = tpu.memref_slice %arg4[%add3A_84, %dma_wait3A] : memref<20480x128xf32, #tpu.memory_space<hbm>> -> memref<128x128xf32, #tpu.memory_space<hbm>>
      %dma_wait3A_101 = arith.constant 0 : i32
      %dma_wait3A_102 = tpu.memref_slice %arg4[%add3A_84, %dma_wait3A_101] : memref<20480x128xf32, #tpu.memory_space<hbm>> -> memref<128x128xf32, #tpu.memory_space<hbm>>
      tpu.wait_dma2 semaphore(%run_scoped3A : memref<!tpu.dma_semaphore, #tpu.memory_space<semaphore_mem>>) src(%arg7 : memref<128x128xf32, #tpu.memory_space<vmem>>) dst(%dma_wait3A_102 : memref<128x128xf32, #tpu.memory_space<hbm>>)
      tpu.yield
    }) : () -> ()
    %mul3A_85 = arith.constant 640 : i32
    %mul3A_86 = arith.muli %arg1, %mul3A_85 : i32
    %add3A_87 = arith.constant 512 : i32
    %add3A_88 = arith.addi %mul3A_86, %add3A_87 : i32
    "tpu.region"() ({
      %run_scoped3A = tpu.sem_alloc : memref<!tpu.dma_semaphore, #tpu.memory_space<semaphore_mem>>
      %dma_start3A_96 = arith.constant 0 : i32
      %dma_start3A_97 = tpu.memref_slice %arg11[%add3A_88, %dma_start3A_96] : memref<10240x128xf32, #tpu.memory_space<vmem_shared>> -> memref<128x128xf32, #tpu.memory_space<vmem_shared>>
      %dma_start3A_98 = arith.constant 0 : i32
      %dma_start3A_99 = tpu.memref_slice %arg11[%add3A_88, %dma_start3A_98] : memref<10240x128xf32, #tpu.memory_space<vmem_shared>> -> memref<128x128xf32, #tpu.memory_space<vmem_shared>>
      tpu.enqueue_dma source(%dma_start3A_99 : memref<128x128xf32, #tpu.memory_space<vmem_shared>>) target(%arg7 : memref<128x128xf32, #tpu.memory_space<vmem>>) target_semaphore(%run_scoped3A : memref<!tpu.dma_semaphore, #tpu.memory_space<semaphore_mem>>)
      %dma_wait3A = arith.constant 0 : i32
      %dma_wait3A_100 = tpu.memref_slice %arg11[%add3A_88, %dma_wait3A] : memref<10240x128xf32, #tpu.memory_space<vmem_shared>> -> memref<128x128xf32, #tpu.memory_space<vmem_shared>>
      %dma_wait3A_101 = arith.constant 0 : i32
      %dma_wait3A_102 = tpu.memref_slice %arg11[%add3A_88, %dma_wait3A_101] : memref<10240x128xf32, #tpu.memory_space<vmem_shared>> -> memref<128x128xf32, #tpu.memory_space<vmem_shared>>
      tpu.wait_dma2 semaphore(%run_scoped3A : memref<!tpu.dma_semaphore, #tpu.memory_space<semaphore_mem>>) src(%dma_wait3A_102 : memref<128x128xf32, #tpu.memory_space<vmem_shared>>) dst(%arg7 : memref<128x128xf32, #tpu.memory_space<vmem>>)
      tpu.yield
    }) : () -> ()
    %mul3A_89 = arith.constant 10240 : i32
    %mul3A_90 = arith.muli %arg0, %mul3A_89 : i32
    %mul3A_91 = arith.constant 640 : i32
    %mul3A_92 = arith.muli %arg1, %mul3A_91 : i32
    %add3A_93 = arith.addi %mul3A_90, %mul3A_92 : i32
    %add3A_94 = arith.constant 512 : i32
    %add3A_95 = arith.addi %add3A_93, %add3A_94 : i32
    "tpu.region"() ({
      %run_scoped3A = tpu.sem_alloc : memref<!tpu.dma_semaphore, #tpu.memory_space<semaphore_mem>>
      %dma_start3A_96 = arith.constant 0 : i32
      %dma_start3A_97 = tpu.memref_slice %arg4[%add3A_95, %dma_start3A_96] : memref<20480x128xf32, #tpu.memory_space<hbm>> -> memref<128x128xf32, #tpu.memory_space<hbm>>
      %dma_start3A_98 = arith.constant 0 : i32
      %dma_start3A_99 = tpu.memref_slice %arg4[%add3A_95, %dma_start3A_98] : memref<20480x128xf32, #tpu.memory_space<hbm>> -> memref<128x128xf32, #tpu.memory_space<hbm>>
      tpu.enqueue_dma source(%arg7 : memref<128x128xf32, #tpu.memory_space<vmem>>) target(%dma_start3A_99 : memref<128x128xf32, #tpu.memory_space<hbm>>) target_semaphore(%run_scoped3A : memref<!tpu.dma_semaphore, #tpu.memory_space<semaphore_mem>>)
      %dma_wait3A = arith.constant 0 : i32
      %dma_wait3A_100 = tpu.memref_slice %arg4[%add3A_95, %dma_wait3A] : memref<20480x128xf32, #tpu.memory_space<hbm>> -> memref<128x128xf32, #tpu.memory_space<hbm>>
      %dma_wait3A_101 = arith.constant 0 : i32
      %dma_wait3A_102 = tpu.memref_slice %arg4[%add3A_95, %dma_wait3A_101] : memref<20480x128xf32, #tpu.memory_space<hbm>> -> memref<128x128xf32, #tpu.memory_space<hbm>>
      tpu.wait_dma2 semaphore(%run_scoped3A : memref<!tpu.dma_semaphore, #tpu.memory_space<semaphore_mem>>) src(%arg7 : memref<128x128xf32, #tpu.memory_space<vmem>>) dst(%dma_wait3A_102 : memref<128x128xf32, #tpu.memory_space<hbm>>)
      tpu.yield
    }) : () -> ()
    return
  }
}

#map = affine_map<(d0, d1) -> (0)>
#map1 = affine_map<(d0, d1) -> (0, 0, 0)>
module attributes {stable_mosaic.version = 14 : i64} {
  func.func @scal_call(%arg0: i32, %arg1: i32, %arg2: memref<10000xf32, #tpu.memory_space<hbm>>, %arg3: memref<2560x2x128xi32, #tpu.memory_space<hbm>>, %arg4: memref<20480xf32, #tpu.memory_space<hbm>>, %arg5: memref<2x128xi32, #tpu.memory_space<vmem>>, %arg6: memref<2x128xi32, #tpu.memory_space<vmem>>, %arg7: memref<2x128xi32, #tpu.memory_space<vmem>>, %arg8: memref<2x128xi32, #tpu.memory_space<vmem>>, %arg9: memref<128xf32, #tpu.memory_space<vmem>>, %arg10: memref<128xf32, #tpu.memory_space<vmem>>, %arg11: memref<128xf32, #tpu.memory_space<vmem>>, %arg12: memref<128xf32, #tpu.memory_space<vmem>>, %arg13: memref<!tpu.dma_semaphore, #tpu.memory_space<semaphore_mem>>, %arg14: memref<!tpu.dma_semaphore, #tpu.memory_space<semaphore_mem>>, %arg15: memref<!tpu.dma_semaphore, #tpu.memory_space<semaphore_mem>>, %arg16: memref<!tpu.dma_semaphore, #tpu.memory_space<semaphore_mem>>, %arg17: memref<640xf32, #tpu.memory_space<vmem>>, %arg18: memref<10240xf32, #tpu.memory_space<vmem_shared>>) attributes {dimension_semantics = [#tpu.dimension_semantics<core_parallel>, #tpu.dimension_semantics<subcore_parallel>], iteration_bounds = array<i64: 2, 16>, scalar_prefetch = 0 : i64, scratch_operands = 14 : i64, tpu.core_type = #tpu.core_type<sc_vector_subcore>, window_params = [{transform_indices = #map}, {transform_indices = #map1}, {transform_indices = #map}]} {
    %mul3A = arith.constant 16 : i32
    %mul3A_0 = arith.muli %arg0, %mul3A : i32
    %add3A = arith.addi %mul3A_0, %arg1 : i32
    %broadcast_in_dim3A = arith.constant 0.000000e+00 : f32
    %broadcast_in_dim3A_1 = vector.broadcast %broadcast_in_dim3A : f32 to vector<16xf32>
    %swap3A = arith.constant 0 : index
    %swap3A_2 = tpu.vector_load %arg17[%swap3A] {strides = array<i32>} : memref<640xf32, #tpu.memory_space<vmem>>, vector<16xf32>,
    %swap3A_3 = vector.shape_cast %swap3A_2 : vector<16xf32> to vector<16xf32>
    %swap3A_4 = vector.shape_cast %broadcast_in_dim3A_1 : vector<16xf32> to vector<16xf32>
    tpu.vector_store %arg17[%swap3A], %swap3A_4 {strides = array<i32>} : memref<640xf32, #tpu.memory_space<vmem>>, vector<16xf32>,
    %broadcast_in_dim3A_5 = arith.constant 0.000000e+00 : f32
    %broadcast_in_dim3A_6 = vector.broadcast %broadcast_in_dim3A_5 : f32 to vector<16xf32>
    %swap3A_7 = arith.constant 16 : index
    %swap3A_8 = tpu.vector_load %arg17[%swap3A_7] {strides = array<i32>} : memref<640xf32, #tpu.memory_space<vmem>>, vector<16xf32>,
    %swap3A_9 = vector.shape_cast %swap3A_8 : vector<16xf32> to vector<16xf32>
    %swap3A_10 = vector.shape_cast %broadcast_in_dim3A_6 : vector<16xf32> to vector<16xf32>
    tpu.vector_store %arg17[%swap3A_7], %swap3A_10 {strides = array<i32>} : memref<640xf32, #tpu.memory_space<vmem>>, vector<16xf32>,
    %broadcast_in_dim3A_11 = arith.constant 0.000000e+00 : f32
    %broadcast_in_dim3A_12 = vector.broadcast %broadcast_in_dim3A_11 : f32 to vector<16xf32>
    %swap3A_13 = arith.constant 32 : index
    %swap3A_14 = tpu.vector_load %arg17[%swap3A_13] {strides = array<i32>} : memref<640xf32, #tpu.memory_space<vmem>>, vector<16xf32>,
    %swap3A_15 = vector.shape_cast %swap3A_14 : vector<16xf32> to vector<16xf32>
    %swap3A_16 = vector.shape_cast %broadcast_in_dim3A_12 : vector<16xf32> to vector<16xf32>
    tpu.vector_store %arg17[%swap3A_13], %swap3A_16 {strides = array<i32>} : memref<640xf32, #tpu.memory_space<vmem>>, vector<16xf32>,
    %broadcast_in_dim3A_17 = arith.constant 0.000000e+00 : f32
    %broadcast_in_dim3A_18 = vector.broadcast %broadcast_in_dim3A_17 : f32 to vector<16xf32>
    %swap3A_19 = arith.constant 48 : index
    %swap3A_20 = tpu.vector_load %arg17[%swap3A_19] {strides = array<i32>} : memref<640xf32, #tpu.memory_space<vmem>>, vector<16xf32>,
    %swap3A_21 = vector.shape_cast %swap3A_20 : vector<16xf32> to vector<16xf32>
    %swap3A_22 = vector.shape_cast %broadcast_in_dim3A_18 : vector<16xf32> to vector<16xf32>
    tpu.vector_store %arg17[%swap3A_19], %swap3A_22 {strides = array<i32>} : memref<640xf32, #tpu.memory_space<vmem>>, vector<16xf32>,
    %broadcast_in_dim3A_23 = arith.constant 0.000000e+00 : f32
    %broadcast_in_dim3A_24 = vector.broadcast %broadcast_in_dim3A_23 : f32 to vector<16xf32>
    %swap3A_25 = arith.constant 64 : index
    %swap3A_26 = tpu.vector_load %arg17[%swap3A_25] {strides = array<i32>} : memref<640xf32, #tpu.memory_space<vmem>>, vector<16xf32>,
    %swap3A_27 = vector.shape_cast %swap3A_26 : vector<16xf32> to vector<16xf32>
    %swap3A_28 = vector.shape_cast %broadcast_in_dim3A_24 : vector<16xf32> to vector<16xf32>
    tpu.vector_store %arg17[%swap3A_25], %swap3A_28 {strides = array<i32>} : memref<640xf32, #tpu.memory_space<vmem>>, vector<16xf32>,
    %broadcast_in_dim3A_29 = arith.constant 0.000000e+00 : f32
    %broadcast_in_dim3A_30 = vector.broadcast %broadcast_in_dim3A_29 : f32 to vector<16xf32>
    %swap3A_31 = arith.constant 80 : index
    %swap3A_32 = tpu.vector_load %arg17[%swap3A_31] {strides = array<i32>} : memref<640xf32, #tpu.memory_space<vmem>>, vector<16xf32>,
    %swap3A_33 = vector.shape_cast %swap3A_32 : vector<16xf32> to vector<16xf32>
    %swap3A_34 = vector.shape_cast %broadcast_in_dim3A_30 : vector<16xf32> to vector<16xf32>
    tpu.vector_store %arg17[%swap3A_31], %swap3A_34 {strides = array<i32>} : memref<640xf32, #tpu.memory_space<vmem>>, vector<16xf32>,
    %broadcast_in_dim3A_35 = arith.constant 0.000000e+00 : f32
    %broadcast_in_dim3A_36 = vector.broadcast %broadcast_in_dim3A_35 : f32 to vector<16xf32>
    %swap3A_37 = arith.constant 96 : index
    %swap3A_38 = tpu.vector_load %arg17[%swap3A_37] {strides = array<i32>} : memref<640xf32, #tpu.memory_space<vmem>>, vector<16xf32>,
    %swap3A_39 = vector.shape_cast %swap3A_38 : vector<16xf32> to vector<16xf32>
    %swap3A_40 = vector.shape_cast %broadcast_in_dim3A_36 : vector<16xf32> to vector<16xf32>
    tpu.vector_store %arg17[%swap3A_37], %swap3A_40 {strides = array<i32>} : memref<640xf32, #tpu.memory_space<vmem>>, vector<16xf32>,
    %broadcast_in_dim3A_41 = arith.constant 0.000000e+00 : f32
    %broadcast_in_dim3A_42 = vector.broadcast %broadcast_in_dim3A_41 : f32 to vector<16xf32>
    %swap3A_43 = arith.constant 112 : index
    %swap3A_44 = tpu.vector_load %arg17[%swap3A_43] {strides = array<i32>} : memref<640xf32, #tpu.memory_space<vmem>>, vector<16xf32>,
    %swap3A_45 = vector.shape_cast %swap3A_44 : vector<16xf32> to vector<16xf32>
    %swap3A_46 = vector.shape_cast %broadcast_in_dim3A_42 : vector<16xf32> to vector<16xf32>
    tpu.vector_store %arg17[%swap3A_43], %swap3A_46 {strides = array<i32>} : memref<640xf32, #tpu.memory_space<vmem>>, vector<16xf32>,
    %broadcast_in_dim3A_47 = arith.constant 0.000000e+00 : f32
    %broadcast_in_dim3A_48 = vector.broadcast %broadcast_in_dim3A_47 : f32 to vector<16xf32>
    %swap3A_49 = arith.constant 128 : index
    %swap3A_50 = tpu.vector_load %arg17[%swap3A_49] {strides = array<i32>} : memref<640xf32, #tpu.memory_space<vmem>>, vector<16xf32>,
    %swap3A_51 = vector.shape_cast %swap3A_50 : vector<16xf32> to vector<16xf32>
    %swap3A_52 = vector.shape_cast %broadcast_in_dim3A_48 : vector<16xf32> to vector<16xf32>
    tpu.vector_store %arg17[%swap3A_49], %swap3A_52 {strides = array<i32>} : memref<640xf32, #tpu.memory_space<vmem>>, vector<16xf32>,
    %broadcast_in_dim3A_53 = arith.constant 0.000000e+00 : f32
    %broadcast_in_dim3A_54 = vector.broadcast %broadcast_in_dim3A_53 : f32 to vector<16xf32>
    %swap3A_55 = arith.constant 144 : index
    %swap3A_56 = tpu.vector_load %arg17[%swap3A_55] {strides = array<i32>} : memref<640xf32, #tpu.memory_space<vmem>>, vector<16xf32>,
    %swap3A_57 = vector.shape_cast %swap3A_56 : vector<16xf32> to vector<16xf32>
    %swap3A_58 = vector.shape_cast %broadcast_in_dim3A_54 : vector<16xf32> to vector<16xf32>
    tpu.vector_store %arg17[%swap3A_55], %swap3A_58 {strides = array<i32>} : memref<640xf32, #tpu.memory_space<vmem>>, vector<16xf32>,
    %broadcast_in_dim3A_59 = arith.constant 0.000000e+00 : f32
    %broadcast_in_dim3A_60 = vector.broadcast %broadcast_in_dim3A_59 : f32 to vector<16xf32>
    %swap3A_61 = arith.constant 160 : index
    %swap3A_62 = tpu.vector_load %arg17[%swap3A_61] {strides = array<i32>} : memref<640xf32, #tpu.memory_space<vmem>>, vector<16xf32>,
    %swap3A_63 = vector.shape_cast %swap3A_62 : vector<16xf32> to vector<16xf32>
    %swap3A_64 = vector.shape_cast %broadcast_in_dim3A_60 : vector<16xf32> to vector<16xf32>
    tpu.vector_store %arg17[%swap3A_61], %swap3A_64 {strides = array<i32>} : memref<640xf32, #tpu.memory_space<vmem>>, vector<16xf32>,
    %broadcast_in_dim3A_65 = arith.constant 0.000000e+00 : f32
    %broadcast_in_dim3A_66 = vector.broadcast %broadcast_in_dim3A_65 : f32 to vector<16xf32>
    %swap3A_67 = arith.constant 176 : index
    %swap3A_68 = tpu.vector_load %arg17[%swap3A_67] {strides = array<i32>} : memref<640xf32, #tpu.memory_space<vmem>>, vector<16xf32>,
    %swap3A_69 = vector.shape_cast %swap3A_68 : vector<16xf32> to vector<16xf32>
    %swap3A_70 = vector.shape_cast %broadcast_in_dim3A_66 : vector<16xf32> to vector<16xf32>
    tpu.vector_store %arg17[%swap3A_67], %swap3A_70 {strides = array<i32>} : memref<640xf32, #tpu.memory_space<vmem>>, vector<16xf32>,
    %broadcast_in_dim3A_71 = arith.constant 0.000000e+00 : f32
    %broadcast_in_dim3A_72 = vector.broadcast %broadcast_in_dim3A_71 : f32 to vector<16xf32>
    %swap3A_73 = arith.constant 192 : index
    %swap3A_74 = tpu.vector_load %arg17[%swap3A_73] {strides = array<i32>} : memref<640xf32, #tpu.memory_space<vmem>>, vector<16xf32>,
    %swap3A_75 = vector.shape_cast %swap3A_74 : vector<16xf32> to vector<16xf32>
    %swap3A_76 = vector.shape_cast %broadcast_in_dim3A_72 : vector<16xf32> to vector<16xf32>
    tpu.vector_store %arg17[%swap3A_73], %swap3A_76 {strides = array<i32>} : memref<640xf32, #tpu.memory_space<vmem>>, vector<16xf32>,
    %broadcast_in_dim3A_77 = arith.constant 0.000000e+00 : f32
    %broadcast_in_dim3A_78 = vector.broadcast %broadcast_in_dim3A_77 : f32 to vector<16xf32>
    %swap3A_79 = arith.constant 208 : index
    %swap3A_80 = tpu.vector_load %arg17[%swap3A_79] {strides = array<i32>} : memref<640xf32, #tpu.memory_space<vmem>>, vector<16xf32>,
    %swap3A_81 = vector.shape_cast %swap3A_80 : vector<16xf32> to vector<16xf32>
    %swap3A_82 = vector.shape_cast %broadcast_in_dim3A_78 : vector<16xf32> to vector<16xf32>
    tpu.vector_store %arg17[%swap3A_79], %swap3A_82 {strides = array<i32>} : memref<640xf32, #tpu.memory_space<vmem>>, vector<16xf32>,
    %broadcast_in_dim3A_83 = arith.constant 0.000000e+00 : f32
    %broadcast_in_dim3A_84 = vector.broadcast %broadcast_in_dim3A_83 : f32 to vector<16xf32>
    %swap3A_85 = arith.constant 224 : index
    %swap3A_86 = tpu.vector_load %arg17[%swap3A_85] {strides = array<i32>} : memref<640xf32, #tpu.memory_space<vmem>>, vector<16xf32>,
    %swap3A_87 = vector.shape_cast %swap3A_86 : vector<16xf32> to vector<16xf32>
    %swap3A_88 = vector.shape_cast %broadcast_in_dim3A_84 : vector<16xf32> to vector<16xf32>
    tpu.vector_store %arg17[%swap3A_85], %swap3A_88 {strides = array<i32>} : memref<640xf32, #tpu.memory_space<vmem>>, vector<16xf32>,
    %broadcast_in_dim3A_89 = arith.constant 0.000000e+00 : f32
    %broadcast_in_dim3A_90 = vector.broadcast %broadcast_in_dim3A_89 : f32 to vector<16xf32>
    %swap3A_91 = arith.constant 240 : index
    %swap3A_92 = tpu.vector_load %arg17[%swap3A_91] {strides = array<i32>} : memref<640xf32, #tpu.memory_space<vmem>>, vector<16xf32>,
    %swap3A_93 = vector.shape_cast %swap3A_92 : vector<16xf32> to vector<16xf32>
    %swap3A_94 = vector.shape_cast %broadcast_in_dim3A_90 : vector<16xf32> to vector<16xf32>
    tpu.vector_store %arg17[%swap3A_91], %swap3A_94 {strides = array<i32>} : memref<640xf32, #tpu.memory_space<vmem>>, vector<16xf32>,
    %broadcast_in_dim3A_95 = arith.constant 0.000000e+00 : f32
    %broadcast_in_dim3A_96 = vector.broadcast %broadcast_in_dim3A_95 : f32 to vector<16xf32>
    %swap3A_97 = arith.constant 256 : index
    %swap3A_98 = tpu.vector_load %arg17[%swap3A_97] {strides = array<i32>} : memref<640xf32, #tpu.memory_space<vmem>>, vector<16xf32>,
    %swap3A_99 = vector.shape_cast %swap3A_98 : vector<16xf32> to vector<16xf32>
    %swap3A_100 = vector.shape_cast %broadcast_in_dim3A_96 : vector<16xf32> to vector<16xf32>
    tpu.vector_store %arg17[%swap3A_97], %swap3A_100 {strides = array<i32>} : memref<640xf32, #tpu.memory_space<vmem>>, vector<16xf32>,
    %broadcast_in_dim3A_101 = arith.constant 0.000000e+00 : f32
    %broadcast_in_dim3A_102 = vector.broadcast %broadcast_in_dim3A_101 : f32 to vector<16xf32>
    %swap3A_103 = arith.constant 272 : index
    %swap3A_104 = tpu.vector_load %arg17[%swap3A_103] {strides = array<i32>} : memref<640xf32, #tpu.memory_space<vmem>>, vector<16xf32>,
    %swap3A_105 = vector.shape_cast %swap3A_104 : vector<16xf32> to vector<16xf32>
    %swap3A_106 = vector.shape_cast %broadcast_in_dim3A_102 : vector<16xf32> to vector<16xf32>
    tpu.vector_store %arg17[%swap3A_103], %swap3A_106 {strides = array<i32>} : memref<640xf32, #tpu.memory_space<vmem>>, vector<16xf32>,
    %broadcast_in_dim3A_107 = arith.constant 0.000000e+00 : f32
    %broadcast_in_dim3A_108 = vector.broadcast %broadcast_in_dim3A_107 : f32 to vector<16xf32>
    %swap3A_109 = arith.constant 288 : index
    %swap3A_110 = tpu.vector_load %arg17[%swap3A_109] {strides = array<i32>} : memref<640xf32, #tpu.memory_space<vmem>>, vector<16xf32>,
    %swap3A_111 = vector.shape_cast %swap3A_110 : vector<16xf32> to vector<16xf32>
    %swap3A_112 = vector.shape_cast %broadcast_in_dim3A_108 : vector<16xf32> to vector<16xf32>
    tpu.vector_store %arg17[%swap3A_109], %swap3A_112 {strides = array<i32>} : memref<640xf32, #tpu.memory_space<vmem>>, vector<16xf32>,
    %broadcast_in_dim3A_113 = arith.constant 0.000000e+00 : f32
    %broadcast_in_dim3A_114 = vector.broadcast %broadcast_in_dim3A_113 : f32 to vector<16xf32>
    %swap3A_115 = arith.constant 304 : index
    %swap3A_116 = tpu.vector_load %arg17[%swap3A_115] {strides = array<i32>} : memref<640xf32, #tpu.memory_space<vmem>>, vector<16xf32>,
    %swap3A_117 = vector.shape_cast %swap3A_116 : vector<16xf32> to vector<16xf32>
    %swap3A_118 = vector.shape_cast %broadcast_in_dim3A_114 : vector<16xf32> to vector<16xf32>
    tpu.vector_store %arg17[%swap3A_115], %swap3A_118 {strides = array<i32>} : memref<640xf32, #tpu.memory_space<vmem>>, vector<16xf32>,
    %broadcast_in_dim3A_119 = arith.constant 0.000000e+00 : f32
    %broadcast_in_dim3A_120 = vector.broadcast %broadcast_in_dim3A_119 : f32 to vector<16xf32>
    %swap3A_121 = arith.constant 320 : index
    %swap3A_122 = tpu.vector_load %arg17[%swap3A_121] {strides = array<i32>} : memref<640xf32, #tpu.memory_space<vmem>>, vector<16xf32>,
    %swap3A_123 = vector.shape_cast %swap3A_122 : vector<16xf32> to vector<16xf32>
    %swap3A_124 = vector.shape_cast %broadcast_in_dim3A_120 : vector<16xf32> to vector<16xf32>
    tpu.vector_store %arg17[%swap3A_121], %swap3A_124 {strides = array<i32>} : memref<640xf32, #tpu.memory_space<vmem>>, vector<16xf32>,
    %broadcast_in_dim3A_125 = arith.constant 0.000000e+00 : f32
    %broadcast_in_dim3A_126 = vector.broadcast %broadcast_in_dim3A_125 : f32 to vector<16xf32>
    %swap3A_127 = arith.constant 336 : index
    %swap3A_128 = tpu.vector_load %arg17[%swap3A_127] {strides = array<i32>} : memref<640xf32, #tpu.memory_space<vmem>>, vector<16xf32>,
    %swap3A_129 = vector.shape_cast %swap3A_128 : vector<16xf32> to vector<16xf32>
    %swap3A_130 = vector.shape_cast %broadcast_in_dim3A_126 : vector<16xf32> to vector<16xf32>
    tpu.vector_store %arg17[%swap3A_127], %swap3A_130 {strides = array<i32>} : memref<640xf32, #tpu.memory_space<vmem>>, vector<16xf32>,
    %broadcast_in_dim3A_131 = arith.constant 0.000000e+00 : f32
    %broadcast_in_dim3A_132 = vector.broadcast %broadcast_in_dim3A_131 : f32 to vector<16xf32>
    %swap3A_133 = arith.constant 352 : index
    %swap3A_134 = tpu.vector_load %arg17[%swap3A_133] {strides = array<i32>} : memref<640xf32, #tpu.memory_space<vmem>>, vector<16xf32>,
    %swap3A_135 = vector.shape_cast %swap3A_134 : vector<16xf32> to vector<16xf32>
    %swap3A_136 = vector.shape_cast %broadcast_in_dim3A_132 : vector<16xf32> to vector<16xf32>
    tpu.vector_store %arg17[%swap3A_133], %swap3A_136 {strides = array<i32>} : memref<640xf32, #tpu.memory_space<vmem>>, vector<16xf32>,
    %broadcast_in_dim3A_137 = arith.constant 0.000000e+00 : f32
    %broadcast_in_dim3A_138 = vector.broadcast %broadcast_in_dim3A_137 : f32 to vector<16xf32>
    %swap3A_139 = arith.constant 368 : index
    %swap3A_140 = tpu.vector_load %arg17[%swap3A_139] {strides = array<i32>} : memref<640xf32, #tpu.memory_space<vmem>>, vector<16xf32>,
    %swap3A_141 = vector.shape_cast %swap3A_140 : vector<16xf32> to vector<16xf32>
    %swap3A_142 = vector.shape_cast %broadcast_in_dim3A_138 : vector<16xf32> to vector<16xf32>
    tpu.vector_store %arg17[%swap3A_139], %swap3A_142 {strides = array<i32>} : memref<640xf32, #tpu.memory_space<vmem>>, vector<16xf32>,
    %broadcast_in_dim3A_143 = arith.constant 0.000000e+00 : f32
    %broadcast_in_dim3A_144 = vector.broadcast %broadcast_in_dim3A_143 : f32 to vector<16xf32>
    %swap3A_145 = arith.constant 384 : index
    %swap3A_146 = tpu.vector_load %arg17[%swap3A_145] {strides = array<i32>} : memref<640xf32, #tpu.memory_space<vmem>>, vector<16xf32>,
    %swap3A_147 = vector.shape_cast %swap3A_146 : vector<16xf32> to vector<16xf32>
    %swap3A_148 = vector.shape_cast %broadcast_in_dim3A_144 : vector<16xf32> to vector<16xf32>
    tpu.vector_store %arg17[%swap3A_145], %swap3A_148 {strides = array<i32>} : memref<640xf32, #tpu.memory_space<vmem>>, vector<16xf32>,
    %broadcast_in_dim3A_149 = arith.constant 0.000000e+00 : f32
    %broadcast_in_dim3A_150 = vector.broadcast %broadcast_in_dim3A_149 : f32 to vector<16xf32>
    %swap3A_151 = arith.constant 400 : index
    %swap3A_152 = tpu.vector_load %arg17[%swap3A_151] {strides = array<i32>} : memref<640xf32, #tpu.memory_space<vmem>>, vector<16xf32>,
    %swap3A_153 = vector.shape_cast %swap3A_152 : vector<16xf32> to vector<16xf32>
    %swap3A_154 = vector.shape_cast %broadcast_in_dim3A_150 : vector<16xf32> to vector<16xf32>
    tpu.vector_store %arg17[%swap3A_151], %swap3A_154 {strides = array<i32>} : memref<640xf32, #tpu.memory_space<vmem>>, vector<16xf32>,
    %broadcast_in_dim3A_155 = arith.constant 0.000000e+00 : f32
    %broadcast_in_dim3A_156 = vector.broadcast %broadcast_in_dim3A_155 : f32 to vector<16xf32>
    %swap3A_157 = arith.constant 416 : index
    %swap3A_158 = tpu.vector_load %arg17[%swap3A_157] {strides = array<i32>} : memref<640xf32, #tpu.memory_space<vmem>>, vector<16xf32>,
    %swap3A_159 = vector.shape_cast %swap3A_158 : vector<16xf32> to vector<16xf32>
    %swap3A_160 = vector.shape_cast %broadcast_in_dim3A_156 : vector<16xf32> to vector<16xf32>
    tpu.vector_store %arg17[%swap3A_157], %swap3A_160 {strides = array<i32>} : memref<640xf32, #tpu.memory_space<vmem>>, vector<16xf32>,
    %broadcast_in_dim3A_161 = arith.constant 0.000000e+00 : f32
    %broadcast_in_dim3A_162 = vector.broadcast %broadcast_in_dim3A_161 : f32 to vector<16xf32>
    %swap3A_163 = arith.constant 432 : index
    %swap3A_164 = tpu.vector_load %arg17[%swap3A_163] {strides = array<i32>} : memref<640xf32, #tpu.memory_space<vmem>>, vector<16xf32>,
    %swap3A_165 = vector.shape_cast %swap3A_164 : vector<16xf32> to vector<16xf32>
    %swap3A_166 = vector.shape_cast %broadcast_in_dim3A_162 : vector<16xf32> to vector<16xf32>
    tpu.vector_store %arg17[%swap3A_163], %swap3A_166 {strides = array<i32>} : memref<640xf32, #tpu.memory_space<vmem>>, vector<16xf32>,
    %broadcast_in_dim3A_167 = arith.constant 0.000000e+00 : f32
    %broadcast_in_dim3A_168 = vector.broadcast %broadcast_in_dim3A_167 : f32 to vector<16xf32>
    %swap3A_169 = arith.constant 448 : index
    %swap3A_170 = tpu.vector_load %arg17[%swap3A_169] {strides = array<i32>} : memref<640xf32, #tpu.memory_space<vmem>>, vector<16xf32>,
    %swap3A_171 = vector.shape_cast %swap3A_170 : vector<16xf32> to vector<16xf32>
    %swap3A_172 = vector.shape_cast %broadcast_in_dim3A_168 : vector<16xf32> to vector<16xf32>
    tpu.vector_store %arg17[%swap3A_169], %swap3A_172 {strides = array<i32>} : memref<640xf32, #tpu.memory_space<vmem>>, vector<16xf32>,
    %broadcast_in_dim3A_173 = arith.constant 0.000000e+00 : f32
    %broadcast_in_dim3A_174 = vector.broadcast %broadcast_in_dim3A_173 : f32 to vector<16xf32>
    %swap3A_175 = arith.constant 464 : index
    %swap3A_176 = tpu.vector_load %arg17[%swap3A_175] {strides = array<i32>} : memref<640xf32, #tpu.memory_space<vmem>>, vector<16xf32>,
    %swap3A_177 = vector.shape_cast %swap3A_176 : vector<16xf32> to vector<16xf32>
    %swap3A_178 = vector.shape_cast %broadcast_in_dim3A_174 : vector<16xf32> to vector<16xf32>
    tpu.vector_store %arg17[%swap3A_175], %swap3A_178 {strides = array<i32>} : memref<640xf32, #tpu.memory_space<vmem>>, vector<16xf32>,
    %broadcast_in_dim3A_179 = arith.constant 0.000000e+00 : f32
    %broadcast_in_dim3A_180 = vector.broadcast %broadcast_in_dim3A_179 : f32 to vector<16xf32>
    %swap3A_181 = arith.constant 480 : index
    %swap3A_182 = tpu.vector_load %arg17[%swap3A_181] {strides = array<i32>} : memref<640xf32, #tpu.memory_space<vmem>>, vector<16xf32>,
    %swap3A_183 = vector.shape_cast %swap3A_182 : vector<16xf32> to vector<16xf32>
    %swap3A_184 = vector.shape_cast %broadcast_in_dim3A_180 : vector<16xf32> to vector<16xf32>
    tpu.vector_store %arg17[%swap3A_181], %swap3A_184 {strides = array<i32>} : memref<640xf32, #tpu.memory_space<vmem>>, vector<16xf32>,
    %broadcast_in_dim3A_185 = arith.constant 0.000000e+00 : f32
    %broadcast_in_dim3A_186 = vector.broadcast %broadcast_in_dim3A_185 : f32 to vector<16xf32>
    %swap3A_187 = arith.constant 496 : index
    %swap3A_188 = tpu.vector_load %arg17[%swap3A_187] {strides = array<i32>} : memref<640xf32, #tpu.memory_space<vmem>>, vector<16xf32>,
    %swap3A_189 = vector.shape_cast %swap3A_188 : vector<16xf32> to vector<16xf32>
    %swap3A_190 = vector.shape_cast %broadcast_in_dim3A_186 : vector<16xf32> to vector<16xf32>
    tpu.vector_store %arg17[%swap3A_187], %swap3A_190 {strides = array<i32>} : memref<640xf32, #tpu.memory_space<vmem>>, vector<16xf32>,
    %broadcast_in_dim3A_191 = arith.constant 0.000000e+00 : f32
    %broadcast_in_dim3A_192 = vector.broadcast %broadcast_in_dim3A_191 : f32 to vector<16xf32>
    %swap3A_193 = arith.constant 512 : index
    %swap3A_194 = tpu.vector_load %arg17[%swap3A_193] {strides = array<i32>} : memref<640xf32, #tpu.memory_space<vmem>>, vector<16xf32>,
    %swap3A_195 = vector.shape_cast %swap3A_194 : vector<16xf32> to vector<16xf32>
    %swap3A_196 = vector.shape_cast %broadcast_in_dim3A_192 : vector<16xf32> to vector<16xf32>
    tpu.vector_store %arg17[%swap3A_193], %swap3A_196 {strides = array<i32>} : memref<640xf32, #tpu.memory_space<vmem>>, vector<16xf32>,
    %broadcast_in_dim3A_197 = arith.constant 0.000000e+00 : f32
    %broadcast_in_dim3A_198 = vector.broadcast %broadcast_in_dim3A_197 : f32 to vector<16xf32>
    %swap3A_199 = arith.constant 528 : index
    %swap3A_200 = tpu.vector_load %arg17[%swap3A_199] {strides = array<i32>} : memref<640xf32, #tpu.memory_space<vmem>>, vector<16xf32>,
    %swap3A_201 = vector.shape_cast %swap3A_200 : vector<16xf32> to vector<16xf32>
    %swap3A_202 = vector.shape_cast %broadcast_in_dim3A_198 : vector<16xf32> to vector<16xf32>
    tpu.vector_store %arg17[%swap3A_199], %swap3A_202 {strides = array<i32>} : memref<640xf32, #tpu.memory_space<vmem>>, vector<16xf32>,
    %broadcast_in_dim3A_203 = arith.constant 0.000000e+00 : f32
    %broadcast_in_dim3A_204 = vector.broadcast %broadcast_in_dim3A_203 : f32 to vector<16xf32>
    %swap3A_205 = arith.constant 544 : index
    %swap3A_206 = tpu.vector_load %arg17[%swap3A_205] {strides = array<i32>} : memref<640xf32, #tpu.memory_space<vmem>>, vector<16xf32>,
    %swap3A_207 = vector.shape_cast %swap3A_206 : vector<16xf32> to vector<16xf32>
    %swap3A_208 = vector.shape_cast %broadcast_in_dim3A_204 : vector<16xf32> to vector<16xf32>
    tpu.vector_store %arg17[%swap3A_205], %swap3A_208 {strides = array<i32>} : memref<640xf32, #tpu.memory_space<vmem>>, vector<16xf32>,
    %broadcast_in_dim3A_209 = arith.constant 0.000000e+00 : f32
    %broadcast_in_dim3A_210 = vector.broadcast %broadcast_in_dim3A_209 : f32 to vector<16xf32>
    %swap3A_211 = arith.constant 560 : index
    %swap3A_212 = tpu.vector_load %arg17[%swap3A_211] {strides = array<i32>} : memref<640xf32, #tpu.memory_space<vmem>>, vector<16xf32>,
    %swap3A_213 = vector.shape_cast %swap3A_212 : vector<16xf32> to vector<16xf32>
    %swap3A_214 = vector.shape_cast %broadcast_in_dim3A_210 : vector<16xf32> to vector<16xf32>
    tpu.vector_store %arg17[%swap3A_211], %swap3A_214 {strides = array<i32>} : memref<640xf32, #tpu.memory_space<vmem>>, vector<16xf32>,
    %broadcast_in_dim3A_215 = arith.constant 0.000000e+00 : f32
    %broadcast_in_dim3A_216 = vector.broadcast %broadcast_in_dim3A_215 : f32 to vector<16xf32>
    %swap3A_217 = arith.constant 576 : index
    %swap3A_218 = tpu.vector_load %arg17[%swap3A_217] {strides = array<i32>} : memref<640xf32, #tpu.memory_space<vmem>>, vector<16xf32>,
    %swap3A_219 = vector.shape_cast %swap3A_218 : vector<16xf32> to vector<16xf32>
    %swap3A_220 = vector.shape_cast %broadcast_in_dim3A_216 : vector<16xf32> to vector<16xf32>
    tpu.vector_store %arg17[%swap3A_217], %swap3A_220 {strides = array<i32>} : memref<640xf32, #tpu.memory_space<vmem>>, vector<16xf32>,
    %broadcast_in_dim3A_221 = arith.constant 0.000000e+00 : f32
    %broadcast_in_dim3A_222 = vector.broadcast %broadcast_in_dim3A_221 : f32 to vector<16xf32>
    %swap3A_223 = arith.constant 592 : index
    %swap3A_224 = tpu.vector_load %arg17[%swap3A_223] {strides = array<i32>} : memref<640xf32, #tpu.memory_space<vmem>>, vector<16xf32>,
    %swap3A_225 = vector.shape_cast %swap3A_224 : vector<16xf32> to vector<16xf32>
    %swap3A_226 = vector.shape_cast %broadcast_in_dim3A_222 : vector<16xf32> to vector<16xf32>
    tpu.vector_store %arg17[%swap3A_223], %swap3A_226 {strides = array<i32>} : memref<640xf32, #tpu.memory_space<vmem>>, vector<16xf32>,
    %broadcast_in_dim3A_227 = arith.constant 0.000000e+00 : f32
    %broadcast_in_dim3A_228 = vector.broadcast %broadcast_in_dim3A_227 : f32 to vector<16xf32>
    %swap3A_229 = arith.constant 608 : index
    %swap3A_230 = tpu.vector_load %arg17[%swap3A_229] {strides = array<i32>} : memref<640xf32, #tpu.memory_space<vmem>>, vector<16xf32>,
    %swap3A_231 = vector.shape_cast %swap3A_230 : vector<16xf32> to vector<16xf32>
    %swap3A_232 = vector.shape_cast %broadcast_in_dim3A_228 : vector<16xf32> to vector<16xf32>
    tpu.vector_store %arg17[%swap3A_229], %swap3A_232 {strides = array<i32>} : memref<640xf32, #tpu.memory_space<vmem>>, vector<16xf32>,
    %broadcast_in_dim3A_233 = arith.constant 0.000000e+00 : f32
    %broadcast_in_dim3A_234 = vector.broadcast %broadcast_in_dim3A_233 : f32 to vector<16xf32>
    %swap3A_235 = arith.constant 624 : index
    %swap3A_236 = tpu.vector_load %arg17[%swap3A_235] {strides = array<i32>} : memref<640xf32, #tpu.memory_space<vmem>>, vector<16xf32>,
    %swap3A_237 = vector.shape_cast %swap3A_236 : vector<16xf32> to vector<16xf32>
    %swap3A_238 = vector.shape_cast %broadcast_in_dim3A_234 : vector<16xf32> to vector<16xf32>
    tpu.vector_store %arg17[%swap3A_235], %swap3A_238 {strides = array<i32>} : memref<640xf32, #tpu.memory_space<vmem>>, vector<16xf32>,
    %mul3A_239 = arith.constant 640 : i32
    %mul3A_240 = arith.muli %arg1, %mul3A_239 : i32
    "tpu.region"() ({
      %run_scoped3A = tpu.sem_alloc : memref<!tpu.dma_semaphore, #tpu.memory_space<semaphore_mem>>
      %dma_start3A_271 = tpu.memref_slice %arg18[%mul3A_240] : memref<10240xf32, #tpu.memory_space<vmem_shared>> -> memref<640xf32, #tpu.memory_space<vmem_shared>>
      %dma_start3A_272 = tpu.memref_slice %arg18[%mul3A_240] : memref<10240xf32, #tpu.memory_space<vmem_shared>> -> memref<640xf32, #tpu.memory_space<vmem_shared>>
      tpu.enqueue_dma source(%arg17 : memref<640xf32, #tpu.memory_space<vmem>>) target(%dma_start3A_272 : memref<640xf32, #tpu.memory_space<vmem_shared>>) target_semaphore(%run_scoped3A : memref<!tpu.dma_semaphore, #tpu.memory_space<semaphore_mem>>)
      %dma_wait3A = tpu.memref_slice %arg18[%mul3A_240] : memref<10240xf32, #tpu.memory_space<vmem_shared>> -> memref<640xf32, #tpu.memory_space<vmem_shared>>
      %dma_wait3A_273 = tpu.memref_slice %arg18[%mul3A_240] : memref<10240xf32, #tpu.memory_space<vmem_shared>> -> memref<640xf32, #tpu.memory_space<vmem_shared>>
      tpu.wait_dma2 semaphore(%run_scoped3A : memref<!tpu.dma_semaphore, #tpu.memory_space<semaphore_mem>>) src(%arg17 : memref<640xf32, #tpu.memory_space<vmem>>) dst(%dma_wait3A_273 : memref<640xf32, #tpu.memory_space<vmem_shared>>)
      tpu.yield
    }) : () -> ()
    %barrier3A = arith.constant 0 : index
    tpu.barrier barrier_id(%barrier3A)
    %mul3A_241 = arith.constant 80 : i32
    %mul3A_242 = arith.muli %add3A, %mul3A_241 : i32
    %add3A_243 = arith.constant 0 : i32
    %add3A_244 = arith.addi %mul3A_242, %add3A_243 : i32
    "tpu.region"() ({
      %run_scoped3A = tpu.sem_alloc : memref<!tpu.dma_semaphore, #tpu.memory_space<semaphore_mem>>
      %dma_start3A_271 = arith.constant 0 : i32
      %dma_start3A_272 = arith.constant 0 : i32
      %dma_start3A_273 = tpu.memref_slice %arg3[%add3A_244, %dma_start3A_271, %dma_start3A_272] : memref<2560x2x128xi32, #tpu.memory_space<hbm>> -> memref<1x2x128xi32, #tpu.memory_space<hbm>>
      %dma_start3A_274 = tpu.memref_squeeze %dma_start3A_273 : memref<1x2x128xi32, #tpu.memory_space<hbm>> -> memref<2x128xi32, #tpu.memory_space<hbm>>
      %dma_start3A_275 = arith.constant 0 : i32
      %dma_start3A_276 = arith.constant 0 : i32
      %dma_start3A_277 = tpu.memref_slice %arg3[%add3A_244, %dma_start3A_275, %dma_start3A_276] : memref<2560x2x128xi32, #tpu.memory_space<hbm>> -> memref<1x2x128xi32, #tpu.memory_space<hbm>>
      %dma_start3A_278 = tpu.memref_squeeze %dma_start3A_277 : memref<1x2x128xi32, #tpu.memory_space<hbm>> -> memref<2x128xi32, #tpu.memory_space<hbm>>
      tpu.enqueue_dma source(%dma_start3A_278 : memref<2x128xi32, #tpu.memory_space<hbm>>) target(%arg5 : memref<2x128xi32, #tpu.memory_space<vmem>>) target_semaphore(%run_scoped3A : memref<!tpu.dma_semaphore, #tpu.memory_space<semaphore_mem>>)
      %dma_wait3A = arith.constant 0 : i32
      %dma_wait3A_279 = arith.constant 0 : i32
      %dma_wait3A_280 = tpu.memref_slice %arg3[%add3A_244, %dma_wait3A, %dma_wait3A_279] : memref<2560x2x128xi32, #tpu.memory_space<hbm>> -> memref<1x2x128xi32, #tpu.memory_space<hbm>>
      %dma_wait3A_281 = tpu.memref_squeeze %dma_wait3A_280 : memref<1x2x128xi32, #tpu.memory_space<hbm>> -> memref<2x128xi32, #tpu.memory_space<hbm>>
      %dma_wait3A_282 = arith.constant 0 : i32
      %dma_wait3A_283 = arith.constant 0 : i32
      %dma_wait3A_284 = tpu.memref_slice %arg3[%add3A_244, %dma_wait3A_282, %dma_wait3A_283] : memref<2560x2x128xi32, #tpu.memory_space<hbm>> -> memref<1x2x128xi32, #tpu.memory_space<hbm>>
      %dma_wait3A_285 = tpu.memref_squeeze %dma_wait3A_284 : memref<1x2x128xi32, #tpu.memory_space<hbm>> -> memref<2x128xi32, #tpu.memory_space<hbm>>
      tpu.wait_dma2 semaphore(%run_scoped3A : memref<!tpu.dma_semaphore, #tpu.memory_space<semaphore_mem>>) src(%dma_wait3A_285 : memref<2x128xi32, #tpu.memory_space<hbm>>) dst(%arg5 : memref<2x128xi32, #tpu.memory_space<vmem>>)
      tpu.yield
    }) : () -> ()
    %dma_start3A = arith.constant 0 : i32
    %dma_start3A_245 = arith.constant 0 : i32
    %dma_start3A_246 = tpu.memref_slice %arg5[%dma_start3A, %dma_start3A_245] : memref<2x128xi32, #tpu.memory_space<vmem>> -> memref<1x128xi32, #tpu.memory_space<vmem>>
    %dma_start3A_247 = tpu.memref_squeeze %dma_start3A_246 : memref<1x128xi32, #tpu.memory_space<vmem>> -> memref<128xi32, #tpu.memory_space<vmem>>
    %dma_start3A_248 = arith.constant 0 : i32
    %dma_start3A_249 = tpu.memref_slice %arg2[%dma_start3A_248] : memref<10000xf32, #tpu.memory_space<hbm>> -> memref<10000xf32, #tpu.memory_space<hbm>>
    tpu.enqueue_indirect_dma source(%dma_start3A_249 : memref<10000xf32, #tpu.memory_space<hbm>>) target(%arg9 : memref<128xf32, #tpu.memory_space<vmem>>) offsets(%dma_start3A_247 : memref<128xi32, #tpu.memory_space<vmem>>) semaphore(%arg13 : memref<!tpu.dma_semaphore, #tpu.memory_space<semaphore_mem>>)
    %add3A_250 = arith.constant 1 : i32
    %add3A_251 = arith.addi %mul3A_242, %add3A_250 : i32
    "tpu.region"() ({
      %run_scoped3A = tpu.sem_alloc : memref<!tpu.dma_semaphore, #tpu.memory_space<semaphore_mem>>
      %dma_start3A_271 = arith.constant 0 : i32
      %dma_start3A_272 = arith.constant 0 : i32
      %dma_start3A_273 = tpu.memref_slice %arg3[%add3A_251, %dma_start3A_271, %dma_start3A_272] : memref<2560x2x128xi32, #tpu.memory_space<hbm>> -> memref<1x2x128xi32, #tpu.memory_space<hbm>>
      %dma_start3A_274 = tpu.memref_squeeze %dma_start3A_273 : memref<1x2x128xi32, #tpu.memory_space<hbm>> -> memref<2x128xi32, #tpu.memory_space<hbm>>
      %dma_start3A_275 = arith.constant 0 : i32
      %dma_start3A_276 = arith.constant 0 : i32
      %dma_start3A_277 = tpu.memref_slice %arg3[%add3A_251, %dma_start3A_275, %dma_start3A_276] : memref<2560x2x128xi32, #tpu.memory_space<hbm>> -> memref<1x2x128xi32, #tpu.memory_space<hbm>>
      %dma_start3A_278 = tpu.memref_squeeze %dma_start3A_277 : memref<1x2x128xi32, #tpu.memory_space<hbm>> -> memref<2x128xi32, #tpu.memory_space<hbm>>
      tpu.enqueue_dma source(%dma_start3A_278 : memref<2x128xi32, #tpu.memory_space<hbm>>) target(%arg6 : memref<2x128xi32, #tpu.memory_space<vmem>>) target_semaphore(%run_scoped3A : memref<!tpu.dma_semaphore, #tpu.memory_space<semaphore_mem>>)
      %dma_wait3A = arith.constant 0 : i32
      %dma_wait3A_279 = arith.constant 0 : i32
      %dma_wait3A_280 = tpu.memref_slice %arg3[%add3A_251, %dma_wait3A, %dma_wait3A_279] : memref<2560x2x128xi32, #tpu.memory_space<hbm>> -> memref<1x2x128xi32, #tpu.memory_space<hbm>>
      %dma_wait3A_281 = tpu.memref_squeeze %dma_wait3A_280 : memref<1x2x128xi32, #tpu.memory_space<hbm>> -> memref<2x128xi32, #tpu.memory_space<hbm>>
      %dma_wait3A_282 = arith.constant 0 : i32
      %dma_wait3A_283 = arith.constant 0 : i32
      %dma_wait3A_284 = tpu.memref_slice %arg3[%add3A_251, %dma_wait3A_282, %dma_wait3A_283] : memref<2560x2x128xi32, #tpu.memory_space<hbm>> -> memref<1x2x128xi32, #tpu.memory_space<hbm>>
      %dma_wait3A_285 = tpu.memref_squeeze %dma_wait3A_284 : memref<1x2x128xi32, #tpu.memory_space<hbm>> -> memref<2x128xi32, #tpu.memory_space<hbm>>
      tpu.wait_dma2 semaphore(%run_scoped3A : memref<!tpu.dma_semaphore, #tpu.memory_space<semaphore_mem>>) src(%dma_wait3A_285 : memref<2x128xi32, #tpu.memory_space<hbm>>) dst(%arg6 : memref<2x128xi32, #tpu.memory_space<vmem>>)
      tpu.yield
    }) : () -> ()
    %dma_start3A_252 = arith.constant 0 : i32
    %dma_start3A_253 = arith.constant 0 : i32
    %dma_start3A_254 = tpu.memref_slice %arg6[%dma_start3A_252, %dma_start3A_253] : memref<2x128xi32, #tpu.memory_space<vmem>> -> memref<1x128xi32, #tpu.memory_space<vmem>>
    %dma_start3A_255 = tpu.memref_squeeze %dma_start3A_254 : memref<1x128xi32, #tpu.memory_space<vmem>> -> memref<128xi32, #tpu.memory_space<vmem>>
    %dma_start3A_256 = arith.constant 0 : i32
    %dma_start3A_257 = tpu.memref_slice %arg2[%dma_start3A_256] : memref<10000xf32, #tpu.memory_space<hbm>> -> memref<10000xf32, #tpu.memory_space<hbm>>
    tpu.enqueue_indirect_dma source(%dma_start3A_257 : memref<10000xf32, #tpu.memory_space<hbm>>) target(%arg10 : memref<128xf32, #tpu.memory_space<vmem>>) offsets(%dma_start3A_255 : memref<128xi32, #tpu.memory_space<vmem>>) semaphore(%arg14 : memref<!tpu.dma_semaphore, #tpu.memory_space<semaphore_mem>>)
    %scan3A = arith.constant 0 : i32
    %scan3A_258 = arith.constant 0 : i32
    %scan3A_259 = arith.constant 20 : i32
    %scan3A_260 = arith.addi %scan3A_258, %scan3A_259 : i32
    %scan3A_261 = arith.constant 1 : i32
    scf.for %scan3A_271 = %scan3A_258 to %scan3A_260 step %scan3A_261  : i32 {
      %mul3A_272 = arith.constant 4 : i32
      %mul3A_273 = arith.muli %scan3A_271, %mul3A_272 : i32
      %add3A_274 = arith.constant 0 : i32
      %add3A_275 = arith.addi %mul3A_273, %add3A_274 : i32
      %add3A_276 = arith.constant 2 : i32
      %add3A_277 = arith.addi %add3A_275, %add3A_276 : i32
      %lt3A = arith.constant 80 : i32
      %lt3A_278 = arith.cmpi slt, %add3A_277, %lt3A : i32
      %convert_element_type3A = arith.extui %lt3A_278 : i1 to i32
      %cond3A = arith.constant 0 : i32
      %cond3A_279 = arith.cmpi ne, %convert_element_type3A, %cond3A : i32
      scf.if %cond3A_279 {
        %add3A_339 = arith.addi %mul3A_242, %add3A_275 : i32
        %add3A_340 = arith.constant 2 : i32
        %add3A_341 = arith.addi %add3A_339, %add3A_340 : i32
        "tpu.region"() ({
          %run_scoped3A_348 = tpu.sem_alloc : memref<!tpu.dma_semaphore, #tpu.memory_space<semaphore_mem>>
          %dma_start3A_349 = arith.constant 0 : i32
          %dma_start3A_350 = arith.constant 0 : i32
          %dma_start3A_351 = tpu.memref_slice %arg3[%add3A_341, %dma_start3A_349, %dma_start3A_350] : memref<2560x2x128xi32, #tpu.memory_space<hbm>> -> memref<1x2x128xi32, #tpu.memory_space<hbm>>
          %dma_start3A_352 = tpu.memref_squeeze %dma_start3A_351 : memref<1x2x128xi32, #tpu.memory_space<hbm>> -> memref<2x128xi32, #tpu.memory_space<hbm>>
          %dma_start3A_353 = arith.constant 0 : i32
          %dma_start3A_354 = arith.constant 0 : i32
          %dma_start3A_355 = tpu.memref_slice %arg3[%add3A_341, %dma_start3A_353, %dma_start3A_354] : memref<2560x2x128xi32, #tpu.memory_space<hbm>> -> memref<1x2x128xi32, #tpu.memory_space<hbm>>
          %dma_start3A_356 = tpu.memref_squeeze %dma_start3A_355 : memref<1x2x128xi32, #tpu.memory_space<hbm>> -> memref<2x128xi32, #tpu.memory_space<hbm>>
          tpu.enqueue_dma source(%dma_start3A_356 : memref<2x128xi32, #tpu.memory_space<hbm>>) target(%arg7 : memref<2x128xi32, #tpu.memory_space<vmem>>) target_semaphore(%run_scoped3A_348 : memref<!tpu.dma_semaphore, #tpu.memory_space<semaphore_mem>>)
          %dma_wait3A_357 = arith.constant 0 : i32
          %dma_wait3A_358 = arith.constant 0 : i32
          %dma_wait3A_359 = tpu.memref_slice %arg3[%add3A_341, %dma_wait3A_357, %dma_wait3A_358] : memref<2560x2x128xi32, #tpu.memory_space<hbm>> -> memref<1x2x128xi32, #tpu.memory_space<hbm>>
          %dma_wait3A_360 = tpu.memref_squeeze %dma_wait3A_359 : memref<1x2x128xi32, #tpu.memory_space<hbm>> -> memref<2x128xi32, #tpu.memory_space<hbm>>
          %dma_wait3A_361 = arith.constant 0 : i32
          %dma_wait3A_362 = arith.constant 0 : i32
          %dma_wait3A_363 = tpu.memref_slice %arg3[%add3A_341, %dma_wait3A_361, %dma_wait3A_362] : memref<2560x2x128xi32, #tpu.memory_space<hbm>> -> memref<1x2x128xi32, #tpu.memory_space<hbm>>
          %dma_wait3A_364 = tpu.memref_squeeze %dma_wait3A_363 : memref<1x2x128xi32, #tpu.memory_space<hbm>> -> memref<2x128xi32, #tpu.memory_space<hbm>>
          tpu.wait_dma2 semaphore(%run_scoped3A_348 : memref<!tpu.dma_semaphore, #tpu.memory_space<semaphore_mem>>) src(%dma_wait3A_364 : memref<2x128xi32, #tpu.memory_space<hbm>>) dst(%arg7 : memref<2x128xi32, #tpu.memory_space<vmem>>)
          tpu.yield
        }) : () -> ()
        %dma_start3A_342 = arith.constant 0 : i32
        %dma_start3A_343 = arith.constant 0 : i32
        %dma_start3A_344 = tpu.memref_slice %arg7[%dma_start3A_342, %dma_start3A_343] : memref<2x128xi32, #tpu.memory_space<vmem>> -> memref<1x128xi32, #tpu.memory_space<vmem>>
        %dma_start3A_345 = tpu.memref_squeeze %dma_start3A_344 : memref<1x128xi32, #tpu.memory_space<vmem>> -> memref<128xi32, #tpu.memory_space<vmem>>
        %dma_start3A_346 = arith.constant 0 : i32
        %dma_start3A_347 = tpu.memref_slice %arg2[%dma_start3A_346] : memref<10000xf32, #tpu.memory_space<hbm>> -> memref<10000xf32, #tpu.memory_space<hbm>>
        tpu.enqueue_indirect_dma source(%dma_start3A_347 : memref<10000xf32, #tpu.memory_space<hbm>>) target(%arg11 : memref<128xf32, #tpu.memory_space<vmem>>) offsets(%dma_start3A_345 : memref<128xi32, #tpu.memory_space<vmem>>) semaphore(%arg15 : memref<!tpu.dma_semaphore, #tpu.memory_space<semaphore_mem>>)
      } else {
      }
      %dma_wait3A = arith.constant 0 : i32
      %dma_wait3A_280 = arith.constant 0 : i32
      %dma_wait3A_281 = tpu.memref_slice %arg5[%dma_wait3A, %dma_wait3A_280] : memref<2x128xi32, #tpu.memory_space<vmem>> -> memref<1x128xi32, #tpu.memory_space<vmem>>
      %dma_wait3A_282 = tpu.memref_squeeze %dma_wait3A_281 : memref<1x128xi32, #tpu.memory_space<vmem>> -> memref<128xi32, #tpu.memory_space<vmem>>
      %dma_wait3A_283 = arith.constant 0 : i32
      %dma_wait3A_284 = tpu.memref_slice %arg2[%dma_wait3A_283] : memref<10000xf32, #tpu.memory_space<hbm>> -> memref<10000xf32, #tpu.memory_space<hbm>>
      tpu.wait_indirect_dma semaphore(%arg13 : memref<!tpu.dma_semaphore, #tpu.memory_space<semaphore_mem>>) src(%dma_wait3A_284 : memref<10000xf32, #tpu.memory_space<hbm>>) dst(%arg9 : memref<128xf32, #tpu.memory_space<vmem>>)
      %run_scoped3A = arith.constant 1 : i32
      "tpu.region"() ({
        %run_scoped3A_339 = tpu.sem_alloc : memref<!tpu.dma_semaphore, #tpu.memory_space<semaphore_mem>>
        %dma_start3A_340 = arith.constant 0 : i32
        %dma_start3A_341 = tpu.memref_slice %arg5[%run_scoped3A, %dma_start3A_340] : memref<2x128xi32, #tpu.memory_space<vmem>> -> memref<1x128xi32, #tpu.memory_space<vmem>>
        %dma_start3A_342 = tpu.memref_squeeze %dma_start3A_341 : memref<1x128xi32, #tpu.memory_space<vmem>> -> memref<128xi32, #tpu.memory_space<vmem>>
        %dma_start3A_343 = arith.constant 0 : i32
        %dma_start3A_344 = tpu.memref_slice %arg18[%dma_start3A_343] : memref<10240xf32, #tpu.memory_space<vmem_shared>> -> memref<10240xf32, #tpu.memory_space<vmem_shared>>
        tpu.enqueue_indirect_dma source(%arg9 : memref<128xf32, #tpu.memory_space<vmem>>) target(%dma_start3A_344 : memref<10240xf32, #tpu.memory_space<vmem_shared>>) offsets(%dma_start3A_342 : memref<128xi32, #tpu.memory_space<vmem>>) semaphore(%run_scoped3A_339 : memref<!tpu.dma_semaphore, #tpu.memory_space<semaphore_mem>>) {add = true}
        %dma_wait3A_345 = arith.constant 0 : i32
        %dma_wait3A_346 = tpu.memref_slice %arg5[%run_scoped3A, %dma_wait3A_345] : memref<2x128xi32, #tpu.memory_space<vmem>> -> memref<1x128xi32, #tpu.memory_space<vmem>>
        %dma_wait3A_347 = tpu.memref_squeeze %dma_wait3A_346 : memref<1x128xi32, #tpu.memory_space<vmem>> -> memref<128xi32, #tpu.memory_space<vmem>>
        %dma_wait3A_348 = arith.constant 0 : i32
        %dma_wait3A_349 = tpu.memref_slice %arg18[%dma_wait3A_348] : memref<10240xf32, #tpu.memory_space<vmem_shared>> -> memref<10240xf32, #tpu.memory_space<vmem_shared>>
        tpu.wait_indirect_dma semaphore(%run_scoped3A_339 : memref<!tpu.dma_semaphore, #tpu.memory_space<semaphore_mem>>) src(%arg9 : memref<128xf32, #tpu.memory_space<vmem>>) dst(%dma_wait3A_349 : memref<10240xf32, #tpu.memory_space<vmem_shared>>)
        tpu.yield
      }) : () -> ()
      %mul3A_285 = arith.constant 4 : i32
      %mul3A_286 = arith.muli %scan3A_271, %mul3A_285 : i32
      %add3A_287 = arith.constant 1 : i32
      %add3A_288 = arith.addi %mul3A_286, %add3A_287 : i32
      %add3A_289 = arith.constant 2 : i32
      %add3A_290 = arith.addi %add3A_288, %add3A_289 : i32
      %lt3A_291 = arith.constant 80 : i32
      %lt3A_292 = arith.cmpi slt, %add3A_290, %lt3A_291 : i32
      %convert_element_type3A_293 = arith.extui %lt3A_292 : i1 to i32
      %cond3A_294 = arith.constant 0 : i32
      %cond3A_295 = arith.cmpi ne, %convert_element_type3A_293, %cond3A_294 : i32
      scf.if %cond3A_295 {
        %add3A_339 = arith.addi %mul3A_242, %add3A_288 : i32
        %add3A_340 = arith.constant 2 : i32
        %add3A_341 = arith.addi %add3A_339, %add3A_340 : i32
        "tpu.region"() ({
          %run_scoped3A_348 = tpu.sem_alloc : memref<!tpu.dma_semaphore, #tpu.memory_space<semaphore_mem>>
          %dma_start3A_349 = arith.constant 0 : i32
          %dma_start3A_350 = arith.constant 0 : i32
          %dma_start3A_351 = tpu.memref_slice %arg3[%add3A_341, %dma_start3A_349, %dma_start3A_350] : memref<2560x2x128xi32, #tpu.memory_space<hbm>> -> memref<1x2x128xi32, #tpu.memory_space<hbm>>
          %dma_start3A_352 = tpu.memref_squeeze %dma_start3A_351 : memref<1x2x128xi32, #tpu.memory_space<hbm>> -> memref<2x128xi32, #tpu.memory_space<hbm>>
          %dma_start3A_353 = arith.constant 0 : i32
          %dma_start3A_354 = arith.constant 0 : i32
          %dma_start3A_355 = tpu.memref_slice %arg3[%add3A_341, %dma_start3A_353, %dma_start3A_354] : memref<2560x2x128xi32, #tpu.memory_space<hbm>> -> memref<1x2x128xi32, #tpu.memory_space<hbm>>
          %dma_start3A_356 = tpu.memref_squeeze %dma_start3A_355 : memref<1x2x128xi32, #tpu.memory_space<hbm>> -> memref<2x128xi32, #tpu.memory_space<hbm>>
          tpu.enqueue_dma source(%dma_start3A_356 : memref<2x128xi32, #tpu.memory_space<hbm>>) target(%arg8 : memref<2x128xi32, #tpu.memory_space<vmem>>) target_semaphore(%run_scoped3A_348 : memref<!tpu.dma_semaphore, #tpu.memory_space<semaphore_mem>>)
          %dma_wait3A_357 = arith.constant 0 : i32
          %dma_wait3A_358 = arith.constant 0 : i32
          %dma_wait3A_359 = tpu.memref_slice %arg3[%add3A_341, %dma_wait3A_357, %dma_wait3A_358] : memref<2560x2x128xi32, #tpu.memory_space<hbm>> -> memref<1x2x128xi32, #tpu.memory_space<hbm>>
          %dma_wait3A_360 = tpu.memref_squeeze %dma_wait3A_359 : memref<1x2x128xi32, #tpu.memory_space<hbm>> -> memref<2x128xi32, #tpu.memory_space<hbm>>
          %dma_wait3A_361 = arith.constant 0 : i32
          %dma_wait3A_362 = arith.constant 0 : i32
          %dma_wait3A_363 = tpu.memref_slice %arg3[%add3A_341, %dma_wait3A_361, %dma_wait3A_362] : memref<2560x2x128xi32, #tpu.memory_space<hbm>> -> memref<1x2x128xi32, #tpu.memory_space<hbm>>
          %dma_wait3A_364 = tpu.memref_squeeze %dma_wait3A_363 : memref<1x2x128xi32, #tpu.memory_space<hbm>> -> memref<2x128xi32, #tpu.memory_space<hbm>>
          tpu.wait_dma2 semaphore(%run_scoped3A_348 : memref<!tpu.dma_semaphore, #tpu.memory_space<semaphore_mem>>) src(%dma_wait3A_364 : memref<2x128xi32, #tpu.memory_space<hbm>>) dst(%arg8 : memref<2x128xi32, #tpu.memory_space<vmem>>)
          tpu.yield
        }) : () -> ()
        %dma_start3A_342 = arith.constant 0 : i32
        %dma_start3A_343 = arith.constant 0 : i32
        %dma_start3A_344 = tpu.memref_slice %arg8[%dma_start3A_342, %dma_start3A_343] : memref<2x128xi32, #tpu.memory_space<vmem>> -> memref<1x128xi32, #tpu.memory_space<vmem>>
        %dma_start3A_345 = tpu.memref_squeeze %dma_start3A_344 : memref<1x128xi32, #tpu.memory_space<vmem>> -> memref<128xi32, #tpu.memory_space<vmem>>
        %dma_start3A_346 = arith.constant 0 : i32
        %dma_start3A_347 = tpu.memref_slice %arg2[%dma_start3A_346] : memref<10000xf32, #tpu.memory_space<hbm>> -> memref<10000xf32, #tpu.memory_space<hbm>>
        tpu.enqueue_indirect_dma source(%dma_start3A_347 : memref<10000xf32, #tpu.memory_space<hbm>>) target(%arg12 : memref<128xf32, #tpu.memory_space<vmem>>) offsets(%dma_start3A_345 : memref<128xi32, #tpu.memory_space<vmem>>) semaphore(%arg16 : memref<!tpu.dma_semaphore, #tpu.memory_space<semaphore_mem>>)
      } else {
      }
      %dma_wait3A_296 = arith.constant 0 : i32
      %dma_wait3A_297 = arith.constant 0 : i32
      %dma_wait3A_298 = tpu.memref_slice %arg6[%dma_wait3A_296, %dma_wait3A_297] : memref<2x128xi32, #tpu.memory_space<vmem>> -> memref<1x128xi32, #tpu.memory_space<vmem>>
      %dma_wait3A_299 = tpu.memref_squeeze %dma_wait3A_298 : memref<1x128xi32, #tpu.memory_space<vmem>> -> memref<128xi32, #tpu.memory_space<vmem>>
      %dma_wait3A_300 = arith.constant 0 : i32
      %dma_wait3A_301 = tpu.memref_slice %arg2[%dma_wait3A_300] : memref<10000xf32, #tpu.memory_space<hbm>> -> memref<10000xf32, #tpu.memory_space<hbm>>
      tpu.wait_indirect_dma semaphore(%arg14 : memref<!tpu.dma_semaphore, #tpu.memory_space<semaphore_mem>>) src(%dma_wait3A_301 : memref<10000xf32, #tpu.memory_space<hbm>>) dst(%arg10 : memref<128xf32, #tpu.memory_space<vmem>>)
      %run_scoped3A_302 = arith.constant 1 : i32
      "tpu.region"() ({
        %run_scoped3A_339 = tpu.sem_alloc : memref<!tpu.dma_semaphore, #tpu.memory_space<semaphore_mem>>
        %dma_start3A_340 = arith.constant 0 : i32
        %dma_start3A_341 = tpu.memref_slice %arg6[%run_scoped3A_302, %dma_start3A_340] : memref<2x128xi32, #tpu.memory_space<vmem>> -> memref<1x128xi32, #tpu.memory_space<vmem>>
        %dma_start3A_342 = tpu.memref_squeeze %dma_start3A_341 : memref<1x128xi32, #tpu.memory_space<vmem>> -> memref<128xi32, #tpu.memory_space<vmem>>
        %dma_start3A_343 = arith.constant 0 : i32
        %dma_start3A_344 = tpu.memref_slice %arg18[%dma_start3A_343] : memref<10240xf32, #tpu.memory_space<vmem_shared>> -> memref<10240xf32, #tpu.memory_space<vmem_shared>>
        tpu.enqueue_indirect_dma source(%arg10 : memref<128xf32, #tpu.memory_space<vmem>>) target(%dma_start3A_344 : memref<10240xf32, #tpu.memory_space<vmem_shared>>) offsets(%dma_start3A_342 : memref<128xi32, #tpu.memory_space<vmem>>) semaphore(%run_scoped3A_339 : memref<!tpu.dma_semaphore, #tpu.memory_space<semaphore_mem>>) {add = true}
        %dma_wait3A_345 = arith.constant 0 : i32
        %dma_wait3A_346 = tpu.memref_slice %arg6[%run_scoped3A_302, %dma_wait3A_345] : memref<2x128xi32, #tpu.memory_space<vmem>> -> memref<1x128xi32, #tpu.memory_space<vmem>>
        %dma_wait3A_347 = tpu.memref_squeeze %dma_wait3A_346 : memref<1x128xi32, #tpu.memory_space<vmem>> -> memref<128xi32, #tpu.memory_space<vmem>>
        %dma_wait3A_348 = arith.constant 0 : i32
        %dma_wait3A_349 = tpu.memref_slice %arg18[%dma_wait3A_348] : memref<10240xf32, #tpu.memory_space<vmem_shared>> -> memref<10240xf32, #tpu.memory_space<vmem_shared>>
        tpu.wait_indirect_dma semaphore(%run_scoped3A_339 : memref<!tpu.dma_semaphore, #tpu.memory_space<semaphore_mem>>) src(%arg10 : memref<128xf32, #tpu.memory_space<vmem>>) dst(%dma_wait3A_349 : memref<10240xf32, #tpu.memory_space<vmem_shared>>)
        tpu.yield
      }) : () -> ()
      %mul3A_303 = arith.constant 4 : i32
      %mul3A_304 = arith.muli %scan3A_271, %mul3A_303 : i32
      %add3A_305 = arith.constant 2 : i32
      %add3A_306 = arith.addi %mul3A_304, %add3A_305 : i32
      %add3A_307 = arith.constant 2 : i32
      %add3A_308 = arith.addi %add3A_306, %add3A_307 : i32
      %lt3A_309 = arith.constant 80 : i32
      %lt3A_310 = arith.cmpi slt, %add3A_308, %lt3A_309 : i32
      %convert_element_type3A_311 = arith.extui %lt3A_310 : i1 to i32
      %cond3A_312 = arith.constant 0 : i32
      %cond3A_313 = arith.cmpi ne, %convert_element_type3A_311, %cond3A_312 : i32
      scf.if %cond3A_313 {
        %add3A_339 = arith.addi %mul3A_242, %add3A_306 : i32
        %add3A_340 = arith.constant 2 : i32
        %add3A_341 = arith.addi %add3A_339, %add3A_340 : i32
        "tpu.region"() ({
          %run_scoped3A_348 = tpu.sem_alloc : memref<!tpu.dma_semaphore, #tpu.memory_space<semaphore_mem>>
          %dma_start3A_349 = arith.constant 0 : i32
          %dma_start3A_350 = arith.constant 0 : i32
          %dma_start3A_351 = tpu.memref_slice %arg3[%add3A_341, %dma_start3A_349, %dma_start3A_350] : memref<2560x2x128xi32, #tpu.memory_space<hbm>> -> memref<1x2x128xi32, #tpu.memory_space<hbm>>
          %dma_start3A_352 = tpu.memref_squeeze %dma_start3A_351 : memref<1x2x128xi32, #tpu.memory_space<hbm>> -> memref<2x128xi32, #tpu.memory_space<hbm>>
          %dma_start3A_353 = arith.constant 0 : i32
          %dma_start3A_354 = arith.constant 0 : i32
          %dma_start3A_355 = tpu.memref_slice %arg3[%add3A_341, %dma_start3A_353, %dma_start3A_354] : memref<2560x2x128xi32, #tpu.memory_space<hbm>> -> memref<1x2x128xi32, #tpu.memory_space<hbm>>
          %dma_start3A_356 = tpu.memref_squeeze %dma_start3A_355 : memref<1x2x128xi32, #tpu.memory_space<hbm>> -> memref<2x128xi32, #tpu.memory_space<hbm>>
          tpu.enqueue_dma source(%dma_start3A_356 : memref<2x128xi32, #tpu.memory_space<hbm>>) target(%arg5 : memref<2x128xi32, #tpu.memory_space<vmem>>) target_semaphore(%run_scoped3A_348 : memref<!tpu.dma_semaphore, #tpu.memory_space<semaphore_mem>>)
          %dma_wait3A_357 = arith.constant 0 : i32
          %dma_wait3A_358 = arith.constant 0 : i32
          %dma_wait3A_359 = tpu.memref_slice %arg3[%add3A_341, %dma_wait3A_357, %dma_wait3A_358] : memref<2560x2x128xi32, #tpu.memory_space<hbm>> -> memref<1x2x128xi32, #tpu.memory_space<hbm>>
          %dma_wait3A_360 = tpu.memref_squeeze %dma_wait3A_359 : memref<1x2x128xi32, #tpu.memory_space<hbm>> -> memref<2x128xi32, #tpu.memory_space<hbm>>
          %dma_wait3A_361 = arith.constant 0 : i32
          %dma_wait3A_362 = arith.constant 0 : i32
          %dma_wait3A_363 = tpu.memref_slice %arg3[%add3A_341, %dma_wait3A_361, %dma_wait3A_362] : memref<2560x2x128xi32, #tpu.memory_space<hbm>> -> memref<1x2x128xi32, #tpu.memory_space<hbm>>
          %dma_wait3A_364 = tpu.memref_squeeze %dma_wait3A_363 : memref<1x2x128xi32, #tpu.memory_space<hbm>> -> memref<2x128xi32, #tpu.memory_space<hbm>>
          tpu.wait_dma2 semaphore(%run_scoped3A_348 : memref<!tpu.dma_semaphore, #tpu.memory_space<semaphore_mem>>) src(%dma_wait3A_364 : memref<2x128xi32, #tpu.memory_space<hbm>>) dst(%arg5 : memref<2x128xi32, #tpu.memory_space<vmem>>)
          tpu.yield
        }) : () -> ()
        %dma_start3A_342 = arith.constant 0 : i32
        %dma_start3A_343 = arith.constant 0 : i32
        %dma_start3A_344 = tpu.memref_slice %arg5[%dma_start3A_342, %dma_start3A_343] : memref<2x128xi32, #tpu.memory_space<vmem>> -> memref<1x128xi32, #tpu.memory_space<vmem>>
        %dma_start3A_345 = tpu.memref_squeeze %dma_start3A_344 : memref<1x128xi32, #tpu.memory_space<vmem>> -> memref<128xi32, #tpu.memory_space<vmem>>
        %dma_start3A_346 = arith.constant 0 : i32
        %dma_start3A_347 = tpu.memref_slice %arg2[%dma_start3A_346] : memref<10000xf32, #tpu.memory_space<hbm>> -> memref<10000xf32, #tpu.memory_space<hbm>>
        tpu.enqueue_indirect_dma source(%dma_start3A_347 : memref<10000xf32, #tpu.memory_space<hbm>>) target(%arg9 : memref<128xf32, #tpu.memory_space<vmem>>) offsets(%dma_start3A_345 : memref<128xi32, #tpu.memory_space<vmem>>) semaphore(%arg13 : memref<!tpu.dma_semaphore, #tpu.memory_space<semaphore_mem>>)
      } else {
      }
      %dma_wait3A_314 = arith.constant 0 : i32
      %dma_wait3A_315 = arith.constant 0 : i32
      %dma_wait3A_316 = tpu.memref_slice %arg7[%dma_wait3A_314, %dma_wait3A_315] : memref<2x128xi32, #tpu.memory_space<vmem>> -> memref<1x128xi32, #tpu.memory_space<vmem>>
      %dma_wait3A_317 = tpu.memref_squeeze %dma_wait3A_316 : memref<1x128xi32, #tpu.memory_space<vmem>> -> memref<128xi32, #tpu.memory_space<vmem>>
      %dma_wait3A_318 = arith.constant 0 : i32
      %dma_wait3A_319 = tpu.memref_slice %arg2[%dma_wait3A_318] : memref<10000xf32, #tpu.memory_space<hbm>> -> memref<10000xf32, #tpu.memory_space<hbm>>
      tpu.wait_indirect_dma semaphore(%arg15 : memref<!tpu.dma_semaphore, #tpu.memory_space<semaphore_mem>>) src(%dma_wait3A_319 : memref<10000xf32, #tpu.memory_space<hbm>>) dst(%arg11 : memref<128xf32, #tpu.memory_space<vmem>>)
      %run_scoped3A_320 = arith.constant 1 : i32
      "tpu.region"() ({
        %run_scoped3A_339 = tpu.sem_alloc : memref<!tpu.dma_semaphore, #tpu.memory_space<semaphore_mem>>
        %dma_start3A_340 = arith.constant 0 : i32
        %dma_start3A_341 = tpu.memref_slice %arg7[%run_scoped3A_320, %dma_start3A_340] : memref<2x128xi32, #tpu.memory_space<vmem>> -> memref<1x128xi32, #tpu.memory_space<vmem>>
        %dma_start3A_342 = tpu.memref_squeeze %dma_start3A_341 : memref<1x128xi32, #tpu.memory_space<vmem>> -> memref<128xi32, #tpu.memory_space<vmem>>
        %dma_start3A_343 = arith.constant 0 : i32
        %dma_start3A_344 = tpu.memref_slice %arg18[%dma_start3A_343] : memref<10240xf32, #tpu.memory_space<vmem_shared>> -> memref<10240xf32, #tpu.memory_space<vmem_shared>>
        tpu.enqueue_indirect_dma source(%arg11 : memref<128xf32, #tpu.memory_space<vmem>>) target(%dma_start3A_344 : memref<10240xf32, #tpu.memory_space<vmem_shared>>) offsets(%dma_start3A_342 : memref<128xi32, #tpu.memory_space<vmem>>) semaphore(%run_scoped3A_339 : memref<!tpu.dma_semaphore, #tpu.memory_space<semaphore_mem>>) {add = true}
        %dma_wait3A_345 = arith.constant 0 : i32
        %dma_wait3A_346 = tpu.memref_slice %arg7[%run_scoped3A_320, %dma_wait3A_345] : memref<2x128xi32, #tpu.memory_space<vmem>> -> memref<1x128xi32, #tpu.memory_space<vmem>>
        %dma_wait3A_347 = tpu.memref_squeeze %dma_wait3A_346 : memref<1x128xi32, #tpu.memory_space<vmem>> -> memref<128xi32, #tpu.memory_space<vmem>>
        %dma_wait3A_348 = arith.constant 0 : i32
        %dma_wait3A_349 = tpu.memref_slice %arg18[%dma_wait3A_348] : memref<10240xf32, #tpu.memory_space<vmem_shared>> -> memref<10240xf32, #tpu.memory_space<vmem_shared>>
        tpu.wait_indirect_dma semaphore(%run_scoped3A_339 : memref<!tpu.dma_semaphore, #tpu.memory_space<semaphore_mem>>) src(%arg11 : memref<128xf32, #tpu.memory_space<vmem>>) dst(%dma_wait3A_349 : memref<10240xf32, #tpu.memory_space<vmem_shared>>)
        tpu.yield
      }) : () -> ()
      %mul3A_321 = arith.constant 4 : i32
      %mul3A_322 = arith.muli %scan3A_271, %mul3A_321 : i32
      %add3A_323 = arith.constant 3 : i32
      %add3A_324 = arith.addi %mul3A_322, %add3A_323 : i32
      %add3A_325 = arith.constant 2 : i32
      %add3A_326 = arith.addi %add3A_324, %add3A_325 : i32
      %lt3A_327 = arith.constant 80 : i32
      %lt3A_328 = arith.cmpi slt, %add3A_326, %lt3A_327 : i32
      %convert_element_type3A_329 = arith.extui %lt3A_328 : i1 to i32
      %cond3A_330 = arith.constant 0 : i32
      %cond3A_331 = arith.cmpi ne, %convert_element_type3A_329, %cond3A_330 : i32
      scf.if %cond3A_331 {
        %add3A_339 = arith.addi %mul3A_242, %add3A_324 : i32
        %add3A_340 = arith.constant 2 : i32
        %add3A_341 = arith.addi %add3A_339, %add3A_340 : i32
        "tpu.region"() ({
          %run_scoped3A_348 = tpu.sem_alloc : memref<!tpu.dma_semaphore, #tpu.memory_space<semaphore_mem>>
          %dma_start3A_349 = arith.constant 0 : i32
          %dma_start3A_350 = arith.constant 0 : i32
          %dma_start3A_351 = tpu.memref_slice %arg3[%add3A_341, %dma_start3A_349, %dma_start3A_350] : memref<2560x2x128xi32, #tpu.memory_space<hbm>> -> memref<1x2x128xi32, #tpu.memory_space<hbm>>
          %dma_start3A_352 = tpu.memref_squeeze %dma_start3A_351 : memref<1x2x128xi32, #tpu.memory_space<hbm>> -> memref<2x128xi32, #tpu.memory_space<hbm>>
          %dma_start3A_353 = arith.constant 0 : i32
          %dma_start3A_354 = arith.constant 0 : i32
          %dma_start3A_355 = tpu.memref_slice %arg3[%add3A_341, %dma_start3A_353, %dma_start3A_354] : memref<2560x2x128xi32, #tpu.memory_space<hbm>> -> memref<1x2x128xi32, #tpu.memory_space<hbm>>
          %dma_start3A_356 = tpu.memref_squeeze %dma_start3A_355 : memref<1x2x128xi32, #tpu.memory_space<hbm>> -> memref<2x128xi32, #tpu.memory_space<hbm>>
          tpu.enqueue_dma source(%dma_start3A_356 : memref<2x128xi32, #tpu.memory_space<hbm>>) target(%arg6 : memref<2x128xi32, #tpu.memory_space<vmem>>) target_semaphore(%run_scoped3A_348 : memref<!tpu.dma_semaphore, #tpu.memory_space<semaphore_mem>>)
          %dma_wait3A_357 = arith.constant 0 : i32
          %dma_wait3A_358 = arith.constant 0 : i32
          %dma_wait3A_359 = tpu.memref_slice %arg3[%add3A_341, %dma_wait3A_357, %dma_wait3A_358] : memref<2560x2x128xi32, #tpu.memory_space<hbm>> -> memref<1x2x128xi32, #tpu.memory_space<hbm>>
          %dma_wait3A_360 = tpu.memref_squeeze %dma_wait3A_359 : memref<1x2x128xi32, #tpu.memory_space<hbm>> -> memref<2x128xi32, #tpu.memory_space<hbm>>
          %dma_wait3A_361 = arith.constant 0 : i32
          %dma_wait3A_362 = arith.constant 0 : i32
          %dma_wait3A_363 = tpu.memref_slice %arg3[%add3A_341, %dma_wait3A_361, %dma_wait3A_362] : memref<2560x2x128xi32, #tpu.memory_space<hbm>> -> memref<1x2x128xi32, #tpu.memory_space<hbm>>
          %dma_wait3A_364 = tpu.memref_squeeze %dma_wait3A_363 : memref<1x2x128xi32, #tpu.memory_space<hbm>> -> memref<2x128xi32, #tpu.memory_space<hbm>>
          tpu.wait_dma2 semaphore(%run_scoped3A_348 : memref<!tpu.dma_semaphore, #tpu.memory_space<semaphore_mem>>) src(%dma_wait3A_364 : memref<2x128xi32, #tpu.memory_space<hbm>>) dst(%arg6 : memref<2x128xi32, #tpu.memory_space<vmem>>)
          tpu.yield
        }) : () -> ()
        %dma_start3A_342 = arith.constant 0 : i32
        %dma_start3A_343 = arith.constant 0 : i32
        %dma_start3A_344 = tpu.memref_slice %arg6[%dma_start3A_342, %dma_start3A_343] : memref<2x128xi32, #tpu.memory_space<vmem>> -> memref<1x128xi32, #tpu.memory_space<vmem>>
        %dma_start3A_345 = tpu.memref_squeeze %dma_start3A_344 : memref<1x128xi32, #tpu.memory_space<vmem>> -> memref<128xi32, #tpu.memory_space<vmem>>
        %dma_start3A_346 = arith.constant 0 : i32
        %dma_start3A_347 = tpu.memref_slice %arg2[%dma_start3A_346] : memref<10000xf32, #tpu.memory_space<hbm>> -> memref<10000xf32, #tpu.memory_space<hbm>>
        tpu.enqueue_indirect_dma source(%dma_start3A_347 : memref<10000xf32, #tpu.memory_space<hbm>>) target(%arg10 : memref<128xf32, #tpu.memory_space<vmem>>) offsets(%dma_start3A_345 : memref<128xi32, #tpu.memory_space<vmem>>) semaphore(%arg14 : memref<!tpu.dma_semaphore, #tpu.memory_space<semaphore_mem>>)
      } else {
      }
      %dma_wait3A_332 = arith.constant 0 : i32
      %dma_wait3A_333 = arith.constant 0 : i32
      %dma_wait3A_334 = tpu.memref_slice %arg8[%dma_wait3A_332, %dma_wait3A_333] : memref<2x128xi32, #tpu.memory_space<vmem>> -> memref<1x128xi32, #tpu.memory_space<vmem>>
      %dma_wait3A_335 = tpu.memref_squeeze %dma_wait3A_334 : memref<1x128xi32, #tpu.memory_space<vmem>> -> memref<128xi32, #tpu.memory_space<vmem>>
      %dma_wait3A_336 = arith.constant 0 : i32
      %dma_wait3A_337 = tpu.memref_slice %arg2[%dma_wait3A_336] : memref<10000xf32, #tpu.memory_space<hbm>> -> memref<10000xf32, #tpu.memory_space<hbm>>
      tpu.wait_indirect_dma semaphore(%arg16 : memref<!tpu.dma_semaphore, #tpu.memory_space<semaphore_mem>>) src(%dma_wait3A_337 : memref<10000xf32, #tpu.memory_space<hbm>>) dst(%arg12 : memref<128xf32, #tpu.memory_space<vmem>>)
      %run_scoped3A_338 = arith.constant 1 : i32
      "tpu.region"() ({
        %run_scoped3A_339 = tpu.sem_alloc : memref<!tpu.dma_semaphore, #tpu.memory_space<semaphore_mem>>
        %dma_start3A_340 = arith.constant 0 : i32
        %dma_start3A_341 = tpu.memref_slice %arg8[%run_scoped3A_338, %dma_start3A_340] : memref<2x128xi32, #tpu.memory_space<vmem>> -> memref<1x128xi32, #tpu.memory_space<vmem>>
        %dma_start3A_342 = tpu.memref_squeeze %dma_start3A_341 : memref<1x128xi32, #tpu.memory_space<vmem>> -> memref<128xi32, #tpu.memory_space<vmem>>
        %dma_start3A_343 = arith.constant 0 : i32
        %dma_start3A_344 = tpu.memref_slice %arg18[%dma_start3A_343] : memref<10240xf32, #tpu.memory_space<vmem_shared>> -> memref<10240xf32, #tpu.memory_space<vmem_shared>>
        tpu.enqueue_indirect_dma source(%arg12 : memref<128xf32, #tpu.memory_space<vmem>>) target(%dma_start3A_344 : memref<10240xf32, #tpu.memory_space<vmem_shared>>) offsets(%dma_start3A_342 : memref<128xi32, #tpu.memory_space<vmem>>) semaphore(%run_scoped3A_339 : memref<!tpu.dma_semaphore, #tpu.memory_space<semaphore_mem>>) {add = true}
        %dma_wait3A_345 = arith.constant 0 : i32
        %dma_wait3A_346 = tpu.memref_slice %arg8[%run_scoped3A_338, %dma_wait3A_345] : memref<2x128xi32, #tpu.memory_space<vmem>> -> memref<1x128xi32, #tpu.memory_space<vmem>>
        %dma_wait3A_347 = tpu.memref_squeeze %dma_wait3A_346 : memref<1x128xi32, #tpu.memory_space<vmem>> -> memref<128xi32, #tpu.memory_space<vmem>>
        %dma_wait3A_348 = arith.constant 0 : i32
        %dma_wait3A_349 = tpu.memref_slice %arg18[%dma_wait3A_348] : memref<10240xf32, #tpu.memory_space<vmem_shared>> -> memref<10240xf32, #tpu.memory_space<vmem_shared>>
        tpu.wait_indirect_dma semaphore(%run_scoped3A_339 : memref<!tpu.dma_semaphore, #tpu.memory_space<semaphore_mem>>) src(%arg12 : memref<128xf32, #tpu.memory_space<vmem>>) dst(%dma_wait3A_349 : memref<10240xf32, #tpu.memory_space<vmem_shared>>)
        tpu.yield
      }) : () -> ()
    }
    %scan3A_262 = arith.constant 20 : i32
    %barrier3A_263 = arith.constant 0 : index
    tpu.barrier barrier_id(%barrier3A_263)
    %mul3A_264 = arith.constant 640 : i32
    %mul3A_265 = arith.muli %arg1, %mul3A_264 : i32
    "tpu.region"() ({
      %run_scoped3A = tpu.sem_alloc : memref<!tpu.dma_semaphore, #tpu.memory_space<semaphore_mem>>
      %dma_start3A_271 = tpu.memref_slice %arg18[%mul3A_265] : memref<10240xf32, #tpu.memory_space<vmem_shared>> -> memref<640xf32, #tpu.memory_space<vmem_shared>>
      %dma_start3A_272 = tpu.memref_slice %arg18[%mul3A_265] : memref<10240xf32, #tpu.memory_space<vmem_shared>> -> memref<640xf32, #tpu.memory_space<vmem_shared>>
      tpu.enqueue_dma source(%dma_start3A_272 : memref<640xf32, #tpu.memory_space<vmem_shared>>) target(%arg17 : memref<640xf32, #tpu.memory_space<vmem>>) target_semaphore(%run_scoped3A : memref<!tpu.dma_semaphore, #tpu.memory_space<semaphore_mem>>)
      %dma_wait3A = tpu.memref_slice %arg18[%mul3A_265] : memref<10240xf32, #tpu.memory_space<vmem_shared>> -> memref<640xf32, #tpu.memory_space<vmem_shared>>
      %dma_wait3A_273 = tpu.memref_slice %arg18[%mul3A_265] : memref<10240xf32, #tpu.memory_space<vmem_shared>> -> memref<640xf32, #tpu.memory_space<vmem_shared>>
      tpu.wait_dma2 semaphore(%run_scoped3A : memref<!tpu.dma_semaphore, #tpu.memory_space<semaphore_mem>>) src(%dma_wait3A_273 : memref<640xf32, #tpu.memory_space<vmem_shared>>) dst(%arg17 : memref<640xf32, #tpu.memory_space<vmem>>)
      tpu.yield
    }) : () -> ()
    %mul3A_266 = arith.constant 10240 : i32
    %mul3A_267 = arith.muli %arg0, %mul3A_266 : i32
    %mul3A_268 = arith.constant 640 : i32
    %mul3A_269 = arith.muli %arg1, %mul3A_268 : i32
    %add3A_270 = arith.addi %mul3A_267, %mul3A_269 : i32
    "tpu.region"() ({
      %run_scoped3A = tpu.sem_alloc : memref<!tpu.dma_semaphore, #tpu.memory_space<semaphore_mem>>
      %dma_start3A_271 = tpu.memref_slice %arg4[%add3A_270] : memref<20480xf32, #tpu.memory_space<hbm>> -> memref<640xf32, #tpu.memory_space<hbm>>
      %dma_start3A_272 = tpu.memref_slice %arg4[%add3A_270] : memref<20480xf32, #tpu.memory_space<hbm>> -> memref<640xf32, #tpu.memory_space<hbm>>
      tpu.enqueue_dma source(%arg17 : memref<640xf32, #tpu.memory_space<vmem>>) target(%dma_start3A_272 : memref<640xf32, #tpu.memory_space<hbm>>) target_semaphore(%run_scoped3A : memref<!tpu.dma_semaphore, #tpu.memory_space<semaphore_mem>>)
      %dma_wait3A = tpu.memref_slice %arg4[%add3A_270] : memref<20480xf32, #tpu.memory_space<hbm>> -> memref<640xf32, #tpu.memory_space<hbm>>
      %dma_wait3A_273 = tpu.memref_slice %arg4[%add3A_270] : memref<20480xf32, #tpu.memory_space<hbm>> -> memref<640xf32, #tpu.memory_space<hbm>>
      tpu.wait_dma2 semaphore(%run_scoped3A : memref<!tpu.dma_semaphore, #tpu.memory_space<semaphore_mem>>) src(%arg17 : memref<640xf32, #tpu.memory_space<vmem>>) dst(%dma_wait3A_273 : memref<640xf32, #tpu.memory_space<hbm>>)
      tpu.yield
    }) : () -> ()
    return
  }
}

module attributes {stable_mosaic.version = 14 : i64} {
  func.func @_prep_body(%arg0: i32, %arg1: memref<1000x2xf32, #tpu.memory_space<vmem>>, %arg2: memref<1000x128xf32, #tpu.memory_space<vmem>>, %arg3: memref<128x128xf32, #tpu.memory_space<vmem>>, %arg4: memref<1000x128xf32, #tpu.memory_space<vmem>>, %arg5: memref<1000x1xf32, #tpu.memory_space<vmem>>) attributes {dimension_semantics = [#tpu.dimension_semantics<arbitrary>], iteration_bounds = array<i64: 10>, scalar_prefetch = 0 : i64, scratch_operands = 0 : i64, tpu.core_type = #tpu.core_type<tc>, window_params = [{transform_indices = @transform_0, window_bounds = array<i64: 1000, 2>}, {transform_indices = @transform_1, window_bounds = array<i64: 1000, 128>}, {pipeline_mode = #tpu.pipeline_mode<synchronous>, transform_indices = @transform_2, window_bounds = array<i64: 128, 128>}, {transform_indices = @transform_3, window_bounds = array<i64: 1000, 128>}, {transform_indices = @transform_4, window_bounds = array<i64: 1000, 1>}]} {
    %get3A = arith.constant 0 : index
    %get3A_0 = arith.constant 0 : index
    %get3A_1 = vector.load %arg1[%get3A, %get3A_0] : memref<1000x2xf32, #tpu.memory_space<vmem>>, vector<1000x2xf32>
    %reduce_sum3A = arith.constant dense<0.000000e+00> : vector<1000xf32>
    %reduce_sum3A_2 = vector.multi_reduction <add>, %get3A_1, %reduce_sum3A [1] : vector<1000x2xf32> to vector<1000xf32>
    %add3A = arith.constant 1.000000e+00 : f32
    %add3A_3 = vector.broadcast %add3A : f32 to vector<1000xf32>
    %add3A_4 = arith.addf %reduce_sum3A_2, %add3A_3 : vector<1000xf32>
    %sqrt3A = math.sqrt %add3A_4 : vector<1000xf32>
    %div3A = arith.constant 1.000000e+00 : f32
    %div3A_5 = vector.broadcast %div3A : f32 to vector<1000xf32>
    %div3A_6 = arith.divf %div3A_5, %sqrt3A : vector<1000xf32>
    %get3A_7 = arith.constant 0 : index
    %get3A_8 = arith.constant 0 : index
    %get3A_9 = vector.load %arg2[%get3A_7, %get3A_8] : memref<1000x128xf32, #tpu.memory_space<vmem>>, vector<1000x128xf32>
    %convert_element_type3A = arith.truncf %get3A_9 : vector<1000x128xf32> to vector<1000x128xbf16>
    %get3A_10 = arith.constant 0 : index
    %get3A_11 = arith.constant 0 : index
    %get3A_12 = vector.load %arg3[%get3A_10, %get3A_11] : memref<128x128xf32, #tpu.memory_space<vmem>>, vector<128x128xf32>
    %convert_element_type3A_13 = arith.truncf %get3A_12 : vector<128x128xf32> to vector<128x128xbf16>
    %dot_general3A = arith.constant dense<0.000000e+00> : vector<1000x128xf32>
    %dot_general3A_14 = tpu.matmul %convert_element_type3A, %convert_element_type3A_13, %dot_general3A {dimension_numbers = #tpu.dot_dimension_numbers<[1], [0], [0], [1], [0, 0, 1, 1], [], []>, transpose_lhs_hint = false} : vector<1000x128xbf16>, vector<128x128xbf16>, vector<1000x128xf32> -> vector<1000x128xf32>
    %broadcast_in_dim3A = vector.shape_cast %div3A_6 : vector<1000xf32> to vector<1000x1xf32>
    %mul3A = vector.broadcast %broadcast_in_dim3A : vector<1000x1xf32> to vector<1000x128xf32>
    %mul3A_15 = arith.mulf %dot_general3A_14, %mul3A : vector<1000x128xf32>
    %swap3A = arith.constant 0 : index
    %swap3A_16 = arith.constant 0 : index
    %swap3A_17 = vector.load %arg4[%swap3A, %swap3A_16] : memref<1000x128xf32, #tpu.memory_space<vmem>>, vector<1000x128xf32>
    tpu.vector_store %arg4[%swap3A, %swap3A_16], %mul3A_15 {strides = array<i32>} : memref<1000x128xf32, #tpu.memory_space<vmem>>, vector<1000x128xf32>,
    %broadcast_in_dim3A_18 = vector.shape_cast %div3A_6 : vector<1000xf32> to vector<1000x1xf32>
    %swap3A_19 = arith.constant 0 : index
    %swap3A_20 = arith.constant 0 : index
    %swap3A_21 = vector.load %arg5[%swap3A_19, %swap3A_20] : memref<1000x1xf32, #tpu.memory_space<vmem>>, vector<1000x1xf32>
    tpu.vector_store %arg5[%swap3A_19, %swap3A_20], %broadcast_in_dim3A_18 {strides = array<i32>} : memref<1000x1xf32, #tpu.memory_space<vmem>>, vector<1000x1xf32>,
    return
  }
  func.func @transform_0(%arg0: i32) -> (i32, i32) {
    %c0_i32 = arith.constant 0 : i32
    %c0_i32_0 = arith.constant 0 : i32
    return %arg0, %c0_i32 : i32, i32
  }
  func.func @transform_1(%arg0: i32) -> (i32, i32) {
    %c0_i32 = arith.constant 0 : i32
    %c0_i32_0 = arith.constant 0 : i32
    return %arg0, %c0_i32 : i32, i32
  }
  func.func @transform_2(%arg0: i32) -> (i32, i32) {
    %c0_i32 = arith.constant 0 : i32
    %c0_i32_0 = arith.constant 0 : i32
    %c0_i32_1 = arith.constant 0 : i32
    return %c0_i32, %c0_i32_0 : i32, i32
  }
  func.func @transform_3(%arg0: i32) -> (i32, i32) {
    %c0_i32 = arith.constant 0 : i32
    %c0_i32_0 = arith.constant 0 : i32
    return %arg0, %c0_i32 : i32, i32
  }
  func.func @transform_4(%arg0: i32) -> (i32, i32) {
    %c0_i32 = arith.constant 0 : i32
    %c0_i32_0 = arith.constant 0 : i32
    return %arg0, %c0_i32 : i32, i32
  }
}

module attributes {stable_mosaic.version = 14 : i64} {
  func.func @_mid_body(%arg0: i32, %arg1: memref<2x1000x128xf32, #tpu.memory_space<vmem>>, %arg2: memref<1000x128xf32, #tpu.memory_space<vmem>>, %arg3: memref<1000x1xf32, #tpu.memory_space<vmem>>, %arg4: memref<128xf32, #tpu.memory_space<vmem>>, %arg5: memref<128x128xf32, #tpu.memory_space<vmem>>, %arg6: memref<128x1xf32, #tpu.memory_space<vmem>>, %arg7: memref<1000x1xf32, #tpu.memory_space<vmem>>) attributes {dimension_semantics = [#tpu.dimension_semantics<arbitrary>], iteration_bounds = array<i64: 10>, scalar_prefetch = 0 : i64, scratch_operands = 0 : i64, tpu.core_type = #tpu.core_type<tc>, window_params = [{transform_indices = @transform_0, window_bounds = array<i64: 2, 1000, 128>}, {transform_indices = @transform_1, window_bounds = array<i64: 1000, 128>}, {transform_indices = @transform_2, window_bounds = array<i64: 1000, 1>}, {pipeline_mode = #tpu.pipeline_mode<synchronous>, transform_indices = @transform_3, window_bounds = array<i64: 128>}, {pipeline_mode = #tpu.pipeline_mode<synchronous>, transform_indices = @transform_4, window_bounds = array<i64: 128, 128>}, {pipeline_mode = #tpu.pipeline_mode<synchronous>, transform_indices = @transform_5, window_bounds = array<i64: 128, 1>}, {transform_indices = @transform_6, window_bounds = array<i64: 1000, 1>}]} {
    %get3A = arith.constant 0 : index
    %get3A_0 = arith.constant 0 : index
    %get3A_1 = arith.constant 0 : index
    %get3A_2 = vector.load %arg1[%get3A, %get3A_0, %get3A_1] : memref<2x1000x128xf32, #tpu.memory_space<vmem>>, vector<1x1000x128xf32>
    %get3A_3 = vector.shape_cast %get3A_2 : vector<1x1000x128xf32> to vector<1000x128xf32>
    %get3A_4 = arith.constant 1 : index
    %get3A_5 = arith.constant 0 : index
    %get3A_6 = arith.constant 0 : index
    %get3A_7 = vector.load %arg1[%get3A_4, %get3A_5, %get3A_6] : memref<2x1000x128xf32, #tpu.memory_space<vmem>>, vector<1x1000x128xf32>
    %get3A_8 = vector.shape_cast %get3A_7 : vector<1x1000x128xf32> to vector<1000x128xf32>
    %add3A = arith.addf %get3A_3, %get3A_8 : vector<1000x128xf32>
    %get3A_9 = arith.constant 0 : index
    %get3A_10 = arith.constant 0 : index
    %get3A_11 = vector.load %arg2[%get3A_9, %get3A_10] : memref<1000x128xf32, #tpu.memory_space<vmem>>, vector<1000x128xf32>
    %add3A_12 = arith.addf %add3A, %get3A_11 : vector<1000x128xf32>
    %get3A_13 = arith.constant 0 : index
    %get3A_14 = arith.constant 0 : index
    %get3A_15 = vector.load %arg3[%get3A_13, %get3A_14] : memref<1000x1xf32, #tpu.memory_space<vmem>>, vector<1000x1xf32>
    %mul3A = vector.broadcast %get3A_15 : vector<1000x1xf32> to vector<1000x128xf32>
    %mul3A_16 = arith.mulf %add3A_12, %mul3A : vector<1000x128xf32>
    %get3A_17 = arith.constant 0 : index
    %get3A_18 = vector.load %arg4[%get3A_17] : memref<128xf32, #tpu.memory_space<vmem>>, vector<128xf32>
    %broadcast_in_dim3A = vector.shape_cast %get3A_18 : vector<128xf32> to vector<1x128xf32>
    %add3A_19 = vector.broadcast %broadcast_in_dim3A : vector<1x128xf32> to vector<1000x128xf32>
    %add3A_20 = arith.addf %mul3A_16, %add3A_19 : vector<1000x128xf32>
    %max3A = arith.constant 0.000000e+00 : f32
    %max3A_21 = vector.broadcast %max3A : f32 to vector<1000x128xf32>
    %max3A_22 = arith.maximumf %add3A_20, %max3A_21 : vector<1000x128xf32>
    %convert_element_type3A = arith.truncf %max3A_22 : vector<1000x128xf32> to vector<1000x128xbf16>
    %get3A_23 = arith.constant 0 : index
    %get3A_24 = arith.constant 0 : index
    %get3A_25 = vector.load %arg5[%get3A_23, %get3A_24] : memref<128x128xf32, #tpu.memory_space<vmem>>, vector<128x128xf32>
    %convert_element_type3A_26 = arith.truncf %get3A_25 : vector<128x128xf32> to vector<128x128xbf16>
    %dot_general3A = arith.constant dense<0.000000e+00> : vector<1000x128xf32>
    %dot_general3A_27 = tpu.matmul %convert_element_type3A, %convert_element_type3A_26, %dot_general3A {dimension_numbers = #tpu.dot_dimension_numbers<[1], [0], [0], [1], [0, 0, 1, 1], [], []>, transpose_lhs_hint = false} : vector<1000x128xbf16>, vector<128x128xbf16>, vector<1000x128xf32> -> vector<1000x128xf32>
    %convert_element_type3A_28 = arith.truncf %dot_general3A_27 : vector<1000x128xf32> to vector<1000x128xbf16>
    %get3A_29 = arith.constant 0 : index
    %get3A_30 = arith.constant 0 : index
    %get3A_31 = vector.load %arg6[%get3A_29, %get3A_30] : memref<128x1xf32, #tpu.memory_space<vmem>>, vector<128x1xf32>
    %convert_element_type3A_32 = arith.truncf %get3A_31 : vector<128x1xf32> to vector<128x1xbf16>
    %dot_general3A_33 = arith.constant dense<0.000000e+00> : vector<1000x1xf32>
    %dot_general3A_34 = tpu.matmul %convert_element_type3A_28, %convert_element_type3A_32, %dot_general3A_33 {dimension_numbers = #tpu.dot_dimension_numbers<[1], [0], [0], [1], [0, 0, 1, 1], [], []>, transpose_lhs_hint = false} : vector<1000x128xbf16>, vector<128x1xbf16>, vector<1000x1xf32> -> vector<1000x1xf32>
    %mul3A_35 = arith.mulf %dot_general3A_34, %get3A_15 : vector<1000x1xf32>
    %swap3A = arith.constant 0 : index
    %swap3A_36 = arith.constant 0 : index
    %swap3A_37 = vector.load %arg7[%swap3A, %swap3A_36] : memref<1000x1xf32, #tpu.memory_space<vmem>>, vector<1000x1xf32>
    tpu.vector_store %arg7[%swap3A, %swap3A_36], %mul3A_35 {strides = array<i32>} : memref<1000x1xf32, #tpu.memory_space<vmem>>, vector<1000x1xf32>,
    return
  }
  func.func @transform_0(%arg0: i32) -> (i32, i32, i32) {
    %c0_i32 = arith.constant 0 : i32
    %c0_i32_0 = arith.constant 0 : i32
    %c0_i32_1 = arith.constant 0 : i32
    return %c0_i32, %arg0, %c0_i32_0 : i32, i32, i32
  }
  func.func @transform_1(%arg0: i32) -> (i32, i32) {
    %c0_i32 = arith.constant 0 : i32
    %c0_i32_0 = arith.constant 0 : i32
    return %arg0, %c0_i32 : i32, i32
  }
  func.func @transform_2(%arg0: i32) -> (i32, i32) {
    %c0_i32 = arith.constant 0 : i32
    %c0_i32_0 = arith.constant 0 : i32
    return %arg0, %c0_i32 : i32, i32
  }
  func.func @transform_3(%arg0: i32) -> i32 {
    %c0_i32 = arith.constant 0 : i32
    %c0_i32_0 = arith.constant 0 : i32
    return %c0_i32 : i32
  }
  func.func @transform_4(%arg0: i32) -> (i32, i32) {
    %c0_i32 = arith.constant 0 : i32
    %c0_i32_0 = arith.constant 0 : i32
    %c0_i32_1 = arith.constant 0 : i32
    return %c0_i32, %c0_i32_0 : i32, i32
  }
  func.func @transform_5(%arg0: i32) -> (i32, i32) {
    %c0_i32 = arith.constant 0 : i32
    %c0_i32_0 = arith.constant 0 : i32
    %c0_i32_1 = arith.constant 0 : i32
    return %c0_i32, %c0_i32_0 : i32, i32
  }
  func.func @transform_6(%arg0: i32) -> (i32, i32) {
    %c0_i32 = arith.constant 0 : i32
    %c0_i32_0 = arith.constant 0 : i32
    return %arg0, %c0_i32 : i32, i32
  }
}

module attributes {stable_mosaic.version = 14 : i64} {
  func.func @_final_body(%arg0: i32, %arg1: memref<1000x2xf32, #tpu.memory_space<vmem>>, %arg2: memref<1000x1xf32, #tpu.memory_space<vmem>>, %arg3: memref<1000x1xf32, #tpu.memory_space<vmem>>, %arg4: memref<128xf32, #tpu.memory_space<vmem>>, %arg5: memref<128x1xf32, #tpu.memory_space<vmem>>, %arg6: memref<1x1xf32, #tpu.memory_space<vmem>>, %arg7: memref<1000x1xf32, #tpu.memory_space<vmem>>) attributes {dimension_semantics = [#tpu.dimension_semantics<arbitrary>], iteration_bounds = array<i64: 10>, scalar_prefetch = 0 : i64, scratch_operands = 0 : i64, tpu.core_type = #tpu.core_type<tc>, window_params = [{transform_indices = @transform_0, window_bounds = array<i64: 1000, 2>}, {transform_indices = @transform_1, window_bounds = array<i64: 1000, 1>}, {transform_indices = @transform_2, window_bounds = array<i64: 1000, 1>}, {pipeline_mode = #tpu.pipeline_mode<synchronous>, transform_indices = @transform_3, window_bounds = array<i64: 128>}, {pipeline_mode = #tpu.pipeline_mode<synchronous>, transform_indices = @transform_4, window_bounds = array<i64: 128, 1>}, {pipeline_mode = #tpu.pipeline_mode<synchronous>, transform_indices = @transform_5, window_bounds = array<i64: 1, 1>}, {transform_indices = @transform_6, window_bounds = array<i64: 1000, 1>}]} {
    %get3A = arith.constant 0 : index
    %get3A_0 = arith.constant 0 : index
    %get3A_1 = vector.load %arg1[%get3A, %get3A_0] : memref<1000x2xf32, #tpu.memory_space<vmem>>, vector<1000x2xf32>
    %reduce_sum3A = arith.constant dense<0.000000e+00> : vector<1000xf32>
    %reduce_sum3A_2 = vector.multi_reduction <add>, %get3A_1, %reduce_sum3A [1] : vector<1000x2xf32> to vector<1000xf32>
    %broadcast_in_dim3A = vector.shape_cast %reduce_sum3A_2 : vector<1000xf32> to vector<1000x1xf32>
    %get3A_3 = arith.constant 0 : index
    %get3A_4 = vector.load %arg4[%get3A_3] : memref<128xf32, #tpu.memory_space<vmem>>, vector<128xf32>
    %broadcast_in_dim3A_5 = vector.shape_cast %get3A_4 : vector<128xf32> to vector<1x128xf32>
    %get3A_6 = arith.constant 0 : index
    %get3A_7 = arith.constant 0 : index
    %get3A_8 = vector.load %arg5[%get3A_6, %get3A_7] : memref<128x1xf32, #tpu.memory_space<vmem>>, vector<128x1xf32>
    %dot_general3A = arith.constant dense<0.000000e+00> : vector<1x1xf32>
    %dot_general3A_9 = tpu.matmul %broadcast_in_dim3A_5, %get3A_8, %dot_general3A {dimension_numbers = #tpu.dot_dimension_numbers<[1], [0], [0], [1], [0, 0, 1, 1], [], []>, transpose_lhs_hint = false} : vector<1x128xf32>, vector<128x1xf32>, vector<1x1xf32> -> vector<1x1xf32>
    %get3A_10 = arith.constant 0 : index
    %get3A_11 = arith.constant 0 : index
    %get3A_12 = vector.load %arg6[%get3A_10, %get3A_11] : memref<1x1xf32, #tpu.memory_space<vmem>>, vector<1x1xf32>
    %add3A = arith.addf %dot_general3A_9, %get3A_12 : vector<1x1xf32>
    %get3A_13 = arith.constant 0 : index
    %get3A_14 = arith.constant 0 : index
    %get3A_15 = vector.load %arg3[%get3A_13, %get3A_14] : memref<1000x1xf32, #tpu.memory_space<vmem>>, vector<1000x1xf32>
    %get3A_16 = arith.constant 0 : index
    %get3A_17 = arith.constant 0 : index
    %get3A_18 = vector.load %arg2[%get3A_16, %get3A_17] : memref<1000x1xf32, #tpu.memory_space<vmem>>, vector<1000x1xf32>
    %add3A_19 = arith.addf %broadcast_in_dim3A, %get3A_18 : vector<1000x1xf32>
    %mul3A = arith.mulf %get3A_15, %add3A_19 : vector<1000x1xf32>
    %add3A_20 = vector.broadcast %add3A : vector<1x1xf32> to vector<1000x1xf32>
    %add3A_21 = arith.addf %mul3A, %add3A_20 : vector<1000x1xf32>
    %swap3A = arith.constant 0 : index
    %swap3A_22 = arith.constant 0 : index
    %swap3A_23 = vector.load %arg7[%swap3A, %swap3A_22] : memref<1000x1xf32, #tpu.memory_space<vmem>>, vector<1000x1xf32>
    tpu.vector_store %arg7[%swap3A, %swap3A_22], %add3A_21 {strides = array<i32>} : memref<1000x1xf32, #tpu.memory_space<vmem>>, vector<1000x1xf32>,
    return
  }
  func.func @transform_0(%arg0: i32) -> (i32, i32) {
    %c0_i32 = arith.constant 0 : i32
    %c0_i32_0 = arith.constant 0 : i32
    return %arg0, %c0_i32 : i32, i32
  }
  func.func @transform_1(%arg0: i32) -> (i32, i32) {
    %c0_i32 = arith.constant 0 : i32
    %c0_i32_0 = arith.constant 0 : i32
    return %arg0, %c0_i32 : i32, i32
  }
  func.func @transform_2(%arg0: i32) -> (i32, i32) {
    %c0_i32 = arith.constant 0 : i32
    %c0_i32_0 = arith.constant 0 : i32
    return %arg0, %c0_i32 : i32, i32
  }
  func.func @transform_3(%arg0: i32) -> i32 {
    %c0_i32 = arith.constant 0 : i32
    %c0_i32_0 = arith.constant 0 : i32
    return %c0_i32 : i32
  }
  func.func @transform_4(%arg0: i32) -> (i32, i32) {
    %c0_i32 = arith.constant 0 : i32
    %c0_i32_0 = arith.constant 0 : i32
    %c0_i32_1 = arith.constant 0 : i32
    return %c0_i32, %c0_i32_0 : i32, i32
  }
  func.func @transform_5(%arg0: i32) -> (i32, i32) {
    %c0_i32 = arith.constant 0 : i32
    %c0_i32_0 = arith.constant 0 : i32
    %c0_i32_1 = arith.constant 0 : i32
    return %c0_i32, %c0_i32_0 : i32, i32
  }
  func.func @transform_6(%arg0: i32) -> (i32, i32) {
    %c0_i32 = arith.constant 0 : i32
    %c0_i32_0 = arith.constant 0 : i32
    return %arg0, %c0_i32 : i32, i32
  }
}

</mosaic_0001>

<sc_bundles>
// kernel: kernel.11.cloned.1.call-start
scs
__scs_entry_jumppad:
0x0: {  	(pc) =	sbr.rel $0x88, $3  }
0x1: {  	(tag) =	ssettag $0x0;
	lr =	simm.s32 $0x1  }
0x2: {  	[smem:$0x3F99] =	sst lr;
	_ =	strace $0xD0000000  }
0x3: {  	_ = 	snop  }
0x4: {  	_ = 	snop  }
0x5: {  	_ = 	snop  }
0x6: {  	_ = 	snop  }
0x7: {  	_ = 	snop  }
__scs_overlays_trampoline_lowered:
0x8: {  	[smem:$0x3FA8] =	sst s0  }
0x9: {  	[smem:$0x3FA9] =	sst s1  }
0xa: {  	[smem:$0x3FAA] =	sst s2  }
0xb: {  	[smem:$0x3FAB] =	sst s3  }
0xc: {  	[smem:$0x3FAC] =	sst s4  }
0xd: {  	[smem:$0x3FAD] =	sst s5  }
0xe: {  	[smem:$0x3FAE] =	sst s6  }
0xf: {  	[smem:$0x3FAF] =	sst s7  }
0x10: {  	[smem:$0x3FB0] =	sst s8  }
0x11: {  	[smem:$0x3FB1] =	sst s9;
	s0 =	simm.s32 @!p0 $0x0  }
0x12: {  	s1 =	sld [smem:$0x3F97];
	s0 =	simm.s32 @p0 $0x1  }
0x13: {  	[smem:$0x3FB2] =	sst s0;
	s0 =	simm.s32 @!p1 $0x0  }
0x14: {  	s2 =	sld [smem:$0x3F96];
	s0 =	simm.s32 @p1 $0x1  }
0x15: {  	[smem:$0x3FB3] =	sst s0;
	s0 =	simm.s32 @!p2 $0x0  }
0x16: {  	s3 =	sld [smem:$0x3FDB];
	s0 =	simm.s32 @p2 $0x1  }
0x17: {  	s4 =	simm.s32 $0x1BF5;
	[smem:$0x3FB5] =	sst s0  }
0x18: {  	s0 =	sld [smem:$0x3F98];
	_ =	swait.ge [sflag:s4], $0x0  }
0x19: {  	s7 =	sld [smem:$0x3F99]  }
0x1a: {  	s8 =	sadd.s32 $0xFFFFE003, lr  }
0x1b: {  	s9 =	sadd.s32 $0xFFFFFEF7, lr;
	s5 =	simm.s32 $0xFFFFFFFF;
	p2 =	slt.u32 s8, $0xFFFFF086  }
0x1c: {  	p1 =	slt.u32 s9, $0xF7A;
	s5 =	simm.s32 @!p2 $0x0  }
0x1d: {  	s5 =	simm.s32 @p1 $0x1;
	p0 =	seq.s32 s7, s2  }
0x1e: {  	s7 =	smul.u32 @!p0 $0xF7A, s2;
	p2 =	seq.s32 @!p0 s5, $0x0  }
0x1f: {  	s9 =	smul.u32 $0xF7A, s1;
	s8 =	simm.s32 @!p0 $0x1BF5;
	p2 =	por !p2, p0  }
0x20: {  	[sflag:s8] =	ssyncset.s32 @!p0 $0xFFFFF086;
	s6 =	sadd.s32 @!p0 s3, s7;
	s7 =	simm.s32 @!p0 $0x108  }
0x21: {  	s3 =	sadd.s32 s3, s9;
	s6 =	sadd.s32 @!p0 $0x88, s6;
	s7 =	simm.s32 @p2 $0x1082  }
0x22: {  	[simem:s7], [sflag:s8] =	dma.local @!p0 [hbm:s6], $0xF7A  }
0x23: {  	s9 =	sor.u32 $0xD0000000, s2;
	s6 =	simm.s32 $0x108;
	_ =	swait.ge @!p0 [sflag:s8], $0x0  }
0x24: {  	s3 =	sadd.s32 $0x88, s3;
	s6 =	simm.s32 @!p1 $0x1082;
	[sflag:s4] =	ssyncset.s32 $0xFFFFF086  }
0x25: {  	[simem:s6], [sflag:s4] =	dma.local [hbm:s3], $0xF7A  }
0x26: {  	[smem:$0x3F99] =	sst s1;
	(tag) =	ssettag s2;
	_ =	strace s9  }
0x27: {  	s1 =	sld [smem:$0x3FA9]  }
0x28: {  	s2 =	sld [smem:$0x3FAA]  }
0x29: {  	s4 =	sld [smem:$0x3FAC]  }
0x2a: {  	p0 =	seq.s32 s5, $0x0;
	s5 =	sld [smem:$0x3FAD]  }
0x2b: {  	s6 =	sld [smem:$0x3FAE]  }
0x2c: {  	s7 =	sld [smem:$0x3FAF]  }
0x2d: {  	s3 =	simm.s32 $0x108;
	s8 =	sld [smem:$0x3FB0]  }
0x2e: {  	s3 =	simm.s32 @!p0 $0x1082;
	s9 =	sld [smem:$0x3FB1]  }
0x2f: {  	lr =	sadd.s32 s0, s3;
	s0 =	sld [smem:$0x3FA8]  }
0x30: {  	s3 =	sld [smem:$0x3FAB]  }
0x31: {  	[smem:$0x3FB4] =	sst s10  }
0x32: {  	s10 =	sld [smem:$0x3FB2];
	_ =	sdelay $0x3  }
0x33: {  	p0 =	seq.s32 s10, $0x1;
	s10 =	sld [smem:$0x3FB4];
	_ =	sdelay $0x3  }
0x34: {  	[smem:$0x3FB4] =	sst s10  }
0x35: {  	s10 =	sld [smem:$0x3FB3];
	_ =	sdelay $0x3  }
0x36: {  	p1 =	seq.s32 s10, $0x1;
	s10 =	sld [smem:$0x3FB4];
	_ =	sdelay $0x3  }
0x37: {  	[smem:$0x3FB4] =	sst s10  }
0x38: {  	s10 =	sld [smem:$0x3FB5]  }
0x39: {  	_ = 	snop;
	(pc) =	sbr.ind lr, $3  }
0x3a: {  	_ = 	snop  }
0x3b: {  	_ = 	snop  }
0x3c: {  	p2 =	seq.s32 s10, $0x1;
	s10 =	sld [smem:$0x3FB4]  }
0x3d: {  	_ =	shalt  }
0x3e: {  	_ =	shalt  }
0x3f: {  	_ =	shalt  }
0x40: {  	_ =	shalt  }
0x41: {  	_ =	shalt  }
0x42: {  	_ =	shalt  }
0x43: {  	_ =	shalt  }
0x44: {  	_ =	shalt  }
0x45: {  	_ =	shalt  }
0x46: {  	_ =	shalt  }
0x47: {  	_ =	shalt  }
0x48: {  	_ =	shalt  }
0x49: {  	_ =	shalt  }
0x4a: {  	_ =	shalt  }
0x4b: {  	_ =	shalt  }
0x4c: {  	_ =	shalt  }
0x4d: {  	_ =	shalt  }
0x4e: {  	_ =	shalt  }
0x4f: {  	_ =	shalt  }
0x50: {  	_ =	shalt  }
0x51: {  	_ =	shalt  }
0x52: {  	_ =	shalt  }
0x53: {  	_ =	shalt  }
0x54: {  	_ =	shalt  }
0x55: {  	_ =	shalt  }
0x56: {  	_ =	shalt  }
0x57: {  	_ =	shalt  }
0x58: {  	_ =	shalt  }
0x59: {  	_ =	shalt  }
0x5a: {  	_ =	shalt  }
0x5b: {  	_ =	shalt  }
0x5c: {  	_ =	shalt  }
0x5d: {  	_ =	shalt  }
0x5e: {  	_ =	shalt  }
0x5f: {  	_ =	shalt  }
0x60: {  	_ =	shalt  }
0x61: {  	_ =	shalt  }
0x62: {  	_ =	shalt  }
0x63: {  	_ =	shalt  }
0x64: {  	_ =	shalt  }
0x65: {  	_ =	shalt  }
0x66: {  	_ =	shalt  }
0x67: {  	_ =	shalt  }
0x68: {  	_ =	shalt  }
0x69: {  	_ =	shalt  }
0x6a: {  	_ =	shalt  }
0x6b: {  	_ =	shalt  }
0x6c: {  	_ =	shalt  }
0x6d: {  	_ =	shalt  }
0x6e: {  	_ =	shalt  }
0x6f: {  	_ =	shalt  }
0x70: {  	_ =	shalt  }
0x71: {  	_ =	shalt  }
0x72: {  	_ =	shalt  }
0x73: {  	_ =	shalt  }
0x74: {  	_ =	shalt  }
0x75: {  	_ =	shalt  }
0x76: {  	_ =	shalt  }
0x77: {  	_ =	shalt  }
0x78: {  	_ =	shalt  }
0x79: {  	_ =	shalt  }
0x7a: {  	_ =	shalt  }
0x7b: {  	_ =	shalt  }
0x7c: {  	_ =	shalt  }
0x7d: {  	_ =	shalt  }
0x7e: {  	_ =	shalt  }
0x7f: {  	_ =	shalt  }
0x80: {  	_ =	shalt  }
0x81: {  	_ =	shalt  }
0x82: {  	_ =	shalt  }
0x83: {  	_ =	shalt  }
0x84: {  	_ =	shalt  }
0x85: {  	_ =	shalt  }
0x86: {  	_ =	shalt  }
0x87: {  	_ =	shalt  }
.Lfunc_end0:
.L_simem_size_0:
called_computation.1_lowered:
.L_overlay_start_0:
0x88: {  	s2 =	sld [smem:$0x3FD9]  }
0x89: {  	s3 =	sld [smem:$0x3FFE];
	_ =	sdelay $0x1  }
0x8a: {  	s1 =	srdreg.scid  }
0x8b: {  	s0 =	sand.u32 $0x1, s1  }
0x8c: {  	s16 =	sshll.u32 s0, $0xA;
	s2 =	sadd.s32 s3, s2  }
0x8d: {  	s2 =	sadd.s32 s2, s16  }
0x8e: {  	[smem:$0x3FC0] =	sst s2  }
0x8f: {  	_ = 	snop  }
0x90: {  	(tm) =	ssettm $0x1  }
0x91: {  	s17 =	sld [smem:$0x3FFB];
	_ =	sdelay $0x3  }
0x92: {  	_ =	strace s17  }
0x93: {  	s2 =	sld [smem:$0x3FFC];
	_ =	sdelay $0x3  }
0x94: {  	_ =	strace s2  }
0x95: {  	s2 =	sld [smem:$0x3FFD];
	_ =	sdelay $0x3  }
0x96: {  	_ =	strace s2  }
0x97: {  	_ =	strace $0x8FFFFFFF  }
0x98: {  	s18 =	sld [smem:$0x3FDB];
	_ =	sdelay $0x1  }
0x99: {  	s19 =	simm.s32 $_scs_section_size  }
0x9a: {  	s4 =	simm.s32 $_size__tile_overlayer_lowered;
	s5 =	simm.s32 $_tile_overlayer_lowered  }
0x9b: {  	s22 =	simm.s32 $0x1BFF;
	s21 =	sshll.u32 s5, $0x1;
	s2 =	sadd.s32 s19, s18  }
0x9c: {  	s6 =	simm.s32 $0x0;
	s20 =	sshll.u32 s4, $0x1;
	s4 =	sadd.s32 s21, s2  }
0x9d: {  	[timem:s6], [sflag:s22] =	dma.local [hbm:s4], s20  }
0x9e: {  	_ =	swait.ge [sflag:s22], s20  }
0x9f: {  	s3 =	ssub.s32 $0x0, s20;
	[sflag:s22] =	ssyncset.done $0x0  }
0xa0: {  	[sflag:s22] =	ssyncadd.s32 s3;
	_ =	sdelay $0x1  }
0xa1: {  	s23 =	simm.s32 $0x1B8B  }
0xa2: {  	_ =	swait.ge [sflag:s23], $0x1  }
0xa3: {  	[sflag:s23] =	ssyncset.done $0x0  }
0xa4: {  	s25 =	simm.s32 $0x1B8E;
	s24 =	sld [smem:$0x3FFE];
	[sflag:s23] =	ssyncadd.s32 $0xFFFFFFFF  }
0xa5: {  	s26 =	simm.s32 $execute0_lowered;
	[smem:$0x3FD2] =	sst s25  }
0xa6: {  	s4 =	sshll.u32 s26, $0x1;
	_ =	strace $0x80000049;
	[dreg:$0x1] =	wrdreg $0xFFFFFFFF  }
0xa7: {  	s28 =	simm.s32 $_size_execute0_lowered;
	s2 =	sadd.s32 s2, s4;
	[dreg:$0x0] =	wrdreg $0x0  }
0xa8: {  	s4 =	sshll.u32 s28, $0x1;
	[dreg:$0x2] =	wrdreg s2  }
0xa9: {  	[dreg:$0x3] =	wrdreg s4  }
0xaa: {  	[dreg:$0x4] =	wrdreg $0xC0  }
0xab: {  	_ =	task [dreg:s6], $0x5FFFF  }
0xac: {  	[dreg:$0x1] =	wrdreg $0xFFFFFFFF  }
0xad: {  	[dreg:$0x0] =	wrdreg $0x60  }
0xae: {  	[dreg:$0x2] =	wrdreg s24  }
0xaf: {  	[dreg:$0x3] =	wrdreg $0x82000  }
0xb0: {  	[dreg:$0x4] =	wrdreg $0x9  }
0xb1: {  	_ =	task.clear_ibuf [dreg:s6], $0x5FFFF;
	_ =	strace $0x90000049  }
0xb2: {  	s29 =	simm.s32 $0x9;
	_ =	strace $0x8000004B  }
0xb3: {  	_ =	swait.ge [sflag:s29], $0x1  }
0xb4: {  	[sflag:s29] =	ssyncadd.s32 $0xFFFFFFFF  }
0xb5: {  	_ =	strace $0x9000004B  }
0xb6: {  	_ =	sfence  }
0xb7: {  	s30 =	sld [smem:$0x0];
	_ =	sdelay $0x2  }
0xb8: {  	s31 =	sshll.u32 s1, $0xD;
	s1 =	sshrl.u32 s1, $0x2  }
0xb9: {  	s3 =	sand.u32 $0x4000, s31;
	s1 =	sadd.s32 s1, s30  }
0xba: {  	s0 =	sor.u32 s3, s0;
	s1 =	sshll.u32 s1, $0x11  }
0xbb: {  	s0 =	sor.u32 s1, s0  }
0xbc: {  	s0 =	sadd.s32 $0x8F2B, s0  }
0xbd: {  	[sflag:s0] =	ssyncadd.remote.s32 $0x1  }
0xbe: {  	_ =	sfence.sel $0xFFFF  }
0xbf: {  	[dreg:$0x0] =	wrdreg $0xFFFFFFFF;
	(pc) =	sbr.abs _section_cstart, $3  }
0xc0: {  	[dreg:$0x1] =	wrdreg $0xFFFFFFFF  }
0xc1: {  	_ =	task.clear_ibuf [dreg:s6], $0x2FFFF;
	_ =	strace $0x9FFFFFFF  }
0xc2: {  	(tm) =	ssettm $0x7FFFFFFF  }
0xc3: {  	_ =	shalt  }
tec
execute0_lowered:
.L_overlay_start_1:
0x0: {  	(tag) =	ssettag $0x1  }
0x1: {  	s1 =	srdreg.scid;
	s5 =	rddreg [dreg:$0x0]  }
0x2: {  	s0 =	stileid.u32;
	s2 =	rddreg [dreg:$0x1]  }
0x3: {  	s3 =	simm.s32 $0x0;
	s20 =	simm.s32 $0x3;
	s21 =	simm.s32 $0x80  }
0x4: {  	s22 =	simm.s32 $0x100;
	s23 =	simm.s32 $0x1;
	s24 =	simm.s32 $0x4200  }
0x5: {  	s25 =	simm.s32 $0x2;
	s26 =	simm.s32 $0x180;
	s4 =	smul.u32 $0x280, s0  }
0x6: {  	s28 =	simm.s32 $0x0;
	s12 =	sand.u32 $0x1, s1;
	s7 =	smul.u32 $0x50000, s0  }
0x7: {  	[smem:$0x7FF] =	sst s3;
	s16 =	sadd.s32 $0x1800, s5;
	s19 =	smul.u32 $0xA00, s0  }
0x8: {  	s6 =	smul.u32 $0x2800, s12;
	_ =	strace $0x8000004A;
	s30 =	ssub.s32 $0x2, s12  }
0x9: {  	s31 =	sshll.u32 s12, $0x4;
	s18 =	smul.u32 $0xA000, s12;
	s7 =	sshrl.u32 s7, $0x2  }
0xa: {  	s8 =	sshrl.u32 s30, $0x1;
	s9 =	sor.u32 s0, s31;
	s4 =	sadd.s32 s4, s6  }
0xb: {  	s17 =	ssub.s32 s30, s8;
	s10 =	smul.u32 $0xA00, s9;
	s18 =	sadd.s32 s18, s16  }
0xc: {  	s6 =	sshll.u32 s4, $0x4;
	s4 =	sadd.s32 $0x15800, s5;
	s18 =	sadd.s32 s19, s18  }
0xd: {  	s19 =	simm.s32 $0x200;
	s15 =	sadd.s32 s6, s5;
	s5 =	sadd.s32 s7, s2  }
0xe: {  	s10 =	sadd.s32 s16, s10;
	s16 =	smax.u32 s17, $0x1;
	s6 =	sadd.s32 $0x4000, s5  }
0xf: {  	s7 =	sadd.s32 $0x8000, s5;
	s8 =	sadd.s32 $0xC000, s5;
	s9 =	sadd.s32 $0x10000, s5  }
0x10: {  	s11 =	sadd.s32 $0x3CA00, s15;
	s12 =	sadd.s32 $0x3D200, s15;
	s13 =	sadd.s32 $0x3DA00, s15  }
0x11: {  	v0 =	vimm.f32 $0.0e+00;
	s14 =	sadd.s32 $0x3E200, s15;
	s15 =	sadd.s32 $0x3EA00, s15;
	s17 =	sadd.s32 $0x9E0, s10  }
.LBB2_1:
0x12: {  	s29 =	simm.s32 $0x0;
	s30 =	simm.s32 $0x200  }
.LBB2_2:
0x13: {  	p0 =	sne.s32 s30, $0xFE00;
	[tilespmem:s29+$0x270] =	vst v0  }
0x14: {  	[tilespmem:s29+$0x200] =	vst v0  }
0x15: {  	[tilespmem:s29+$0x210] =	vst v0  }
.Ltmp0:
0x16: {  	[tilespmem:s29+$0x220] =	vst v0;
	(pc) =	sbr.rel @p0 .LBB2_2-.Ltmp0, $4  }
0x17: {  	[tilespmem:s29+$0x230] =	vst v0  }
0x18: {  	[tilespmem:s29+$0x240] =	vst v0  }
0x19: {  	[tilespmem:s29+$0x250] =	vst v0  }
0x1a: {  	[tilespmem:s29+$0x260] =	vst v0;
	s29 =	sshra.s32 s30, $0x2;
	s30 =	sadd.s32 $0x200, s30  }
0x1b: {  	[tilespmem:s29+$0x270] =	vst v0  }
0x1c: {  	[tilespmem:s29+$0x200] =	vst v0  }
0x1d: {  	[tilespmem:s29+$0x210] =	vst v0  }
0x1e: {  	[tilespmem:s29+$0x220] =	vst v0  }
0x1f: {  	[tilespmem:s29+$0x230] =	vst v0  }
0x20: {  	[tilespmem:s29+$0x240] =	vst v0  }
0x21: {  	[tilespmem:s29+$0x250] =	vst v0  }
0x22: {  	[tilespmem:s29+$0x260] =	vst v0  }
0x23: {  	[spmem:s5] =	stream.linear.scatter [tilespmem:s19], [sflag:$0x3], $0x4000, $0x38;
	[tilespmem:$0x1C200] =	vst v63  }
0x24: {  	_ =	swait.ge [sflag:s20], $0x4000  }
0x25: {  	[sflag:s20] =	ssyncset.done $0x0  }
0x26: {  	[sflag:s20] =	ssyncadd.s32 $0xFFFFC000  }
0x27: {  	[spmem:s6] =	stream.linear.scatter [tilespmem:s19], [sflag:$0x3], $0x4000, $0x38;
	[tilespmem:$0x1C200] =	vst v63  }
0x28: {  	_ =	swait.ge [sflag:s20], $0x4000  }
0x29: {  	[sflag:s20] =	ssyncset.done $0x0  }
0x2a: {  	[sflag:s20] =	ssyncadd.s32 $0xFFFFC000  }
0x2b: {  	[spmem:s7] =	stream.linear.scatter [tilespmem:s19], [sflag:$0x3], $0x4000, $0x38;
	[tilespmem:$0x1C200] =	vst v63  }
0x2c: {  	_ =	swait.ge [sflag:s20], $0x4000  }
0x2d: {  	[sflag:s20] =	ssyncset.done $0x0  }
0x2e: {  	[sflag:s20] =	ssyncadd.s32 $0xFFFFC000  }
0x2f: {  	[spmem:s8] =	stream.linear.scatter [tilespmem:s19], [sflag:$0x3], $0x4000, $0x38;
	[tilespmem:$0x1C200] =	vst v63  }
0x30: {  	_ =	swait.ge [sflag:s20], $0x4000  }
0x31: {  	[sflag:s20] =	ssyncset.done $0x0  }
0x32: {  	[sflag:s20] =	ssyncadd.s32 $0xFFFFC000  }
0x33: {  	[spmem:s9] =	stream.linear.scatter [tilespmem:s19], [sflag:$0x3], $0x4000, $0x38;
	[tilespmem:$0x1C200] =	vst v63  }
0x34: {  	_ =	swait.ge [sflag:s20], $0x4000  }
0x35: {  	[sflag:s20] =	ssyncset.done $0x0  }
0x36: {  	[sflag:s20] =	ssyncadd.s32 $0xFFFFC000  }
0x37: {  	[bflag:$0x0] =	sbarrier.arrive $0xFFFF  }
0x38: {  	[tilespmem:s3], [sflag:$0x3] =	stream.linear.gather [hbm4b:s10+s3], $0x100, $0x38;
	[tilespmem:$0x1C200] =	vst v63  }
0x39: {  	_ =	swait.ge [sflag:s20], $0x100  }
0x3a: {  	[sflag:s20] =	ssyncset.done $0x0  }
0x3b: {  	s29 =	sadd.s32 $0xFFFFF640, s18;
	[sflag:s20] =	ssyncadd.s32 $0xFFFFFF00  }
0x3c: {  	[tilespmem:s19], [sflag:$0x1] =	stream.indirect.gather [hbm4b:s4+s21], $0x80, s3, s21, $0xb8;
	[tilespmem:$0x1C200] =	vst v63  }
0x3d: {  	s30 =	sadd.s32 $0x9E0, s29  }
0x3e: {  	[tilespmem:s22], [sflag:$0x3] =	stream.linear.gather [hbm4b:s30+s3], $0x100, $0x38;
	[tilespmem:$0x1C200] =	vst v63  }
0x3f: {  	_ =	swait.ge [sflag:s20], $0x100  }
0x40: {  	[sflag:s20] =	ssyncset.done $0x0  }
0x41: {  	[sflag:s20] =	ssyncadd.s32 $0xFFFFFF00  }
0x42: {  	_ =	swait.ge [sflag:s23], $0x4000  }
0x43: {  	[sflag:s23] =	ssyncset.done $0x0  }
0x44: {  	[sflag:s23] =	ssyncadd.s32 $0xFFFFC000  }
0x45: {  	[tilespmem:s24], [sflag:$0x2] =	stream.indirect.gather [hbm4b:s4+s21], $0x80, s22, s21, $0xb8;
	[tilespmem:$0x1C200] =	vst v63  }
0x46: {  	_ = 	snop  }
0x47: {  	[spmem:s2] =	stream.indirect.scatter.add.f32 [tilespmem:s19], [sflag:$0x3], $0x80, s21, s21, $0xb8;
	[tilespmem:$0x1C200] =	vst v63  }
0x48: {  	_ =	swait.ge [sflag:s20], $0x4000  }
0x49: {  	[sflag:s20] =	ssyncset.done $0x0  }
0x4a: {  	s29 =	sadd.s32 $0xA00, s29;
	[sflag:s20] =	ssyncadd.s32 $0xFFFFC000  }
0x4b: {  	[tilespmem:s3], [sflag:$0x3] =	stream.linear.gather [hbm4b:s29+s3], $0x100, $0x38;
	[tilespmem:$0x1C200] =	vst v63  }
0x4c: {  	_ =	swait.ge [sflag:s20], $0x100  }
0x4d: {  	[sflag:s20] =	ssyncset.done $0x0  }
0x4e: {  	[sflag:s20] =	ssyncadd.s32 $0xFFFFFF00  }
0x4f: {  	_ =	swait.ge [sflag:s25], $0x4000  }
0x50: {  	[sflag:s25] =	ssyncset.done $0x0  }
0x51: {  	[sflag:s25] =	ssyncadd.s32 $0xFFFFC000  }
0x52: {  	[tilespmem:s19], [sflag:$0x1] =	stream.indirect.gather [hbm4b:s4+s21], $0x80, s3, s21, $0xb8;
	[tilespmem:$0x1C200] =	vst v63  }
0x53: {  	_ = 	snop  }
0x54: {  	[spmem:s2] =	stream.indirect.scatter.add.f32 [tilespmem:s24], [sflag:$0x3], $0x80, s26, s21, $0xb8;
	[tilespmem:$0x1C200] =	vst v63  }
0x55: {  	_ =	swait.ge [sflag:s20], $0x4000  }
0x56: {  	s30 =	simm.s32 $0xFFFFF6C0;
	s29 =	simm.s32 $0xFFFFF680;
	[sflag:s20] =	ssyncset.done $0x0  }
.LBB2_4:
0x57: {  	s31 =	sadd.s32 s29, s18  }
0x58: {  	[sflag:s20] =	ssyncadd.s32 $0xFFFFC000;
	s29 =	smov.u32 s30;
	s1 =	sadd.s32 $0x40, s30  }
0x59: {  	p0 =	sne.s32 s30, $0xFFFFFFC0;
	s30 =	sadd.s32 $0x9E0, s31  }
0x5a: {  	[tilespmem:s22], [sflag:$0x3] =	stream.linear.gather [hbm4b:s30+s3], $0x100, $0x38;
	[tilespmem:$0x1C200] =	vst v63  }
0x5b: {  	_ =	swait.ge [sflag:s20], $0x100  }
0x5c: {  	[sflag:s20] =	ssyncset.done $0x0  }
0x5d: {  	[sflag:s20] =	ssyncadd.s32 $0xFFFFFF00  }
0x5e: {  	_ =	swait.ge [sflag:s23], $0x4000  }
0x5f: {  	[sflag:s23] =	ssyncset.done $0x0  }
0x60: {  	[sflag:s23] =	ssyncadd.s32 $0xFFFFC000  }
0x61: {  	[tilespmem:s24], [sflag:$0x2] =	stream.indirect.gather [hbm4b:s4+s21], $0x80, s22, s21, $0xb8;
	[tilespmem:$0x1C200] =	vst v63  }
0x62: {  	_ = 	snop  }
0x63: {  	[spmem:s2] =	stream.indirect.scatter.add.f32 [tilespmem:s19], [sflag:$0x3], $0x80, s21, s21, $0xb8;
	[tilespmem:$0x1C200] =	vst v63  }
0x64: {  	_ =	swait.ge [sflag:s20], $0x4000  }
0x65: {  	[sflag:s20] =	ssyncset.done $0x0  }
0x66: {  	s30 =	sadd.s32 $0xA00, s31;
	[sflag:s20] =	ssyncadd.s32 $0xFFFFC000  }
0x67: {  	[tilespmem:s3], [sflag:$0x3] =	stream.linear.gather [hbm4b:s30+s3], $0x100, $0x38;
	[tilespmem:$0x1C200] =	vst v63  }
0x68: {  	_ =	swait.ge [sflag:s20], $0x100  }
0x69: {  	[sflag:s20] =	ssyncset.done $0x0  }
0x6a: {  	[sflag:s20] =	ssyncadd.s32 $0xFFFFFF00  }
0x6b: {  	_ =	swait.ge [sflag:s25], $0x4000  }
0x6c: {  	[sflag:s25] =	ssyncset.done $0x0  }
0x6d: {  	[sflag:s25] =	ssyncadd.s32 $0xFFFFC000  }
0x6e: {  	[tilespmem:s19], [sflag:$0x1] =	stream.indirect.gather [hbm4b:s4+s21], $0x80, s3, s21, $0xb8;
	[tilespmem:$0x1C200] =	vst v63  }
.Ltmp1:
0x6f: {  	_ = 	snop;
	(pc) =	sbr.rel @p0 .LBB2_4-.Ltmp1, $4  }
0x70: {  	_ = 	snop  }
0x71: {  	[spmem:s2] =	stream.indirect.scatter.add.f32 [tilespmem:s24], [sflag:$0x3], $0x80, s26, s21, $0xb8;
	[tilespmem:$0x1C200] =	vst v63  }
0x72: {  	_ =	swait.ge [sflag:s20], $0x4000  }
0x73: {  	s30 =	smov.u32 s1;
	[sflag:s20] =	ssyncset.done $0x0  }
0x74: {  	s1 =	sadd.s32 s29, s18  }
0x75: {  	[sflag:s20] =	ssyncadd.s32 $0xFFFFC000;
	s29 =	sadd.s32 $0x9E0, s1  }
0x76: {  	[tilespmem:s22], [sflag:$0x3] =	stream.linear.gather [hbm4b:s29+s3], $0x100, $0x38;
	[tilespmem:$0x1C200] =	vst v63  }
0x77: {  	_ =	swait.ge [sflag:s20], $0x100  }
0x78: {  	[sflag:s20] =	ssyncset.done $0x0  }
0x79: {  	[sflag:s20] =	ssyncadd.s32 $0xFFFFFF00  }
0x7a: {  	_ =	swait.ge [sflag:s23], $0x4000  }
0x7b: {  	[sflag:s23] =	ssyncset.done $0x0  }
0x7c: {  	[sflag:s23] =	ssyncadd.s32 $0xFFFFC000  }
0x7d: {  	[tilespmem:s24], [sflag:$0x2] =	stream.indirect.gather [hbm4b:s4+s21], $0x80, s22, s21, $0xb8;
	[tilespmem:$0x1C200] =	vst v63  }
0x7e: {  	_ = 	snop  }
0x7f: {  	[spmem:s2] =	stream.indirect.scatter.add.f32 [tilespmem:s19], [sflag:$0x3], $0x80, s21, s21, $0xb8;
	[tilespmem:$0x1C200] =	vst v63  }
0x80: {  	_ =	swait.ge [sflag:s20], $0x4000  }
0x81: {  	[sflag:s20] =	ssyncset.done $0x0  }
0x82: {  	s1 =	sadd.s32 $0xA00, s1;
	[sflag:s20] =	ssyncadd.s32 $0xFFFFC000  }
0x83: {  	[tilespmem:s3], [sflag:$0x3] =	stream.linear.gather [hbm4b:s1+s3], $0x100, $0x38;
	[tilespmem:$0x1C200] =	vst v63  }
0x84: {  	_ =	swait.ge [sflag:s20], $0x100  }
0x85: {  	[sflag:s20] =	ssyncset.done $0x0  }
0x86: {  	[sflag:s20] =	ssyncadd.s32 $0xFFFFFF00  }
0x87: {  	_ =	swait.ge [sflag:s25], $0x4000  }
0x88: {  	[sflag:s25] =	ssyncset.done $0x0  }
0x89: {  	[sflag:s25] =	ssyncadd.s32 $0xFFFFC000  }
0x8a: {  	[tilespmem:s19], [sflag:$0x1] =	stream.indirect.gather [hbm4b:s4+s21], $0x80, s3, s21, $0xb8;
	[tilespmem:$0x1C200] =	vst v63  }
0x8b: {  	_ = 	snop  }
0x8c: {  	[spmem:s2] =	stream.indirect.scatter.add.f32 [tilespmem:s24], [sflag:$0x3], $0x80, s26, s21, $0xb8;
	[tilespmem:$0x1C200] =	vst v63  }
0x8d: {  	_ =	swait.ge [sflag:s20], $0x4000  }
0x8e: {  	[sflag:s20] =	ssyncset.done $0x0  }
0x8f: {  	[sflag:s20] =	ssyncadd.s32 $0xFFFFC000  }
0x90: {  	[tilespmem:s22], [sflag:$0x3] =	stream.linear.gather [hbm4b:s17+s3], $0x100, $0x38;
	[tilespmem:$0x1C200] =	vst v63  }
0x91: {  	_ =	swait.ge [sflag:s20], $0x100  }
0x92: {  	[sflag:s20] =	ssyncset.done $0x0  }
0x93: {  	[sflag:s20] =	ssyncadd.s32 $0xFFFFFF00  }
0x94: {  	_ =	swait.ge [sflag:s23], $0x4000  }
0x95: {  	[sflag:s23] =	ssyncset.done $0x0  }
0x96: {  	[sflag:s23] =	ssyncadd.s32 $0xFFFFC000  }
0x97: {  	[tilespmem:s24], [sflag:$0x2] =	stream.indirect.gather [hbm4b:s4+s21], $0x80, s22, s21, $0xb8;
	[tilespmem:$0x1C200] =	vst v63  }
0x98: {  	_ = 	snop  }
0x99: {  	[spmem:s2] =	stream.indirect.scatter.add.f32 [tilespmem:s19], [sflag:$0x3], $0x80, s21, s21, $0xb8;
	[tilespmem:$0x1C200] =	vst v63  }
0x9a: {  	_ =	swait.ge [sflag:s20], $0x4000  }
0x9b: {  	[sflag:s20] =	ssyncset.done $0x0  }
0x9c: {  	[sflag:s20] =	ssyncadd.s32 $0xFFFFC000  }
0x9d: {  	_ =	swait.ge [sflag:s25], $0x4000  }
0x9e: {  	[sflag:s25] =	ssyncset.done $0x0  }
0x9f: {  	[sflag:s25] =	ssyncadd.s32 $0xFFFFC000  }
0xa0: {  	[spmem:s2] =	stream.indirect.scatter.add.f32 [tilespmem:s24], [sflag:$0x3], $0x80, s26, s21, $0xb8;
	[tilespmem:$0x1C200] =	vst v63  }
0xa1: {  	_ =	swait.ge [sflag:s20], $0x4000  }
0xa2: {  	[sflag:s20] =	ssyncset.done $0x0  }
0xa3: {  	[sflag:s20] =	ssyncadd.s32 $0xFFFFC000  }
0xa4: {  	[bflag:$0x0] =	sbarrier.arrive $0xFFFF  }
0xa5: {  	[tilespmem:s19], [sflag:$0x3] =	stream.linear.gather [spmem:s5], $0x4000, $0x38;
	[tilespmem:$0x1C200] =	vst v63  }
0xa6: {  	_ =	swait.ge [sflag:s20], $0x4000  }
0xa7: {  	[sflag:s20] =	ssyncset.done $0x0  }
0xa8: {  	[sflag:s20] =	ssyncadd.s32 $0xFFFFC000  }
0xa9: {  	[hbm4b:s11+s3] =	stream.linear.scatter [tilespmem:s19], [sflag:$0x3], $0x4000, $0x38;
	[tilespmem:$0x1C200] =	vst v63  }
0xaa: {  	_ =	swait.ge [sflag:s20], $0x4000  }
0xab: {  	[sflag:s20] =	ssyncset.done $0x0  }
0xac: {  	[sflag:s20] =	ssyncadd.s32 $0xFFFFC000  }
0xad: {  	[tilespmem:s19], [sflag:$0x3] =	stream.linear.gather [spmem:s6], $0x4000, $0x38;
	[tilespmem:$0x1C200] =	vst v63  }
0xae: {  	_ =	swait.ge [sflag:s20], $0x4000  }
0xaf: {  	[sflag:s20] =	ssyncset.done $0x0  }
0xb0: {  	[sflag:s20] =	ssyncadd.s32 $0xFFFFC000  }
0xb1: {  	[hbm4b:s12+s3] =	stream.linear.scatter [tilespmem:s19], [sflag:$0x3], $0x4000, $0x38;
	[tilespmem:$0x1C200] =	vst v63  }
0xb2: {  	_ =	swait.ge [sflag:s20], $0x4000  }
0xb3: {  	[sflag:s20] =	ssyncset.done $0x0  }
0xb4: {  	[sflag:s20] =	ssyncadd.s32 $0xFFFFC000  }
0xb5: {  	[tilespmem:s19], [sflag:$0x3] =	stream.linear.gather [spmem:s7], $0x4000, $0x38;
	[tilespmem:$0x1C200] =	vst v63  }
0xb6: {  	_ =	swait.ge [sflag:s20], $0x4000  }
0xb7: {  	[sflag:s20] =	ssyncset.done $0x0  }
0xb8: {  	[sflag:s20] =	ssyncadd.s32 $0xFFFFC000  }
0xb9: {  	[hbm4b:s13+s3] =	stream.linear.scatter [tilespmem:s19], [sflag:$0x3], $0x4000, $0x38;
	[tilespmem:$0x1C200] =	vst v63  }
0xba: {  	_ =	swait.ge [sflag:s20], $0x4000  }
0xbb: {  	[sflag:s20] =	ssyncset.done $0x0  }
0xbc: {  	[sflag:s20] =	ssyncadd.s32 $0xFFFFC000  }
0xbd: {  	[tilespmem:s19], [sflag:$0x3] =	stream.linear.gather [spmem:s8], $0x4000, $0x38;
	[tilespmem:$0x1C200] =	vst v63  }
0xbe: {  	_ =	swait.ge [sflag:s20], $0x4000  }
0xbf: {  	[sflag:s20] =	ssyncset.done $0x0  }
0xc0: {  	[sflag:s20] =	ssyncadd.s32 $0xFFFFC000  }
0xc1: {  	[hbm4b:s14+s3] =	stream.linear.scatter [tilespmem:s19], [sflag:$0x3], $0x4000, $0x38;
	[tilespmem:$0x1C200] =	vst v63  }
0xc2: {  	_ =	swait.ge [sflag:s20], $0x4000  }
0xc3: {  	[sflag:s20] =	ssyncset.done $0x0  }
0xc4: {  	[sflag:s20] =	ssyncadd.s32 $0xFFFFC000  }
0xc5: {  	[tilespmem:s19], [sflag:$0x3] =	stream.linear.gather [spmem:s9], $0x4000, $0x38;
	[tilespmem:$0x1C200] =	vst v63  }
0xc6: {  	s28 =	sadd.s32 $0x1, s28;
	_ =	swait.ge [sflag:s20], $0x4000  }
0xc7: {  	p0 =	sne.s32 s28, s16;
	[sflag:s20] =	ssyncset.done $0x0  }
.Ltmp2:
0xc8: {  	[sflag:s20] =	ssyncadd.s32 $0xFFFFC000;
	(pc) =	sbr.rel @p0 .LBB2_1-.Ltmp2, $4  }
0xc9: {  	[hbm4b:s15+s3] =	stream.linear.scatter [tilespmem:s19], [sflag:$0x3], $0x4000, $0x38;
	[tilespmem:$0x1C200] =	vst v63  }
0xca: {  	_ =	swait.ge [sflag:s20], $0x4000  }
0xcb: {  	[sflag:s20] =	ssyncset.done $0x0  }
0xcc: {  	[sflag:s20] =	ssyncadd.s32 $0xFFFFC000  }
0xcd: {  	_ =	sfence.sel $0x180000  }
0xce: {  	[bflag:$0x0] =	sbarrier.arrive $0xFFFF  }
0xcf: {  	_ =	strace $0x9000004A  }
0xd0: {  	[bflag:$0x2] =	sbarrier.arrive $0xFFFF  }
0xd1: {  	p0 =	sne.s32 s0, $0x0;
	s0 =	rddreg [dreg:$0x2]  }
0xd2: {  	s0 =	sadd.s32 @!p0 $0x100000, s0  }
0xd3: {  	[sflag:s0] =	ssyncadd.tile.s32 @!p0 $0x1;
	_ =	shalt  }
.Lfunc_end2:
_tile_overlayer_lowered:
.L_overlay_start_2:
0xd4: {  	(tag) =	ssettag $0x2  }
0xd5: {  	s0 =	rddreg [dreg:$0x0];
	s2 =	stileid.u32  }
0xd6: {  	s1 =	rddreg [dreg:$0x1];
	p0 =	sne.s32 s2, $0x0  }
0xd7: {  	s3 =	rddreg [dreg:$0x2];
	[bflag:$0x3] =	sbarrier.arrive $0xFFFF;
	s2 =	simm.s32 @!p0 $0x1C03  }
0xd8: {  	[timem:s3], [sflag:s2] =	dma.local @!p0 [hbm:s0], s1  }
0xd9: {  	s0 =	simm.s32 @!p0 $0x3  }
0xda: {  	_ =	swait.ge @!p0 [sflag:s0], s1  }
0xdb: {  	s1 =	ssub.s32 @!p0 $0x0, s1;
	[sflag:s0] =	ssyncset.done @!p0 $0x0  }
0xdc: {  	[sflag:s0] =	ssyncadd.s32 @!p0 s1  }
0xdd: {  	[bflag:$0x3] =	sbarrier.arrive $0xFFFF  }
0xde: {  	_ =	shalt  }

// kernel: kernel.14.cloned.1.call-start
scs
__scs_entry_jumppad:
0x0: {  	(pc) =	sbr.rel $0x88, $3  }
0x1: {  	(tag) =	ssettag $0x0;
	lr =	simm.s32 $0x1  }
0x2: {  	[smem:$0x3F99] =	sst lr;
	_ =	strace $0xD0000000  }
0x3: {  	_ = 	snop  }
0x4: {  	_ = 	snop  }
0x5: {  	_ = 	snop  }
0x6: {  	_ = 	snop  }
0x7: {  	_ = 	snop  }
__scs_overlays_trampoline_lowered:
0x8: {  	[smem:$0x3FA8] =	sst s0  }
0x9: {  	[smem:$0x3FA9] =	sst s1  }
0xa: {  	[smem:$0x3FAA] =	sst s2  }
0xb: {  	[smem:$0x3FAB] =	sst s3  }
0xc: {  	[smem:$0x3FAC] =	sst s4  }
0xd: {  	[smem:$0x3FAD] =	sst s5  }
0xe: {  	[smem:$0x3FAE] =	sst s6  }
0xf: {  	[smem:$0x3FAF] =	sst s7  }
0x10: {  	[smem:$0x3FB0] =	sst s8  }
0x11: {  	[smem:$0x3FB1] =	sst s9;
	s0 =	simm.s32 @!p0 $0x0  }
0x12: {  	s1 =	sld [smem:$0x3F97];
	s0 =	simm.s32 @p0 $0x1  }
0x13: {  	[smem:$0x3FB2] =	sst s0;
	s0 =	simm.s32 @!p1 $0x0  }
0x14: {  	s2 =	sld [smem:$0x3F96];
	s0 =	simm.s32 @p1 $0x1  }
0x15: {  	[smem:$0x3FB3] =	sst s0;
	s0 =	simm.s32 @!p2 $0x0  }
0x16: {  	s3 =	sld [smem:$0x3FDB];
	s0 =	simm.s32 @p2 $0x1  }
0x17: {  	s4 =	simm.s32 $0x1BF5;
	[smem:$0x3FB5] =	sst s0  }
0x18: {  	s0 =	sld [smem:$0x3F98];
	_ =	swait.ge [sflag:s4], $0x0  }
0x19: {  	s7 =	sld [smem:$0x3F99]  }
0x1a: {  	s8 =	sadd.s32 $0xFFFFE003, lr  }
0x1b: {  	s9 =	sadd.s32 $0xFFFFFEF7, lr;
	s5 =	simm.s32 $0xFFFFFFFF;
	p2 =	slt.u32 s8, $0xFFFFF086  }
0x1c: {  	p1 =	slt.u32 s9, $0xF7A;
	s5 =	simm.s32 @!p2 $0x0  }
0x1d: {  	s5 =	simm.s32 @p1 $0x1;
	p0 =	seq.s32 s7, s2  }
0x1e: {  	s7 =	smul.u32 @!p0 $0xF7A, s2;
	p2 =	seq.s32 @!p0 s5, $0x0  }
0x1f: {  	s9 =	smul.u32 $0xF7A, s1;
	s8 =	simm.s32 @!p0 $0x1BF5;
	p2 =	por !p2, p0  }
0x20: {  	[sflag:s8] =	ssyncset.s32 @!p0 $0xFFFFF086;
	s6 =	sadd.s32 @!p0 s3, s7;
	s7 =	simm.s32 @!p0 $0x108  }
0x21: {  	s3 =	sadd.s32 s3, s9;
	s6 =	sadd.s32 @!p0 $0x88, s6;
	s7 =	simm.s32 @p2 $0x1082  }
0x22: {  	[simem:s7], [sflag:s8] =	dma.local @!p0 [hbm:s6], $0xF7A  }
0x23: {  	s9 =	sor.u32 $0xD0000000, s2;
	s6 =	simm.s32 $0x108;
	_ =	swait.ge @!p0 [sflag:s8], $0x0  }
0x24: {  	s3 =	sadd.s32 $0x88, s3;
	s6 =	simm.s32 @!p1 $0x1082;
	[sflag:s4] =	ssyncset.s32 $0xFFFFF086  }
0x25: {  	[simem:s6], [sflag:s4] =	dma.local [hbm:s3], $0xF7A  }
0x26: {  	[smem:$0x3F99] =	sst s1;
	(tag) =	ssettag s2;
	_ =	strace s9  }
0x27: {  	s1 =	sld [smem:$0x3FA9]  }
0x28: {  	s2 =	sld [smem:$0x3FAA]  }
0x29: {  	s4 =	sld [smem:$0x3FAC]  }
0x2a: {  	p0 =	seq.s32 s5, $0x0;
	s5 =	sld [smem:$0x3FAD]  }
0x2b: {  	s6 =	sld [smem:$0x3FAE]  }
0x2c: {  	s7 =	sld [smem:$0x3FAF]  }
0x2d: {  	s3 =	simm.s32 $0x108;
	s8 =	sld [smem:$0x3FB0]  }
0x2e: {  	s3 =	simm.s32 @!p0 $0x1082;
	s9 =	sld [smem:$0x3FB1]  }
0x2f: {  	lr =	sadd.s32 s0, s3;
	s0 =	sld [smem:$0x3FA8]  }
0x30: {  	s3 =	sld [smem:$0x3FAB]  }
0x31: {  	[smem:$0x3FB4] =	sst s10  }
0x32: {  	s10 =	sld [smem:$0x3FB2];
	_ =	sdelay $0x3  }
0x33: {  	p0 =	seq.s32 s10, $0x1;
	s10 =	sld [smem:$0x3FB4];
	_ =	sdelay $0x3  }
0x34: {  	[smem:$0x3FB4] =	sst s10  }
0x35: {  	s10 =	sld [smem:$0x3FB3];
	_ =	sdelay $0x3  }
0x36: {  	p1 =	seq.s32 s10, $0x1;
	s10 =	sld [smem:$0x3FB4];
	_ =	sdelay $0x3  }
0x37: {  	[smem:$0x3FB4] =	sst s10  }
0x38: {  	s10 =	sld [smem:$0x3FB5]  }
0x39: {  	_ = 	snop;
	(pc) =	sbr.ind lr, $3  }
0x3a: {  	_ = 	snop  }
0x3b: {  	_ = 	snop  }
0x3c: {  	p2 =	seq.s32 s10, $0x1;
	s10 =	sld [smem:$0x3FB4]  }
0x3d: {  	_ =	shalt  }
0x3e: {  	_ =	shalt  }
0x3f: {  	_ =	shalt  }
0x40: {  	_ =	shalt  }
0x41: {  	_ =	shalt  }
0x42: {  	_ =	shalt  }
0x43: {  	_ =	shalt  }
0x44: {  	_ =	shalt  }
0x45: {  	_ =	shalt  }
0x46: {  	_ =	shalt  }
0x47: {  	_ =	shalt  }
0x48: {  	_ =	shalt  }
0x49: {  	_ =	shalt  }
0x4a: {  	_ =	shalt  }
0x4b: {  	_ =	shalt  }
0x4c: {  	_ =	shalt  }
0x4d: {  	_ =	shalt  }
0x4e: {  	_ =	shalt  }
0x4f: {  	_ =	shalt  }
0x50: {  	_ =	shalt  }
0x51: {  	_ =	shalt  }
0x52: {  	_ =	shalt  }
0x53: {  	_ =	shalt  }
0x54: {  	_ =	shalt  }
0x55: {  	_ =	shalt  }
0x56: {  	_ =	shalt  }
0x57: {  	_ =	shalt  }
0x58: {  	_ =	shalt  }
0x59: {  	_ =	shalt  }
0x5a: {  	_ =	shalt  }
0x5b: {  	_ =	shalt  }
0x5c: {  	_ =	shalt  }
0x5d: {  	_ =	shalt  }
0x5e: {  	_ =	shalt  }
0x5f: {  	_ =	shalt  }
0x60: {  	_ =	shalt  }
0x61: {  	_ =	shalt  }
0x62: {  	_ =	shalt  }
0x63: {  	_ =	shalt  }
0x64: {  	_ =	shalt  }
0x65: {  	_ =	shalt  }
0x66: {  	_ =	shalt  }
0x67: {  	_ =	shalt  }
0x68: {  	_ =	shalt  }
0x69: {  	_ =	shalt  }
0x6a: {  	_ =	shalt  }
0x6b: {  	_ =	shalt  }
0x6c: {  	_ =	shalt  }
0x6d: {  	_ =	shalt  }
0x6e: {  	_ =	shalt  }
0x6f: {  	_ =	shalt  }
0x70: {  	_ =	shalt  }
0x71: {  	_ =	shalt  }
0x72: {  	_ =	shalt  }
0x73: {  	_ =	shalt  }
0x74: {  	_ =	shalt  }
0x75: {  	_ =	shalt  }
0x76: {  	_ =	shalt  }
0x77: {  	_ =	shalt  }
0x78: {  	_ =	shalt  }
0x79: {  	_ =	shalt  }
0x7a: {  	_ =	shalt  }
0x7b: {  	_ =	shalt  }
0x7c: {  	_ =	shalt  }
0x7d: {  	_ =	shalt  }
0x7e: {  	_ =	shalt  }
0x7f: {  	_ =	shalt  }
0x80: {  	_ =	shalt  }
0x81: {  	_ =	shalt  }
0x82: {  	_ =	shalt  }
0x83: {  	_ =	shalt  }
0x84: {  	_ =	shalt  }
0x85: {  	_ =	shalt  }
0x86: {  	_ =	shalt  }
0x87: {  	_ =	shalt  }
.Lfunc_end0:
.L_simem_size_0:
called_computation.2_lowered:
.L_overlay_start_0:
0x88: {  	s2 =	sld [smem:$0x3FD9]  }
0x89: {  	s3 =	sld [smem:$0x3FFE];
	_ =	sdelay $0x1  }
0x8a: {  	s1 =	srdreg.scid  }
0x8b: {  	s0 =	sand.u32 $0x1, s1  }
0x8c: {  	s16 =	sshll.u32 s0, $0xA;
	s2 =	sadd.s32 s3, s2  }
0x8d: {  	s2 =	sadd.s32 s2, s16  }
0x8e: {  	[smem:$0x3FC0] =	sst s2  }
0x8f: {  	_ = 	snop  }
0x90: {  	(tm) =	ssettm $0x1  }
0x91: {  	s17 =	sld [smem:$0x3FFB];
	_ =	sdelay $0x3  }
0x92: {  	_ =	strace s17  }
0x93: {  	s2 =	sld [smem:$0x3FFC];
	_ =	sdelay $0x3  }
0x94: {  	_ =	strace s2  }
0x95: {  	s2 =	sld [smem:$0x3FFD];
	_ =	sdelay $0x3  }
0x96: {  	_ =	strace s2  }
0x97: {  	_ =	strace $0x8FFFFFFF  }
0x98: {  	s18 =	sld [smem:$0x3FDB];
	_ =	sdelay $0x1  }
0x99: {  	s19 =	simm.s32 $_scs_section_size  }
0x9a: {  	s4 =	simm.s32 $_size__tile_overlayer_lowered;
	s5 =	simm.s32 $_tile_overlayer_lowered  }
0x9b: {  	s22 =	simm.s32 $0x1BFF;
	s21 =	sshll.u32 s5, $0x1;
	s2 =	sadd.s32 s19, s18  }
0x9c: {  	s6 =	simm.s32 $0x0;
	s20 =	sshll.u32 s4, $0x1;
	s4 =	sadd.s32 s21, s2  }
0x9d: {  	[timem:s6], [sflag:s22] =	dma.local [hbm:s4], s20  }
0x9e: {  	_ =	swait.ge [sflag:s22], s20  }
0x9f: {  	s3 =	ssub.s32 $0x0, s20;
	[sflag:s22] =	ssyncset.done $0x0  }
0xa0: {  	[sflag:s22] =	ssyncadd.s32 s3;
	_ =	sdelay $0x1  }
0xa1: {  	s23 =	simm.s32 $0x1B8B  }
0xa2: {  	_ =	swait.ge [sflag:s23], $0x1  }
0xa3: {  	[sflag:s23] =	ssyncset.done $0x0  }
0xa4: {  	s25 =	simm.s32 $0x1B8E;
	s24 =	sld [smem:$0x3FFE];
	[sflag:s23] =	ssyncadd.s32 $0xFFFFFFFF  }
0xa5: {  	s26 =	simm.s32 $execute0_lowered;
	[smem:$0x3FD2] =	sst s25  }
0xa6: {  	s4 =	sshll.u32 s26, $0x1;
	_ =	strace $0x8000004C;
	[dreg:$0x1] =	wrdreg $0xFFFFFFFF  }
0xa7: {  	s28 =	simm.s32 $_size_execute0_lowered;
	s2 =	sadd.s32 s2, s4;
	[dreg:$0x0] =	wrdreg $0x0  }
0xa8: {  	s4 =	sshll.u32 s28, $0x1;
	[dreg:$0x2] =	wrdreg s2  }
0xa9: {  	[dreg:$0x3] =	wrdreg s4  }
0xaa: {  	[dreg:$0x4] =	wrdreg $0xC0  }
0xab: {  	_ =	task [dreg:s6], $0x5FFFF  }
0xac: {  	[dreg:$0x1] =	wrdreg $0xFFFFFFFF  }
0xad: {  	[dreg:$0x0] =	wrdreg $0x60  }
0xae: {  	[dreg:$0x2] =	wrdreg s24  }
0xaf: {  	[dreg:$0x3] =	wrdreg $0x8800  }
0xb0: {  	[dreg:$0x4] =	wrdreg $0x9  }
0xb1: {  	_ =	task.clear_ibuf [dreg:s6], $0x5FFFF;
	_ =	strace $0x9000004C  }
0xb2: {  	s29 =	simm.s32 $0x9;
	_ =	strace $0x8000004E  }
0xb3: {  	_ =	swait.ge [sflag:s29], $0x1  }
0xb4: {  	[sflag:s29] =	ssyncadd.s32 $0xFFFFFFFF  }
0xb5: {  	_ =	strace $0x9000004E  }
0xb6: {  	_ =	sfence  }
0xb7: {  	s30 =	sld [smem:$0x0];
	_ =	sdelay $0x2  }
0xb8: {  	s31 =	sshll.u32 s1, $0xD;
	s1 =	sshrl.u32 s1, $0x2  }
0xb9: {  	s3 =	sand.u32 $0x4000, s31;
	s1 =	sadd.s32 s1, s30  }
0xba: {  	s0 =	sor.u32 s3, s0;
	s1 =	sshll.u32 s1, $0x11  }
0xbb: {  	s0 =	sor.u32 s1, s0  }
0xbc: {  	s0 =	sadd.s32 $0x8F2B, s0  }
0xbd: {  	[sflag:s0] =	ssyncadd.remote.s32 $0x1  }
0xbe: {  	_ =	sfence.sel $0xFFFF  }
0xbf: {  	[dreg:$0x0] =	wrdreg $0xFFFFFFFF;
	(pc) =	sbr.abs _section_cstart, $3  }
0xc0: {  	[dreg:$0x1] =	wrdreg $0xFFFFFFFF  }
0xc1: {  	_ =	task.clear_ibuf [dreg:s6], $0x2FFFF;
	_ =	strace $0x9FFFFFFF  }
0xc2: {  	(tm) =	ssettm $0x7FFFFFFF  }
0xc3: {  	_ =	shalt  }
tec
execute0_lowered:
.L_overlay_start_1:
0x0: {  	(tag) =	ssettag $0x1  }
0x1: {  	s5 =	rddreg [dreg:$0x0]  }
0x2: {  	s2 =	rddreg [dreg:$0x1]  }
0x3: {  	s3 =	srdreg.scid;
	s1 =	stileid.u32;
	s16 =	simm.s32 $0x480  }
0x4: {  	s18 =	simm.s32 $0x500;
	s17 =	simm.s32 $0x200;
	s19 =	simm.s32 $0x300  }
0x5: {  	s20 =	simm.s32 $0x580;
	s22 =	simm.s32 $0x180;
	s6 =	smul.u32 $0x280, s1  }
0x6: {  	s21 =	simm.s32 $0x2;
	s23 =	simm.s32 $0x380;
	s13 =	smul.u32 $0x50, s1  }
0x7: {  	s8 =	sand.u32 $0x1, s3;
	s3 =	simm.s32 $0x0;
	s28 =	smul.u32 $0xA00, s1  }
0x8: {  	s14 =	sadd.s32 $0x1800, s5;
	s4 =	sshll.u32 s8, $0x4;
	s7 =	smul.u32 $0x2800, s8  }
0x9: {  	[smem:$0x7FF] =	sst s3;
	s10 =	ssub.s32 $0x2, s8;
	s11 =	smul.u32 $0x500, s8  }
0xa: {  	s26 =	smul.u32 $0xA000, s8;
	s9 =	sor.u32 s1, s4;
	_ =	strace $0x8000004D  }
0xb: {  	s4 =	sadd.s32 $0x15800, s5;
	s12 =	sshrl.u32 s10, $0x1;
	[dreg:$0x4] =	wrdreg s18  }
0xc: {  	s18 =	simm.s32 $0x1;
	[dreg:$0x5] =	wrdreg s22;
	s22 =	simm.s32 $0x4  }
0xd: {  	[dreg:$0x6] =	wrdreg s23;
	s23 =	simm.s32 $0x0;
	s9 =	smul.u32 $0xA00, s9  }
0xe: {  	s7 =	sadd.s32 s6, s7;
	s10 =	ssub.s32 s10, s12;
	s25 =	sadd.s32 s13, s11  }
0xf: {  	s30 =	sadd.s32 s26, s14;
	s11 =	simm.s32 $0x600;
	s7 =	sshrl.u32 s7, $0x3  }
0x10: {  	s12 =	simm.s32 $0x5;
	s13 =	simm.s32 $0x80;
	s15 =	sadd.s32 s7, s5  }
0x11: {  	s5 =	sadd.s32 s6, s2;
	s6 =	sadd.s32 s14, s9;
	s9 =	sshll.u32 s25, $0x5  }
0x12: {  	s7 =	sadd.s32 $0x20, s6;
	s8 =	sadd.s32 $0x15E00, s15;
	s29 =	sadd.s32 s9, s14  }
0x13: {  	s9 =	smax.u32 s10, $0x1;
	s10 =	sadd.s32 s28, s30;
	s31 =	sadd.s32 $0x60, s29  }
0x14: {  	v0 =	vimm.f32 $0.0e+00;
	s14 =	simm.s32 $0x400;
	s15 =	simm.s32 $0x100;
	[dreg:$0x3] =	wrdreg s31  }
.LBB2_1:
0x15: {  	[tilespmem:$0x600] =	vst v0  }
0x16: {  	[tilespmem:$0x610] =	vst v0  }
0x17: {  	[tilespmem:$0x620] =	vst v0  }
0x18: {  	[tilespmem:$0x630] =	vst v0  }
0x19: {  	[tilespmem:$0x640] =	vst v0  }
0x1a: {  	[tilespmem:$0x650] =	vst v0  }
0x1b: {  	[tilespmem:$0x660] =	vst v0  }
0x1c: {  	[tilespmem:$0x670] =	vst v0  }
0x1d: {  	[tilespmem:$0x680] =	vst v0  }
0x1e: {  	[tilespmem:$0x690] =	vst v0  }
0x1f: {  	[tilespmem:$0x6A0] =	vst v0  }
0x20: {  	[tilespmem:$0x6B0] =	vst v0  }
0x21: {  	[tilespmem:$0x6C0] =	vst v0  }
0x22: {  	[tilespmem:$0x6D0] =	vst v0  }
0x23: {  	[tilespmem:$0x6E0] =	vst v0  }
0x24: {  	[tilespmem:$0x6F0] =	vst v0  }
0x25: {  	[tilespmem:$0x700] =	vst v0  }
0x26: {  	[tilespmem:$0x710] =	vst v0  }
0x27: {  	[tilespmem:$0x720] =	vst v0  }
0x28: {  	[tilespmem:$0x730] =	vst v0  }
0x29: {  	[tilespmem:$0x740] =	vst v0  }
0x2a: {  	[tilespmem:$0x750] =	vst v0  }
0x2b: {  	[tilespmem:$0x760] =	vst v0  }
0x2c: {  	[tilespmem:$0x770] =	vst v0  }
0x2d: {  	[tilespmem:$0x780] =	vst v0  }
0x2e: {  	[tilespmem:$0x790] =	vst v0  }
0x2f: {  	[tilespmem:$0x7A0] =	vst v0  }
0x30: {  	[tilespmem:$0x7B0] =	vst v0  }
0x31: {  	[tilespmem:$0x7C0] =	vst v0  }
0x32: {  	[tilespmem:$0x7D0] =	vst v0  }
0x33: {  	[tilespmem:$0x7E0] =	vst v0  }
0x34: {  	[tilespmem:$0x7F0] =	vst v0  }
0x35: {  	[tilespmem:$0x800] =	vst v0  }
0x36: {  	[tilespmem:$0x810] =	vst v0  }
0x37: {  	[tilespmem:$0x820] =	vst v0  }
0x38: {  	[tilespmem:$0x830] =	vst v0  }
0x39: {  	[tilespmem:$0x840] =	vst v0  }
0x3a: {  	[tilespmem:$0x850] =	vst v0  }
0x3b: {  	[tilespmem:$0x860] =	vst v0  }
0x3c: {  	[tilespmem:$0x870] =	vst v0  }
0x3d: {  	[spmem:s5] =	stream.linear.scatter [tilespmem:s11], [sflag:$0x5], $0x280, $0x38;
	[tilespmem:$0xB00] =	vst v63  }
0x3e: {  	_ =	swait.ge [sflag:s12], $0x280  }
0x3f: {  	[sflag:s12] =	ssyncset.done $0x0  }
0x40: {  	[sflag:s12] =	ssyncadd.s32 $0xFFFFFD80  }
0x41: {  	[bflag:$0x0] =	sbarrier.arrive $0xFFFF  }
0x42: {  	[tilespmem:s3], [sflag:$0x5] =	stream.linear.gather [hbm4b:s6+s3], $0x100, $0x38;
	[tilespmem:$0xB00] =	vst v63  }
0x43: {  	_ =	swait.ge [sflag:s12], $0x100  }
0x44: {  	[sflag:s12] =	ssyncset.done $0x0  }
0x45: {  	[sflag:s12] =	ssyncadd.s32 $0xFFFFFF00  }
0x46: {  	[tilespmem:s14], [sflag:$0x1] =	stream.indirect.gather [hbm4b:s4+s13], $0x1, s3, s13, $0xb8;
	[tilespmem:$0xB00] =	vst v63  }
0x47: {  	_ = 	snop  }
0x48: {  	[tilespmem:s15], [sflag:$0x5] =	stream.linear.gather [hbm4b:s7+s3], $0x100, $0x38;
	[tilespmem:$0xB00] =	vst v63  }
0x49: {  	_ =	swait.ge [sflag:s12], $0x100  }
0x4a: {  	[sflag:s12] =	ssyncset.done $0x0  }
0x4b: {  	s24 =	sadd.s32 $0x0, s10;
	[sflag:s12] =	ssyncadd.s32 $0xFFFFFF00  }
0x4c: {  	[tilespmem:s16], [sflag:$0x2] =	stream.indirect.gather [hbm4b:s4+s13], $0x1, s15, s13, $0xb8;
	[tilespmem:$0xB00] =	vst v63  }
0x4d: {  	s24 =	sadd.s32 $0x40, s24  }
0x4e: {  	[tilespmem:s17], [sflag:$0x5] =	stream.linear.gather [hbm4b:s24+s3], $0x100, $0x38;
	[tilespmem:$0xB00] =	vst v63  }
0x4f: {  	_ =	swait.ge [sflag:s12], $0x100  }
0x50: {  	[sflag:s12] =	ssyncset.done $0x0  }
0x51: {  	s28 =	rddreg [dreg:$0x4];
	[sflag:s12] =	ssyncadd.s32 $0xFFFFFF00  }
0x52: {  	[tilespmem:s28], [sflag:$0x3] =	stream.indirect.gather [hbm4b:s4+s13], $0x1, s17, s13, $0xb8;
	[tilespmem:$0xB00] =	vst v63  }
0x53: {  	_ =	swait.ge [sflag:s18], $0x80  }
0x54: {  	[sflag:s18] =	ssyncset.done $0x0  }
0x55: {  	[sflag:s18] =	ssyncadd.s32 $0xFFFFFF80  }
0x56: {  	[spmem:s2] =	stream.indirect.scatter.add.f32 [tilespmem:s14], [sflag:$0x5], $0x1, s13, s13, $0xb8;
	[tilespmem:$0xB00] =	vst v63  }
0x57: {  	_ =	swait.ge [sflag:s12], $0x80  }
0x58: {  	s29 =	rddreg [dreg:$0x3];
	[sflag:s12] =	ssyncset.done $0x0  }
0x59: {  	[sflag:s12] =	ssyncadd.s32 $0xFFFFFF80;
	s24 =	sadd.s32 $0x0, s29  }
0x5a: {  	[tilespmem:s19], [sflag:$0x5] =	stream.linear.gather [hbm4b:s24+s3], $0x100, $0x38;
	[tilespmem:$0xB00] =	vst v63  }
0x5b: {  	_ =	swait.ge [sflag:s12], $0x100  }
0x5c: {  	[sflag:s12] =	ssyncset.done $0x0  }
0x5d: {  	[sflag:s12] =	ssyncadd.s32 $0xFFFFFF00  }
0x5e: {  	[tilespmem:s20], [sflag:$0x4] =	stream.indirect.gather [hbm4b:s4+s13], $0x1, s19, s13, $0xb8;
	[tilespmem:$0xB00] =	vst v63  }
0x5f: {  	_ =	swait.ge [sflag:s21], $0x80  }
0x60: {  	[sflag:s21] =	ssyncset.done $0x0  }
0x61: {  	s30 =	rddreg [dreg:$0x5];
	[sflag:s21] =	ssyncadd.s32 $0xFFFFFF80  }
0x62: {  	[spmem:s2] =	stream.indirect.scatter.add.f32 [tilespmem:s16], [sflag:$0x5], $0x1, s30, s13, $0xb8;
	[tilespmem:$0xB00] =	vst v63  }
0x63: {  	_ =	swait.ge [sflag:s12], $0x80  }
0x64: {  	p0 =	por $0x0, $0x0;
	[sflag:s12] =	ssyncset.done $0x0  }
0x65: {  	s24 =	simm.s32 @p0 $0x3;
	[sflag:s12] =	ssyncadd.s32 $0xFFFFFF80  }
0x66: {  	_ =	swait.ge @p0 [sflag:s24], $0x80  }
0x67: {  	s25 =	simm.s32 @p0 $0x500;
	s26 =	simm.s32 @p0 $0x5;
	[sflag:s24] =	ssyncset.done @p0 $0x0  }
0x68: {  	s28 =	simm.s32 @p0 $0x280;
	[sflag:s24] =	ssyncadd.s32 @p0 $0xFFFFFF80;
	s24 =	simm.s32 @p0 $0x80  }
0x69: {  	[spmem:s2] =	stream.indirect.scatter.add.f32 @p0 [tilespmem:s25], [sflag:$0x5], $0x1, s28, s24, $0xb8;
	[tilespmem:$0xB00] =	vst v63  }
0x6a: {  	_ =	swait.ge @p0 [sflag:s26], $0x80  }
0x6b: {  	s24 =	sadd.s32 @!p0 $0x0, s10;
	s28 =	simm.s32 @!p0 $0x5;
	[sflag:s26] =	ssyncset.done @p0 $0x0  }
0x6c: {  	s25 =	sadd.s32 @!p0 $0x80, s24;
	[sflag:s26] =	ssyncadd.s32 @p0 $0xFFFFFF80;
	s26 =	simm.s32 @!p0 $0x0  }
0x6d: {  	[tilespmem:s26], [sflag:$0x5] =	stream.linear.gather @!p0 [hbm4b:s25+s26], $0x100, $0x38;
	[tilespmem:$0xB00] =	vst v63  }
0x6e: {  	_ =	swait.ge @!p0 [sflag:s28], $0x100  }
0x6f: {  	s29 =	simm.s32 @!p0 $0x80;
	[sflag:s28] =	ssyncset.done @!p0 $0x0  }
0x70: {  	s30 =	simm.s32 @!p0 $0x400;
	s25 =	simm.s32 @!p0 $0x3;
	[sflag:s28] =	ssyncadd.s32 @!p0 $0xFFFFFF00  }
0x71: {  	[tilespmem:s30], [sflag:$0x1] =	stream.indirect.gather @!p0 [hbm4b:s4+s29], $0x1, s26, s29, $0xb8;
	[tilespmem:$0xB00] =	vst v63  }
0x72: {  	_ =	swait.ge @!p0 [sflag:s25], $0x80  }
0x73: {  	[sflag:s25] =	ssyncset.done @!p0 $0x0  }
0x74: {  	s30 =	simm.s32 @!p0 $0x500;
	[sflag:s25] =	ssyncadd.s32 @!p0 $0xFFFFFF80;
	s25 =	simm.s32 @!p0 $0x280  }
0x75: {  	[spmem:s2] =	stream.indirect.scatter.add.f32 @!p0 [tilespmem:s30], [sflag:$0x5], $0x1, s25, s29, $0xb8;
	[tilespmem:$0xB00] =	vst v63  }
0x76: {  	_ =	swait.ge @!p0 [sflag:s28], $0x80  }
0x77: {  	[sflag:s28] =	ssyncset.done @!p0 $0x0  }
0x78: {  	s24 =	sadd.s32 @!p0 $0xA0, s24;
	s25 =	simm.s32 @!p0 $0x100;
	[sflag:s28] =	ssyncadd.s32 @!p0 $0xFFFFFF80  }
0x79: {  	[tilespmem:s25], [sflag:$0x5] =	stream.linear.gather @!p0 [hbm4b:s24+s26], $0x100, $0x38;
	[tilespmem:$0xB00] =	vst v63  }
0x7a: {  	_ =	swait.ge @!p0 [sflag:s28], $0x100  }
0x7b: {  	[sflag:s28] =	ssyncset.done @!p0 $0x0  }
0x7c: {  	s24 =	simm.s32 @!p0 $0x480;
	[sflag:s28] =	ssyncadd.s32 @!p0 $0xFFFFFF00  }
0x7d: {  	[tilespmem:s24], [sflag:$0x2] =	stream.indirect.gather @!p0 [hbm4b:s4+s29], $0x1, s25, s29, $0xb8;
	[tilespmem:$0xB00] =	vst v63  }
0x7e: {  	_ =	swait.ge [sflag:s22], $0x80  }
0x7f: {  	[sflag:s22] =	ssyncset.done $0x0  }
0x80: {  	s31 =	rddreg [dreg:$0x6];
	[sflag:s22] =	ssyncadd.s32 $0xFFFFFF80  }
0x81: {  	[spmem:s2] =	stream.indirect.scatter.add.f32 [tilespmem:s20], [sflag:$0x5], $0x1, s31, s13, $0xb8;
	[tilespmem:$0xB00] =	vst v63  }
0x82: {  	s26 =	sadd.s32 $0x80, s10;
	_ =	swait.ge [sflag:s12], $0x80  }
0x83: {  	s24 =	simm.s32 $0x80;
	s25 =	simm.s32 $0x100;
	[sflag:s12] =	ssyncset.done $0x0  }
.LBB2_2:
0x84: {  	s28 =	sadd.s32 $0x40, s26;
	[sflag:s12] =	ssyncadd.s32 $0xFFFFFF80  }
0x85: {  	[tilespmem:s17], [sflag:$0x5] =	stream.linear.gather [hbm4b:s28+s3], $0x100, $0x38;
	[tilespmem:$0xB00] =	vst v63  }
0x86: {  	_ =	swait.ge [sflag:s12], $0x100  }
0x87: {  	[sflag:s12] =	ssyncset.done $0x0  }
0x88: {  	s0 =	rddreg [dreg:$0x4];
	[sflag:s12] =	ssyncadd.s32 $0xFFFFFF00  }
0x89: {  	[tilespmem:s0], [sflag:$0x3] =	stream.indirect.gather [hbm4b:s4+s13], $0x1, s17, s13, $0xb8;
	[tilespmem:$0xB00] =	vst v63  }
0x8a: {  	_ =	swait.ge [sflag:s18], $0x80  }
0x8b: {  	[sflag:s18] =	ssyncset.done $0x0  }
0x8c: {  	[sflag:s18] =	ssyncadd.s32 $0xFFFFFF80  }
0x8d: {  	[spmem:s2] =	stream.indirect.scatter.add.f32 [tilespmem:s14], [sflag:$0x5], $0x1, s13, s13, $0xb8;
	[tilespmem:$0xB00] =	vst v63  }
0x8e: {  	_ =	swait.ge [sflag:s12], $0x80  }
0x8f: {  	s29 =	rddreg [dreg:$0x3];
	[sflag:s12] =	ssyncset.done $0x0  }
0x90: {  	[sflag:s12] =	ssyncadd.s32 $0xFFFFFF80;
	s28 =	sadd.s32 s24, s29  }
0x91: {  	[tilespmem:s19], [sflag:$0x5] =	stream.linear.gather [hbm4b:s28+s3], $0x100, $0x38;
	[tilespmem:$0xB00] =	vst v63  }
0x92: {  	_ =	swait.ge [sflag:s12], $0x100  }
0x93: {  	[sflag:s12] =	ssyncset.done $0x0  }
0x94: {  	[sflag:s12] =	ssyncadd.s32 $0xFFFFFF00  }
0x95: {  	[tilespmem:s20], [sflag:$0x4] =	stream.indirect.gather [hbm4b:s4+s13], $0x1, s19, s13, $0xb8;
	[tilespmem:$0xB00] =	vst v63  }
0x96: {  	_ =	swait.ge [sflag:s21], $0x80  }
0x97: {  	[sflag:s21] =	ssyncset.done $0x0  }
0x98: {  	s30 =	rddreg [dreg:$0x5];
	[sflag:s21] =	ssyncadd.s32 $0xFFFFFF80  }
0x99: {  	[spmem:s2] =	stream.indirect.scatter.add.f32 [tilespmem:s16], [sflag:$0x5], $0x1, s30, s13, $0xb8;
	[tilespmem:$0xB00] =	vst v63  }
0x9a: {  	_ =	swait.ge [sflag:s12], $0x80  }
0x9b: {  	p1 =	seq.s32 s24, $0x980;
	[sflag:s12] =	ssyncset.done $0x0  }
0x9c: {  	s31 =	simm.s32 @p1 $0x5;
	s28 =	simm.s32 @p1 $0x3;
	[sflag:s12] =	ssyncadd.s32 $0xFFFFFF80  }
0x9d: {  	s0 =	simm.s32 @p1 $0x280;
	s24 =	sadd.s32 @!p1 s24, s10;
	_ =	swait.ge @p1 [sflag:s28], $0x80  }
0x9e: {  	s29 =	sadd.s32 @!p1 $0x80, s24;
	s30 =	sadd.s32 @!p1 $0xA0, s24;
	[sflag:s28] =	ssyncset.done @p1 $0x0  }
0x9f: {  	s24 =	simm.s32 @p1 $0x500;
	[sflag:s28] =	ssyncadd.s32 @p1 $0xFFFFFF80;
	s28 =	simm.s32 @p1 $0x80  }
0xa0: {  	[spmem:s2] =	stream.indirect.scatter.add.f32 @p1 [tilespmem:s24], [sflag:$0x5], $0x1, s0, s28, $0xb8;
	[tilespmem:$0xB00] =	vst v63  }
0xa1: {  	s26 =	smov.u32 s25;
	_ =	swait.ge @p1 [sflag:s31], $0x80  }
0xa2: {  	s24 =	smov.u32 s26;
	[sflag:s31] =	ssyncset.done @p1 $0x0  }
0xa3: {  	s0 =	simm.s32 @!p1 $0x0;
	s26 =	simm.s32 @!p1 $0x5;
	[sflag:s31] =	ssyncadd.s32 @p1 $0xFFFFFF80  }
0xa4: {  	[tilespmem:s0], [sflag:$0x5] =	stream.linear.gather @!p1 [hbm4b:s29+s0], $0x100, $0x38;
	[tilespmem:$0xB00] =	vst v63  }
0xa5: {  	_ =	swait.ge @!p1 [sflag:s26], $0x100  }
0xa6: {  	s28 =	simm.s32 @!p1 $0x3;
	[sflag:s26] =	ssyncset.done @!p1 $0x0  }
0xa7: {  	s31 =	simm.s32 @!p1 $0x400;
	s29 =	simm.s32 @!p1 $0x80;
	[sflag:s26] =	ssyncadd.s32 @!p1 $0xFFFFFF00  }
0xa8: {  	[tilespmem:s31], [sflag:$0x1] =	stream.indirect.gather @!p1 [hbm4b:s4+s29], $0x1, s0, s29, $0xb8;
	[tilespmem:$0xB00] =	vst v63  }
0xa9: {  	_ =	swait.ge @!p1 [sflag:s28], $0x80  }
0xaa: {  	[sflag:s28] =	ssyncset.done @!p1 $0x0  }
0xab: {  	s31 =	simm.s32 @!p1 $0x500;
	[sflag:s28] =	ssyncadd.s32 @!p1 $0xFFFFFF80;
	s28 =	simm.s32 @!p1 $0x280  }
0xac: {  	[spmem:s2] =	stream.indirect.scatter.add.f32 @!p1 [tilespmem:s31], [sflag:$0x5], $0x1, s28, s29, $0xb8;
	[tilespmem:$0xB00] =	vst v63  }
0xad: {  	_ =	swait.ge @!p1 [sflag:s26], $0x80  }
0xae: {  	[sflag:s26] =	ssyncset.done @!p1 $0x0  }
0xaf: {  	s28 =	simm.s32 @!p1 $0x100;
	[sflag:s26] =	ssyncadd.s32 @!p1 $0xFFFFFF80  }
0xb0: {  	[tilespmem:s28], [sflag:$0x5] =	stream.linear.gather @!p1 [hbm4b:s30+s0], $0x100, $0x38;
	[tilespmem:$0xB00] =	vst v63  }
0xb1: {  	_ =	swait.ge @!p1 [sflag:s26], $0x100  }
0xb2: {  	[sflag:s26] =	ssyncset.done @!p1 $0x0  }
0xb3: {  	s25 =	sadd.s32 $0x80, s25;
	s0 =	simm.s32 @!p1 $0x480;
	[sflag:s26] =	ssyncadd.s32 @!p1 $0xFFFFFF00  }
0xb4: {  	[tilespmem:s0], [sflag:$0x2] =	stream.indirect.gather @!p1 [hbm4b:s4+s29], $0x1, s28, s29, $0xb8;
	[tilespmem:$0xB00] =	vst v63  }
0xb5: {  	p0 =	sne.s32 s25, $0xA00;
	_ =	swait.ge [sflag:s22], $0x80  }
.Ltmp0:
0xb6: {  	[sflag:s22] =	ssyncset.done $0x0;
	(pc) =	sbr.rel @p0 .LBB2_2-.Ltmp0, $4  }
0xb7: {  	s31 =	rddreg [dreg:$0x6];
	[sflag:s22] =	ssyncadd.s32 $0xFFFFFF80  }
0xb8: {  	[spmem:s2] =	stream.indirect.scatter.add.f32 [tilespmem:s20], [sflag:$0x5], $0x1, s31, s13, $0xb8;
	[tilespmem:$0xB00] =	vst v63  }
0xb9: {  	_ =	swait.ge [sflag:s12], $0x80  }
0xba: {  	s26 =	sadd.s32 s24, s10;
	[sflag:s12] =	ssyncset.done $0x0  }
0xbb: {  	s0 =	sadd.s32 $0x40, s26;
	[sflag:s12] =	ssyncadd.s32 $0xFFFFFF80  }
0xbc: {  	[tilespmem:s17], [sflag:$0x5] =	stream.linear.gather [hbm4b:s0+s3], $0x100, $0x38;
	[tilespmem:$0xB00] =	vst v63  }
0xbd: {  	_ =	swait.ge [sflag:s12], $0x100  }
0xbe: {  	[sflag:s12] =	ssyncset.done $0x0  }
0xbf: {  	s28 =	rddreg [dreg:$0x4];
	[sflag:s12] =	ssyncadd.s32 $0xFFFFFF00  }
0xc0: {  	[tilespmem:s28], [sflag:$0x3] =	stream.indirect.gather [hbm4b:s4+s13], $0x1, s17, s13, $0xb8;
	[tilespmem:$0xB00] =	vst v63  }
0xc1: {  	_ =	swait.ge [sflag:s18], $0x80  }
0xc2: {  	[sflag:s18] =	ssyncset.done $0x0  }
0xc3: {  	[sflag:s18] =	ssyncadd.s32 $0xFFFFFF80  }
0xc4: {  	[spmem:s2] =	stream.indirect.scatter.add.f32 [tilespmem:s14], [sflag:$0x5], $0x1, s13, s13, $0xb8;
	[tilespmem:$0xB00] =	vst v63  }
0xc5: {  	_ =	swait.ge [sflag:s12], $0x80  }
0xc6: {  	s29 =	rddreg [dreg:$0x3];
	[sflag:s12] =	ssyncset.done $0x0  }
0xc7: {  	[sflag:s12] =	ssyncadd.s32 $0xFFFFFF80;
	s0 =	sadd.s32 s24, s29  }
0xc8: {  	[tilespmem:s19], [sflag:$0x5] =	stream.linear.gather [hbm4b:s0+s3], $0x100, $0x38;
	[tilespmem:$0xB00] =	vst v63  }
0xc9: {  	_ =	swait.ge [sflag:s12], $0x100  }
0xca: {  	[sflag:s12] =	ssyncset.done $0x0  }
0xcb: {  	[sflag:s12] =	ssyncadd.s32 $0xFFFFFF00  }
0xcc: {  	[tilespmem:s20], [sflag:$0x4] =	stream.indirect.gather [hbm4b:s4+s13], $0x1, s19, s13, $0xb8;
	[tilespmem:$0xB00] =	vst v63  }
0xcd: {  	_ =	swait.ge [sflag:s21], $0x80  }
0xce: {  	[sflag:s21] =	ssyncset.done $0x0  }
0xcf: {  	s30 =	rddreg [dreg:$0x5];
	[sflag:s21] =	ssyncadd.s32 $0xFFFFFF80  }
0xd0: {  	[spmem:s2] =	stream.indirect.scatter.add.f32 [tilespmem:s16], [sflag:$0x5], $0x1, s30, s13, $0xb8;
	[tilespmem:$0xB00] =	vst v63  }
0xd1: {  	_ =	swait.ge [sflag:s12], $0x80  }
0xd2: {  	p0 =	seq.s32 s24, $0x980;
	[sflag:s12] =	ssyncset.done $0x0  }
0xd3: {  	s0 =	simm.s32 @p0 $0x3;
	[sflag:s12] =	ssyncadd.s32 $0xFFFFFF80  }
0xd4: {  	_ =	swait.ge @p0 [sflag:s0], $0x80  }
0xd5: {  	s25 =	simm.s32 @p0 $0x500;
	s26 =	simm.s32 @p0 $0x5;
	[sflag:s0] =	ssyncset.done @p0 $0x0  }
0xd6: {  	s28 =	simm.s32 @p0 $0x280;
	[sflag:s0] =	ssyncadd.s32 @p0 $0xFFFFFF80;
	s0 =	simm.s32 @p0 $0x80  }
0xd7: {  	[spmem:s2] =	stream.indirect.scatter.add.f32 @p0 [tilespmem:s25], [sflag:$0x5], $0x1, s28, s0, $0xb8;
	[tilespmem:$0xB00] =	vst v63  }
0xd8: {  	_ =	swait.ge @p0 [sflag:s26], $0x80  }
0xd9: {  	s0 =	sadd.s32 @!p0 s24, s10;
	s25 =	simm.s32 @!p0 $0x0;
	[sflag:s26] =	ssyncset.done @p0 $0x0  }
0xda: {  	s24 =	sadd.s32 @!p0 $0x80, s0;
	[sflag:s26] =	ssyncadd.s32 @p0 $0xFFFFFF80;
	s26 =	simm.s32 @!p0 $0x5  }
0xdb: {  	[tilespmem:s25], [sflag:$0x5] =	stream.linear.gather @!p0 [hbm4b:s24+s25], $0x100, $0x38;
	[tilespmem:$0xB00] =	vst v63  }
0xdc: {  	_ =	swait.ge @!p0 [sflag:s26], $0x100  }
0xdd: {  	s29 =	simm.s32 @!p0 $0x400;
	[sflag:s26] =	ssyncset.done @!p0 $0x0  }
0xde: {  	s28 =	simm.s32 @!p0 $0x80;
	s24 =	simm.s32 @!p0 $0x3;
	[sflag:s26] =	ssyncadd.s32 @!p0 $0xFFFFFF00  }
0xdf: {  	[tilespmem:s29], [sflag:$0x1] =	stream.indirect.gather @!p0 [hbm4b:s4+s28], $0x1, s25, s28, $0xb8;
	[tilespmem:$0xB00] =	vst v63  }
0xe0: {  	_ =	swait.ge @!p0 [sflag:s24], $0x80  }
0xe1: {  	[sflag:s24] =	ssyncset.done @!p0 $0x0  }
0xe2: {  	s29 =	simm.s32 @!p0 $0x500;
	[sflag:s24] =	ssyncadd.s32 @!p0 $0xFFFFFF80;
	s24 =	simm.s32 @!p0 $0x280  }
0xe3: {  	[spmem:s2] =	stream.indirect.scatter.add.f32 @!p0 [tilespmem:s29], [sflag:$0x5], $0x1, s24, s28, $0xb8;
	[tilespmem:$0xB00] =	vst v63  }
0xe4: {  	_ =	swait.ge @!p0 [sflag:s26], $0x80  }
0xe5: {  	[sflag:s26] =	ssyncset.done @!p0 $0x0  }
0xe6: {  	s0 =	sadd.s32 @!p0 $0xA0, s0;
	s24 =	simm.s32 @!p0 $0x100;
	[sflag:s26] =	ssyncadd.s32 @!p0 $0xFFFFFF80  }
0xe7: {  	[tilespmem:s24], [sflag:$0x5] =	stream.linear.gather @!p0 [hbm4b:s0+s25], $0x100, $0x38;
	[tilespmem:$0xB00] =	vst v63  }
0xe8: {  	_ =	swait.ge @!p0 [sflag:s26], $0x100  }
0xe9: {  	[sflag:s26] =	ssyncset.done @!p0 $0x0  }
0xea: {  	s0 =	simm.s32 @!p0 $0x480;
	[sflag:s26] =	ssyncadd.s32 @!p0 $0xFFFFFF00  }
0xeb: {  	[tilespmem:s0], [sflag:$0x2] =	stream.indirect.gather @!p0 [hbm4b:s4+s28], $0x1, s24, s28, $0xb8;
	[tilespmem:$0xB00] =	vst v63  }
0xec: {  	_ =	swait.ge [sflag:s22], $0x80  }
0xed: {  	[sflag:s22] =	ssyncset.done $0x0  }
0xee: {  	s31 =	rddreg [dreg:$0x6];
	[sflag:s22] =	ssyncadd.s32 $0xFFFFFF80  }
0xef: {  	[spmem:s2] =	stream.indirect.scatter.add.f32 [tilespmem:s20], [sflag:$0x5], $0x1, s31, s13, $0xb8;
	[tilespmem:$0xB00] =	vst v63  }
0xf0: {  	_ =	swait.ge [sflag:s12], $0x80  }
0xf1: {  	[sflag:s12] =	ssyncset.done $0x0  }
0xf2: {  	[sflag:s12] =	ssyncadd.s32 $0xFFFFFF80  }
0xf3: {  	[bflag:$0x0] =	sbarrier.arrive $0xFFFF  }
0xf4: {  	[tilespmem:s11], [sflag:$0x5] =	stream.linear.gather [spmem:s5], $0x280, $0x38;
	[tilespmem:$0xB00] =	vst v63  }
0xf5: {  	s23 =	sadd.s32 $0x1, s23;
	_ =	swait.ge [sflag:s12], $0x280  }
0xf6: {  	p0 =	sne.s32 s23, s9;
	[sflag:s12] =	ssyncset.done $0x0  }
.Ltmp1:
0xf7: {  	[sflag:s12] =	ssyncadd.s32 $0xFFFFFD80;
	(pc) =	sbr.rel @p0 .LBB2_1-.Ltmp1, $4  }
0xf8: {  	[hbm4b:s8+s3] =	stream.linear.scatter [tilespmem:s11], [sflag:$0x5], $0x280, $0x38;
	[tilespmem:$0xB00] =	vst v63  }
0xf9: {  	_ =	swait.ge [sflag:s12], $0x280  }
0xfa: {  	[sflag:s12] =	ssyncset.done $0x0  }
0xfb: {  	[sflag:s12] =	ssyncadd.s32 $0xFFFFFD80  }
0xfc: {  	_ =	sfence.sel $0x180000  }
0xfd: {  	[bflag:$0x0] =	sbarrier.arrive $0xFFFF  }
0xfe: {  	_ =	strace $0x9000004D  }
0xff: {  	[bflag:$0x2] =	sbarrier.arrive $0xFFFF  }
0x100: {  	p0 =	sne.s32 s1, $0x0;
	s0 =	rddreg [dreg:$0x2]  }
0x101: {  	s0 =	sadd.s32 @!p0 $0x100000, s0  }
0x102: {  	[sflag:s0] =	ssyncadd.tile.s32 @!p0 $0x1;
	_ =	shalt  }
.Lfunc_end2:
_tile_overlayer_lowered:
.L_overlay_start_2:
0x103: {  	(tag) =	ssettag $0x2  }
0x104: {  	s0 =	rddreg [dreg:$0x0];
	s2 =	stileid.u32  }
0x105: {  	s1 =	rddreg [dreg:$0x1];
	p0 =	sne.s32 s2, $0x0  }
0x106: {  	s3 =	rddreg [dreg:$0x2];
	[bflag:$0x3] =	sbarrier.arrive $0xFFFF;
	s2 =	simm.s32 @!p0 $0x1C05  }
0x107: {  	[timem:s3], [sflag:s2] =	dma.local @!p0 [hbm:s0], s1  }
0x108: {  	s0 =	simm.s32 @!p0 $0x5  }
0x109: {  	_ =	swait.ge @!p0 [sflag:s0], s1  }
0x10a: {  	s1 =	ssub.s32 @!p0 $0x0, s1;
	[sflag:s0] =	ssyncset.done @!p0 $0x0  }
0x10b: {  	[sflag:s0] =	ssyncadd.s32 @!p0 s1  }
0x10c: {  	[bflag:$0x3] =	sbarrier.arrive $0xFFFF  }
0x10d: {  	_ =	shalt  }

// kernel: kernel.8.cloned.1.call-start
scs
__scs_entry_jumppad:
0x0: {  	(pc) =	sbr.rel $0x88, $3  }
0x1: {  	(tag) =	ssettag $0x0;
	lr =	simm.s32 $0x1  }
0x2: {  	[smem:$0x3F99] =	sst lr;
	_ =	strace $0xD0000000  }
0x3: {  	_ = 	snop  }
0x4: {  	_ = 	snop  }
0x5: {  	_ = 	snop  }
0x6: {  	_ = 	snop  }
0x7: {  	_ = 	snop  }
__scs_overlays_trampoline_lowered:
0x8: {  	[smem:$0x3FA8] =	sst s0  }
0x9: {  	[smem:$0x3FA9] =	sst s1  }
0xa: {  	[smem:$0x3FAA] =	sst s2  }
0xb: {  	[smem:$0x3FAB] =	sst s3  }
0xc: {  	[smem:$0x3FAC] =	sst s4  }
0xd: {  	[smem:$0x3FAD] =	sst s5  }
0xe: {  	[smem:$0x3FAE] =	sst s6  }
0xf: {  	[smem:$0x3FAF] =	sst s7  }
0x10: {  	[smem:$0x3FB0] =	sst s8  }
0x11: {  	[smem:$0x3FB1] =	sst s9;
	s0 =	simm.s32 @!p0 $0x0  }
0x12: {  	s1 =	sld [smem:$0x3F97];
	s0 =	simm.s32 @p0 $0x1  }
0x13: {  	[smem:$0x3FB2] =	sst s0;
	s0 =	simm.s32 @!p1 $0x0  }
0x14: {  	s2 =	sld [smem:$0x3F96];
	s0 =	simm.s32 @p1 $0x1  }
0x15: {  	[smem:$0x3FB3] =	sst s0;
	s0 =	simm.s32 @!p2 $0x0  }
0x16: {  	s3 =	sld [smem:$0x3FDB];
	s0 =	simm.s32 @p2 $0x1  }
0x17: {  	s4 =	simm.s32 $0x1BF5;
	[smem:$0x3FB5] =	sst s0  }
0x18: {  	s0 =	sld [smem:$0x3F98];
	_ =	swait.ge [sflag:s4], $0x0  }
0x19: {  	s7 =	sld [smem:$0x3F99]  }
0x1a: {  	s8 =	sadd.s32 $0xFFFFE003, lr  }
0x1b: {  	s9 =	sadd.s32 $0xFFFFFEF7, lr;
	s5 =	simm.s32 $0xFFFFFFFF;
	p2 =	slt.u32 s8, $0xFFFFF086  }
0x1c: {  	p1 =	slt.u32 s9, $0xF7A;
	s5 =	simm.s32 @!p2 $0x0  }
0x1d: {  	s5 =	simm.s32 @p1 $0x1;
	p0 =	seq.s32 s7, s2  }
0x1e: {  	s7 =	smul.u32 @!p0 $0xF7A, s2;
	p2 =	seq.s32 @!p0 s5, $0x0  }
0x1f: {  	s9 =	smul.u32 $0xF7A, s1;
	s8 =	simm.s32 @!p0 $0x1BF5;
	p2 =	por !p2, p0  }
0x20: {  	[sflag:s8] =	ssyncset.s32 @!p0 $0xFFFFF086;
	s6 =	sadd.s32 @!p0 s3, s7;
	s7 =	simm.s32 @!p0 $0x108  }
0x21: {  	s3 =	sadd.s32 s3, s9;
	s6 =	sadd.s32 @!p0 $0x88, s6;
	s7 =	simm.s32 @p2 $0x1082  }
0x22: {  	[simem:s7], [sflag:s8] =	dma.local @!p0 [hbm:s6], $0xF7A  }
0x23: {  	s9 =	sor.u32 $0xD0000000, s2;
	s6 =	simm.s32 $0x108;
	_ =	swait.ge @!p0 [sflag:s8], $0x0  }
0x24: {  	s3 =	sadd.s32 $0x88, s3;
	s6 =	simm.s32 @!p1 $0x1082;
	[sflag:s4] =	ssyncset.s32 $0xFFFFF086  }
0x25: {  	[simem:s6], [sflag:s4] =	dma.local [hbm:s3], $0xF7A  }
0x26: {  	[smem:$0x3F99] =	sst s1;
	(tag) =	ssettag s2;
	_ =	strace s9  }
0x27: {  	s1 =	sld [smem:$0x3FA9]  }
0x28: {  	s2 =	sld [smem:$0x3FAA]  }
0x29: {  	s4 =	sld [smem:$0x3FAC]  }
0x2a: {  	p0 =	seq.s32 s5, $0x0;
	s5 =	sld [smem:$0x3FAD]  }
0x2b: {  	s6 =	sld [smem:$0x3FAE]  }
0x2c: {  	s7 =	sld [smem:$0x3FAF]  }
0x2d: {  	s3 =	simm.s32 $0x108;
	s8 =	sld [smem:$0x3FB0]  }
0x2e: {  	s3 =	simm.s32 @!p0 $0x1082;
	s9 =	sld [smem:$0x3FB1]  }
0x2f: {  	lr =	sadd.s32 s0, s3;
	s0 =	sld [smem:$0x3FA8]  }
0x30: {  	s3 =	sld [smem:$0x3FAB]  }
0x31: {  	[smem:$0x3FB4] =	sst s10  }
0x32: {  	s10 =	sld [smem:$0x3FB2];
	_ =	sdelay $0x3  }
0x33: {  	p0 =	seq.s32 s10, $0x1;
	s10 =	sld [smem:$0x3FB4];
	_ =	sdelay $0x3  }
0x34: {  	[smem:$0x3FB4] =	sst s10  }
0x35: {  	s10 =	sld [smem:$0x3FB3];
	_ =	sdelay $0x3  }
0x36: {  	p1 =	seq.s32 s10, $0x1;
	s10 =	sld [smem:$0x3FB4];
	_ =	sdelay $0x3  }
0x37: {  	[smem:$0x3FB4] =	sst s10  }
0x38: {  	s10 =	sld [smem:$0x3FB5]  }
0x39: {  	_ = 	snop;
	(pc) =	sbr.ind lr, $3  }
0x3a: {  	_ = 	snop  }
0x3b: {  	_ = 	snop  }
0x3c: {  	p2 =	seq.s32 s10, $0x1;
	s10 =	sld [smem:$0x3FB4]  }
0x3d: {  	_ =	shalt  }
0x3e: {  	_ =	shalt  }
0x3f: {  	_ =	shalt  }
0x40: {  	_ =	shalt  }
0x41: {  	_ =	shalt  }
0x42: {  	_ =	shalt  }
0x43: {  	_ =	shalt  }
0x44: {  	_ =	shalt  }
0x45: {  	_ =	shalt  }
0x46: {  	_ =	shalt  }
0x47: {  	_ =	shalt  }
0x48: {  	_ =	shalt  }
0x49: {  	_ =	shalt  }
0x4a: {  	_ =	shalt  }
0x4b: {  	_ =	shalt  }
0x4c: {  	_ =	shalt  }
0x4d: {  	_ =	shalt  }
0x4e: {  	_ =	shalt  }
0x4f: {  	_ =	shalt  }
0x50: {  	_ =	shalt  }
0x51: {  	_ =	shalt  }
0x52: {  	_ =	shalt  }
0x53: {  	_ =	shalt  }
0x54: {  	_ =	shalt  }
0x55: {  	_ =	shalt  }
0x56: {  	_ =	shalt  }
0x57: {  	_ =	shalt  }
0x58: {  	_ =	shalt  }
0x59: {  	_ =	shalt  }
0x5a: {  	_ =	shalt  }
0x5b: {  	_ =	shalt  }
0x5c: {  	_ =	shalt  }
0x5d: {  	_ =	shalt  }
0x5e: {  	_ =	shalt  }
0x5f: {  	_ =	shalt  }
0x60: {  	_ =	shalt  }
0x61: {  	_ =	shalt  }
0x62: {  	_ =	shalt  }
0x63: {  	_ =	shalt  }
0x64: {  	_ =	shalt  }
0x65: {  	_ =	shalt  }
0x66: {  	_ =	shalt  }
0x67: {  	_ =	shalt  }
0x68: {  	_ =	shalt  }
0x69: {  	_ =	shalt  }
0x6a: {  	_ =	shalt  }
0x6b: {  	_ =	shalt  }
0x6c: {  	_ =	shalt  }
0x6d: {  	_ =	shalt  }
0x6e: {  	_ =	shalt  }
0x6f: {  	_ =	shalt  }
0x70: {  	_ =	shalt  }
0x71: {  	_ =	shalt  }
0x72: {  	_ =	shalt  }
0x73: {  	_ =	shalt  }
0x74: {  	_ =	shalt  }
0x75: {  	_ =	shalt  }
0x76: {  	_ =	shalt  }
0x77: {  	_ =	shalt  }
0x78: {  	_ =	shalt  }
0x79: {  	_ =	shalt  }
0x7a: {  	_ =	shalt  }
0x7b: {  	_ =	shalt  }
0x7c: {  	_ =	shalt  }
0x7d: {  	_ =	shalt  }
0x7e: {  	_ =	shalt  }
0x7f: {  	_ =	shalt  }
0x80: {  	_ =	shalt  }
0x81: {  	_ =	shalt  }
0x82: {  	_ =	shalt  }
0x83: {  	_ =	shalt  }
0x84: {  	_ =	shalt  }
0x85: {  	_ =	shalt  }
0x86: {  	_ =	shalt  }
0x87: {  	_ =	shalt  }
.Lfunc_end0:
.L_simem_size_0:
called_computation_lowered:
.L_overlay_start_0:
0x88: {  	s2 =	sld [smem:$0x3FD9]  }
0x89: {  	s3 =	sld [smem:$0x3FFE];
	_ =	sdelay $0x1  }
0x8a: {  	s1 =	srdreg.scid  }
0x8b: {  	s0 =	sand.u32 $0x1, s1  }
0x8c: {  	s16 =	sshll.u32 s0, $0xA;
	s2 =	sadd.s32 s3, s2  }
0x8d: {  	s2 =	sadd.s32 s2, s16  }
0x8e: {  	[smem:$0x3FC0] =	sst s2  }
0x8f: {  	_ = 	snop  }
0x90: {  	(tm) =	ssettm $0x1  }
0x91: {  	s17 =	sld [smem:$0x3FFB];
	_ =	sdelay $0x3  }
0x92: {  	_ =	strace s17  }
0x93: {  	s2 =	sld [smem:$0x3FFC];
	_ =	sdelay $0x3  }
0x94: {  	_ =	strace s2  }
0x95: {  	s2 =	sld [smem:$0x3FFD];
	_ =	sdelay $0x3  }
0x96: {  	_ =	strace s2  }
0x97: {  	_ =	strace $0x8FFFFFFF  }
0x98: {  	s18 =	sld [smem:$0x3FDB];
	_ =	sdelay $0x1  }
0x99: {  	s19 =	simm.s32 $_scs_section_size  }
0x9a: {  	s4 =	simm.s32 $_size__tile_overlayer_lowered;
	s5 =	simm.s32 $_tile_overlayer_lowered  }
0x9b: {  	s22 =	simm.s32 $0x1BFF;
	s21 =	sshll.u32 s5, $0x1;
	s2 =	sadd.s32 s19, s18  }
0x9c: {  	s6 =	simm.s32 $0x0;
	s20 =	sshll.u32 s4, $0x1;
	s4 =	sadd.s32 s21, s2  }
0x9d: {  	[timem:s6], [sflag:s22] =	dma.local [hbm:s4], s20  }
0x9e: {  	_ =	swait.ge [sflag:s22], s20  }
0x9f: {  	s3 =	ssub.s32 $0x0, s20;
	[sflag:s22] =	ssyncset.done $0x0  }
0xa0: {  	[sflag:s22] =	ssyncadd.s32 s3;
	_ =	sdelay $0x1  }
0xa1: {  	s23 =	simm.s32 $0x1B8B  }
0xa2: {  	_ =	swait.ge [sflag:s23], $0x1  }
0xa3: {  	[sflag:s23] =	ssyncset.done $0x0  }
0xa4: {  	s25 =	simm.s32 $0x1B8E;
	s24 =	sld [smem:$0x3FFE];
	[sflag:s23] =	ssyncadd.s32 $0xFFFFFFFF  }
0xa5: {  	s26 =	simm.s32 $execute0_lowered;
	[smem:$0x3FD2] =	sst s25  }
0xa6: {  	s4 =	sshll.u32 s26, $0x1;
	_ =	strace $0x80000046;
	[dreg:$0x1] =	wrdreg $0xFFFFFFFF  }
0xa7: {  	s28 =	simm.s32 $_size_execute0_lowered;
	s2 =	sadd.s32 s2, s4;
	[dreg:$0x0] =	wrdreg $0x0  }
0xa8: {  	s4 =	sshll.u32 s28, $0x1;
	[dreg:$0x2] =	wrdreg s2  }
0xa9: {  	[dreg:$0x3] =	wrdreg s4  }
0xaa: {  	[dreg:$0x4] =	wrdreg $0xC0  }
0xab: {  	_ =	task [dreg:s6], $0x5FFFF  }
0xac: {  	[dreg:$0x1] =	wrdreg $0xFFFFFFFF  }
0xad: {  	[dreg:$0x0] =	wrdreg $0x60  }
0xae: {  	[dreg:$0x2] =	wrdreg s24  }
0xaf: {  	[dreg:$0x3] =	wrdreg $0x5000  }
0xb0: {  	[dreg:$0x4] =	wrdreg $0x9  }
0xb1: {  	_ =	task.clear_ibuf [dreg:s6], $0x5FFFF;
	_ =	strace $0x90000046  }
0xb2: {  	s29 =	simm.s32 $0x9;
	_ =	strace $0x80000048  }
0xb3: {  	_ =	swait.ge [sflag:s29], $0x1  }
0xb4: {  	[sflag:s29] =	ssyncadd.s32 $0xFFFFFFFF  }
0xb5: {  	_ =	strace $0x90000048  }
0xb6: {  	_ =	sfence  }
0xb7: {  	s30 =	sld [smem:$0x0];
	_ =	sdelay $0x2  }
0xb8: {  	s31 =	sshll.u32 s1, $0xD;
	s1 =	sshrl.u32 s1, $0x2  }
0xb9: {  	s3 =	sand.u32 $0x4000, s31;
	s1 =	sadd.s32 s1, s30  }
0xba: {  	s0 =	sor.u32 s3, s0;
	s1 =	sshll.u32 s1, $0x11  }
0xbb: {  	s0 =	sor.u32 s1, s0  }
0xbc: {  	s0 =	sadd.s32 $0x8F2B, s0  }
0xbd: {  	[sflag:s0] =	ssyncadd.remote.s32 $0x1  }
0xbe: {  	_ =	sfence.sel $0xFFFF  }
0xbf: {  	[dreg:$0x0] =	wrdreg $0xFFFFFFFF;
	(pc) =	sbr.abs _section_cstart, $3  }
0xc0: {  	[dreg:$0x1] =	wrdreg $0xFFFFFFFF  }
0xc1: {  	_ =	task.clear_ibuf [dreg:s6], $0x2FFFF;
	_ =	strace $0x9FFFFFFF  }
0xc2: {  	(tm) =	ssettm $0x7FFFFFFF  }
0xc3: {  	_ =	shalt  }
tec
execute0_lowered:
.L_overlay_start_1:
0x0: {  	(tag) =	ssettag $0x1  }
0x1: {  	s4 =	rddreg [dreg:$0x0]  }
0x2: {  	s2 =	rddreg [dreg:$0x1]  }
0x3: {  	s0 =	rddreg [dreg:$0x2]  }
0x4: {  	s5 =	srdreg.scid;
	s1 =	stileid.u32;
	s3 =	simm.s32 $0x0  }
0x5: {  	s13 =	simm.s32 $0x100;
	s14 =	simm.s32 $0x80;
	s15 =	simm.s32 $0x200  }
0x6: {  	s16 =	simm.s32 $0x2;
	s17 =	simm.s32 $0x180;
	s6 =	smul.u32 $0x280, s1  }
0x7: {  	s18 =	simm.s32 $0x0;
	s5 =	sand.u32 $0x1, s5;
	s12 =	smul.u32 $0xA00, s1  }
0x8: {  	[smem:$0x7FF] =	sst s3;
	s9 =	sadd.s32 $0x1800, s4;
	s7 =	smul.u32 $0x2800, s5  }
0x9: {  	_ =	strace $0x80000047;
	s8 =	sshll.u32 s5, $0x4;
	s10 =	ssub.s32 $0x2, s5  }
0xa: {  	s11 =	smul.u32 $0xA000, s5;
	s8 =	sor.u32 s1, s8;
	s7 =	sadd.s32 s6, s7  }
0xb: {  	s31 =	sshrl.u32 s10, $0x1;
	s8 =	smul.u32 $0xA00, s8;
	s7 =	sshrl.u32 s7, $0x3  }
0xc: {  	s10 =	ssub.s32 s10, s31;
	s7 =	sadd.s32 s7, s4;
	s4 =	sadd.s32 s6, s2  }
0xd: {  	s5 =	sadd.s32 s9, s8;
	s9 =	sadd.s32 s11, s9;
	s11 =	simm.s32 $0x3  }
0xe: {  	s6 =	sadd.s32 $0x15800, s7;
	s7 =	smax.u32 s10, $0x1;
	s8 =	sadd.s32 $0x9E0, s5  }
0xf: {  	v0 =	vimm.f32 $1.000000000e+00;
	v1 =	vimm.f32 $0.0e+00;
	s9 =	sadd.s32 s12, s9;
	s10 =	simm.s32 $0x280;
	s12 =	simm.s32 $0x1  }
.LBB2_1:
0x10: {  	[tilespmem:$0x200] =	vst v0  }
0x11: {  	[tilespmem:$0x210] =	vst v0  }
0x12: {  	[tilespmem:$0x220] =	vst v0  }
0x13: {  	[tilespmem:$0x230] =	vst v0  }
0x14: {  	[tilespmem:$0x240] =	vst v0  }
0x15: {  	[tilespmem:$0x250] =	vst v0  }
0x16: {  	[tilespmem:$0x260] =	vst v0  }
0x17: {  	[tilespmem:$0x270] =	vst v0  }
0x18: {  	[tilespmem:$0x280] =	vst v1  }
0x19: {  	[tilespmem:$0x290] =	vst v1  }
0x1a: {  	[tilespmem:$0x2A0] =	vst v1  }
0x1b: {  	[tilespmem:$0x2B0] =	vst v1  }
0x1c: {  	[tilespmem:$0x2C0] =	vst v1  }
0x1d: {  	[tilespmem:$0x2D0] =	vst v1  }
0x1e: {  	[tilespmem:$0x2E0] =	vst v1  }
0x1f: {  	[tilespmem:$0x2F0] =	vst v1  }
0x20: {  	[tilespmem:$0x300] =	vst v1  }
0x21: {  	[tilespmem:$0x310] =	vst v1  }
0x22: {  	[tilespmem:$0x320] =	vst v1  }
0x23: {  	[tilespmem:$0x330] =	vst v1  }
0x24: {  	[tilespmem:$0x340] =	vst v1  }
0x25: {  	[tilespmem:$0x350] =	vst v1  }
0x26: {  	[tilespmem:$0x360] =	vst v1  }
0x27: {  	[tilespmem:$0x370] =	vst v1  }
0x28: {  	[tilespmem:$0x380] =	vst v1  }
0x29: {  	[tilespmem:$0x390] =	vst v1  }
0x2a: {  	[tilespmem:$0x3A0] =	vst v1  }
0x2b: {  	[tilespmem:$0x3B0] =	vst v1  }
0x2c: {  	[tilespmem:$0x3C0] =	vst v1  }
0x2d: {  	[tilespmem:$0x3D0] =	vst v1  }
0x2e: {  	[tilespmem:$0x3E0] =	vst v1  }
0x2f: {  	[tilespmem:$0x3F0] =	vst v1  }
0x30: {  	[tilespmem:$0x400] =	vst v1  }
0x31: {  	[tilespmem:$0x410] =	vst v1  }
0x32: {  	[tilespmem:$0x420] =	vst v1  }
0x33: {  	[tilespmem:$0x430] =	vst v1  }
0x34: {  	[tilespmem:$0x440] =	vst v1  }
0x35: {  	[tilespmem:$0x450] =	vst v1  }
0x36: {  	[tilespmem:$0x460] =	vst v1  }
0x37: {  	[tilespmem:$0x470] =	vst v1  }
0x38: {  	[tilespmem:$0x480] =	vst v1  }
0x39: {  	[tilespmem:$0x490] =	vst v1  }
0x3a: {  	[tilespmem:$0x4A0] =	vst v1  }
0x3b: {  	[tilespmem:$0x4B0] =	vst v1  }
0x3c: {  	[tilespmem:$0x4C0] =	vst v1  }
0x3d: {  	[tilespmem:$0x4D0] =	vst v1  }
0x3e: {  	[tilespmem:$0x4E0] =	vst v1  }
0x3f: {  	[tilespmem:$0x4F0] =	vst v1  }
0x40: {  	[spmem:s4] =	stream.linear.scatter [tilespmem:s10], [sflag:$0x3], $0x280, $0x38;
	[tilespmem:$0x780] =	vst v63  }
0x41: {  	_ =	swait.ge [sflag:s11], $0x280  }
0x42: {  	[sflag:s11] =	ssyncset.done $0x0  }
0x43: {  	[sflag:s11] =	ssyncadd.s32 $0xFFFFFD80  }
0x44: {  	[bflag:$0x0] =	sbarrier.arrive $0xFFFF  }
0x45: {  	[tilespmem:s3], [sflag:$0x1] =	stream.linear.gather [hbm4b:s5+s3], $0x100, $0x38;
	[tilespmem:$0x780] =	vst v63  }
0x46: {  	_ =	swait.ge [sflag:s12], $0x100  }
0x47: {  	s19 =	sadd.s32 $0xFFFFF640, s9;
	[sflag:s12] =	ssyncset.done $0x0  }
0x48: {  	s20 =	sadd.s32 $0x9E0, s19;
	[sflag:s12] =	ssyncadd.s32 $0xFFFFFF00  }
0x49: {  	[tilespmem:s13], [sflag:$0x2] =	stream.linear.gather [hbm4b:s20+s3], $0x100, $0x38;
	[tilespmem:$0x780] =	vst v63  }
0x4a: {  	_ = 	snop  }
0x4b: {  	[spmem:s2] =	stream.indirect.scatter.add.f32 [tilespmem:s15], [sflag:$0x3], $0x1, s14, s14, $0xb8;
	[tilespmem:$0x780] =	vst v63  }
0x4c: {  	_ =	swait.ge [sflag:s11], $0x80  }
0x4d: {  	[sflag:s11] =	ssyncset.done $0x0  }
0x4e: {  	[sflag:s11] =	ssyncadd.s32 $0xFFFFFF80  }
0x4f: {  	_ =	swait.ge [sflag:s16], $0x100  }
0x50: {  	[sflag:s16] =	ssyncset.done $0x0  }
0x51: {  	s19 =	sadd.s32 $0xA00, s19;
	[sflag:s16] =	ssyncadd.s32 $0xFFFFFF00  }
0x52: {  	[tilespmem:s3], [sflag:$0x1] =	stream.linear.gather [hbm4b:s19+s3], $0x100, $0x38;
	[tilespmem:$0x780] =	vst v63  }
0x53: {  	_ = 	snop  }
0x54: {  	[spmem:s2] =	stream.indirect.scatter.add.f32 [tilespmem:s15], [sflag:$0x3], $0x1, s17, s14, $0xb8;
	[tilespmem:$0x780] =	vst v63  }
0x55: {  	_ =	swait.ge [sflag:s11], $0x80  }
0x56: {  	s19 =	simm.s32 $0xFFFFF680;
	[sflag:s11] =	ssyncset.done $0x0  }
.LBB2_2:
0x57: {  	p0 =	sne.s32 s19, $0xFFFFFFC0  }
0x58: {  	[sflag:s11] =	ssyncadd.s32 $0xFFFFFF80;
	s20 =	smov.u32 s19;
	s19 =	sadd.s32 $0x40, s19  }
0x59: {  	_ = 	snop  }
0x5a: {  	_ =	swait.ge [sflag:s12], $0x100  }
0x5b: {  	s20 =	sadd.s32 s20, s9;
	[sflag:s12] =	ssyncset.done $0x0  }
0x5c: {  	s21 =	sadd.s32 $0x9E0, s20;
	[sflag:s12] =	ssyncadd.s32 $0xFFFFFF00  }
0x5d: {  	[tilespmem:s13], [sflag:$0x2] =	stream.linear.gather [hbm4b:s21+s3], $0x100, $0x38;
	[tilespmem:$0x780] =	vst v63  }
0x5e: {  	_ = 	snop  }
0x5f: {  	[spmem:s2] =	stream.indirect.scatter.add.f32 [tilespmem:s15], [sflag:$0x3], $0x1, s14, s14, $0xb8;
	[tilespmem:$0x780] =	vst v63  }
0x60: {  	_ =	swait.ge [sflag:s11], $0x80  }
0x61: {  	[sflag:s11] =	ssyncset.done $0x0  }
0x62: {  	[sflag:s11] =	ssyncadd.s32 $0xFFFFFF80  }
0x63: {  	_ =	swait.ge [sflag:s16], $0x100  }
0x64: {  	[sflag:s16] =	ssyncset.done $0x0  }
0x65: {  	s20 =	sadd.s32 $0xA00, s20;
	[sflag:s16] =	ssyncadd.s32 $0xFFFFFF00  }
0x66: {  	[tilespmem:s3], [sflag:$0x1] =	stream.linear.gather [hbm4b:s20+s3], $0x100, $0x38;
	[tilespmem:$0x780] =	vst v63  }
.Ltmp0:
0x67: {  	_ = 	snop;
	(pc) =	sbr.rel @p0 .LBB2_2-.Ltmp0, $4  }
0x68: {  	_ = 	snop  }
0x69: {  	[spmem:s2] =	stream.indirect.scatter.add.f32 [tilespmem:s15], [sflag:$0x3], $0x1, s17, s14, $0xb8;
	[tilespmem:$0x780] =	vst v63  }
0x6a: {  	_ =	swait.ge [sflag:s11], $0x80  }
0x6b: {  	[sflag:s11] =	ssyncset.done $0x0  }
0x6c: {  	[sflag:s11] =	ssyncadd.s32 $0xFFFFFF80  }
0x6d: {  	_ =	swait.ge [sflag:s12], $0x100  }
0x6e: {  	[sflag:s12] =	ssyncset.done $0x0  }
0x6f: {  	[sflag:s12] =	ssyncadd.s32 $0xFFFFFF00  }
0x70: {  	[tilespmem:s13], [sflag:$0x2] =	stream.linear.gather [hbm4b:s8+s3], $0x100, $0x38;
	[tilespmem:$0x780] =	vst v63  }
0x71: {  	_ = 	snop  }
0x72: {  	[spmem:s2] =	stream.indirect.scatter.add.f32 [tilespmem:s15], [sflag:$0x3], $0x1, s14, s14, $0xb8;
	[tilespmem:$0x780] =	vst v63  }
0x73: {  	_ =	swait.ge [sflag:s11], $0x80  }
0x74: {  	[sflag:s11] =	ssyncset.done $0x0  }
0x75: {  	[sflag:s11] =	ssyncadd.s32 $0xFFFFFF80  }
0x76: {  	_ =	swait.ge [sflag:s16], $0x100  }
0x77: {  	[sflag:s16] =	ssyncset.done $0x0  }
0x78: {  	[sflag:s16] =	ssyncadd.s32 $0xFFFFFF00  }
0x79: {  	[spmem:s2] =	stream.indirect.scatter.add.f32 [tilespmem:s15], [sflag:$0x3], $0x1, s17, s14, $0xb8;
	[tilespmem:$0x780] =	vst v63  }
0x7a: {  	_ =	swait.ge [sflag:s11], $0x80  }
0x7b: {  	[sflag:s11] =	ssyncset.done $0x0  }
0x7c: {  	[sflag:s11] =	ssyncadd.s32 $0xFFFFFF80  }
0x7d: {  	[bflag:$0x0] =	sbarrier.arrive $0xFFFF  }
0x7e: {  	[tilespmem:s10], [sflag:$0x3] =	stream.linear.gather [spmem:s4], $0x280, $0x38;
	[tilespmem:$0x780] =	vst v63  }
0x7f: {  	s18 =	sadd.s32 $0x1, s18;
	_ =	swait.ge [sflag:s11], $0x280  }
0x80: {  	p0 =	sne.s32 s18, s7;
	[sflag:s11] =	ssyncset.done $0x0  }
.Ltmp1:
0x81: {  	[sflag:s11] =	ssyncadd.s32 $0xFFFFFD80;
	(pc) =	sbr.rel @p0 .LBB2_1-.Ltmp1, $4  }
0x82: {  	[hbm4b:s6+s3] =	stream.linear.scatter [tilespmem:s10], [sflag:$0x3], $0x280, $0x38;
	[tilespmem:$0x780] =	vst v63  }
0x83: {  	_ =	swait.ge [sflag:s11], $0x280  }
0x84: {  	[sflag:s11] =	ssyncset.done $0x0  }
0x85: {  	[sflag:s11] =	ssyncadd.s32 $0xFFFFFD80  }
0x86: {  	_ =	sfence.sel $0x180000  }
0x87: {  	[bflag:$0x0] =	sbarrier.arrive $0xFFFF  }
0x88: {  	p0 =	sne.s32 s1, $0x0;
	_ =	strace $0x90000047  }
0x89: {  	s0 =	sadd.s32 @!p0 $0x100000, s0;
	[bflag:$0x2] =	sbarrier.arrive $0xFFFF  }
0x8a: {  	[sflag:s0] =	ssyncadd.tile.s32 @!p0 $0x1;
	_ =	shalt  }
.Lfunc_end2:
_tile_overlayer_lowered:
.L_overlay_start_2:
0x8b: {  	(tag) =	ssettag $0x2  }
0x8c: {  	s0 =	rddreg [dreg:$0x0];
	s2 =	stileid.u32  }
0x8d: {  	s1 =	rddreg [dreg:$0x1];
	p0 =	sne.s32 s2, $0x0  }
0x8e: {  	s3 =	rddreg [dreg:$0x2];
	[bflag:$0x3] =	sbarrier.arrive $0xFFFF;
	s2 =	simm.s32 @!p0 $0x1C03  }
0x8f: {  	[timem:s3], [sflag:s2] =	dma.local @!p0 [hbm:s0], s1  }
0x90: {  	s0 =	simm.s32 @!p0 $0x3  }
0x91: {  	_ =	swait.ge @!p0 [sflag:s0], s1  }
0x92: {  	s1 =	ssub.s32 @!p0 $0x0, s1;
	[sflag:s0] =	ssyncset.done @!p0 $0x0  }
0x93: {  	[sflag:s0] =	ssyncadd.s32 @!p0 s1  }
0x94: {  	[bflag:$0x3] =	sbarrier.arrive $0xFFFF  }
0x95: {  	_ =	shalt  }

</sc_bundles>
